<compile_context>
chip_gen: v7x
topology: tpu7x:2x2x1
jax: 0.10.2.dev20260603
libtpu: 0.0.44.dev20260713+nightly
codegen_flags: <defaults>
</compile_context>

<pallas_src>
import functools

import jax
import jax.numpy as jnp
from jax import lax
from jax.experimental import pallas as pl
from jax.experimental.pallas import tpu as pltpu
from jax.experimental.pallas import tpu_sc as plsc

_NC = 2
_NS = 16
_BER = 128000
_BEN = 25600
_HI = lax.Precision.HIGHEST


def _sc_edge_weights(E, N):
    NW = _NC * _NS
    ept_h = E // _NS
    ept = E // NW
    ch = 8000
    cp = 4000
    nh = ept_h // ch
    np2 = ept // cp
    npad = -(-N // (16 * _NS)) * (16 * _NS)
    sl = npad // _NS

    mesh = plsc.VectorSubcoreMesh(core_axis_name="c", subcore_axis_name="s",
                                  num_cores=_NC, num_subcores=_NS)

    @functools.partial(
        pl.kernel,
        out_type=jax.ShapeDtypeStruct((3 * E,), jnp.float32),
        mesh=mesh,
        compiler_params=pltpu.CompilerParams(needs_layout_passes=False),
        scratch_types=[
            pltpu.VMEM((3 * N,), jnp.float32),
            pltpu.VMEM((npad,), jnp.float32),
            pltpu.VMEM((ch,), jnp.int32),
            pltpu.VMEM((ch,), jnp.int32),
            pltpu.VMEM((ch,), jnp.float32),
            pltpu.VMEM((cp,), jnp.int32),
            pltpu.VMEM((cp,), jnp.int32),
            pltpu.VMEM((cp,), jnp.int32),
            pltpu.VMEM((cp,), jnp.int32),
            pltpu.VMEM((3 * cp,), jnp.float32),
            pltpu.VMEM((3 * cp,), jnp.float32),
            pltpu.VMEM((sl,), jnp.float32),
            pltpu.VMEM_SHARED((npad,), jnp.float32),
            pltpu.SemaphoreType.DMA,
            pltpu.SemaphoreType.DMA,
            pltpu.SemaphoreType.DMA,
            pltpu.SemaphoreType.DMA,
            pltpu.SemaphoreType.DMA,
        ],
    )
    def sc_k(ei_hbm, xt_hbm, a_hbm,
             xloc, invloc, hb0, hb1, ones, sb0, sb1, db0, db1, ob0, ob1,
             tmp, cnt_sh, sx, si0, si1, so0, so1):
        sid = lax.axis_index("s")
        cid = lax.axis_index("c")
        wid = sid * _NC + cid
        hbuf = [hb0, hb1]
        sbuf = [sb0, sb1]
        dbuf = [db0, db1]
        obuf = [ob0, ob1]
        sin = [si0, si1]
        sout = [so0, so1]

        xd = pltpu.async_copy(xt_hbm, xloc, sx)

        for i in range(sl // 16):
            tmp[pl.ds(16 * i, 16)] = jnp.zeros((16,), jnp.float32)
        pltpu.sync_copy(tmp, cnt_sh.at[pl.ds(sid * sl, sl)])

        def fill_ones(i, c):
            ones[pl.ds(16 * i, 16)] = jnp.full((16,), 1.0, jnp.float32)
            return c
        lax.fori_loop(0, ch // 16, fill_ones, 0)
        plsc.subcore_barrier()

        hbase = E + sid * ept_h
        din = {0: pltpu.async_copy(ei_hbm.at[pl.ds(hbase, ch)], hb0, si0)}
        dsc = {}
        for c in range(nh):
            din[c].wait()
            if c + 1 < nh:
                if c >= 1:
                    dsc[c - 1].wait()
                din[c + 1] = pltpu.async_copy(
                    ei_hbm.at[pl.ds(hbase + (c + 1) * ch, ch)],
                    hbuf[(c + 1) % 2], sin[(c + 1) % 2])
            dsc[c] = pltpu.async_copy(ones, cnt_sh.at[hbuf[c % 2]],
                                      sout[c % 2], add=True)
        dsc[nh - 2].wait()
        dsc[nh - 1].wait()
        plsc.subcore_barrier()

        pltpu.sync_copy(cnt_sh.at[pl.ds(sid * sl, sl)], tmp)
        for i in range(sl // 16):
            v = tmp[pl.ds(16 * i, 16)]
            tmp[pl.ds(16 * i, 16)] = 1.0 / jnp.maximum(v, 1.0)
        pltpu.sync_copy(tmp, cnt_sh.at[pl.ds(sid * sl, sl)])
        plsc.subcore_barrier()

        pltpu.sync_copy(cnt_sh, invloc)
        xd.wait()

        base = wid * ept
        ds_in = {}
        ds_out = {}

        def start_in(c):
            off = base + c * cp
            s = pltpu.async_copy(ei_hbm.at[pl.ds(off, cp)],
                                 sbuf[c % 2], sin[c % 2])
            d = pltpu.async_copy(ei_hbm.at[pl.ds(E + off, cp)],
                                 dbuf[c % 2], sin[c % 2])
            ds_in[c] = (s, d)

        start_in(0)
        for c in range(np2):
            for d in ds_in.pop(c):
                d.wait()
            if c + 1 < np2:
                start_in(c + 1)
            ob = obuf[c % 2]
            sb = sbuf[c % 2]
            db = dbuf[c % 2]
            if c >= 2:
                for d in ds_out.pop(c - 2):
                    d.wait()

            def grp(j, carry):
                s_v = sb[pl.ds(j * 16, 16)]
                d_v = db[pl.ds(j * 16, 16)]
                inv_v = plsc.load_gather(invloc, [d_v])
                ob[pl.ds(j * 16, 16)] = (
                    plsc.load_gather(xloc, [s_v]) * inv_v)
                ob[pl.ds(cp + j * 16, 16)] = (
                    plsc.load_gather(xloc, [s_v + N]) * inv_v)
                ob[pl.ds(2 * cp + j * 16, 16)] = (
                    plsc.load_gather(xloc, [s_v + 2 * N]) * inv_v)
                return carry
            lax.fori_loop(0, cp // 16, grp, 0)
            off = base + c * cp
            ds_out[c] = (
                pltpu.async_copy(ob.at[pl.ds(0, cp)],
                                 a_hbm.at[pl.ds(off, cp)], sout[c % 2]),
                pltpu.async_copy(ob.at[pl.ds(cp, cp)],
                                 a_hbm.at[pl.ds(E + off, cp)], sout[c % 2]),
                pltpu.async_copy(ob.at[pl.ds(2 * cp, cp)],
                                 a_hbm.at[pl.ds(2 * E + off, cp)],
                                 sout[c % 2]),
            )
        for c in sorted(ds_out):
            for d in ds_out[c]:
                d.wait()

    return sc_k


def _reduce_head_body(ea, a0, a1, a2, w1t, b1c, w2t, b2c, w3te, b3ce,
                      w4at, w4bt, w4ct, b4t, xt, roott, cbc,
                      f1wt, f1bc, g1c, be1c, m1c, v1c,
                      f2wt, f2bc, g2c, be2c, m2c, v2c, f3wt, f3bc,
                      y_out, x2_out, acc0):
    i = pl.program_id(0)

    @pl.when(i == 0)
    def _init():
        acc0[...] = jnp.zeros_like(acc0)

    h = jnp.maximum(jnp.dot(w1t[...], ea[...],
                            preferred_element_type=jnp.float32) + b1c[...],
                    0.0)
    h = jnp.maximum(jnp.dot(w2t[...], h,
                            preferred_element_type=jnp.float32) + b2c[...],
                    0.0)
    h = jnp.maximum(jnp.dot(w3te[...], h,
                            preferred_element_type=jnp.float32) + b3ce[...],
                    0.0)
    at = jnp.concatenate([a0[...].reshape(1, -1), a1[...].reshape(1, -1),
                          a2[...].reshape(1, -1)], axis=0)
    acc0[...] += lax.dot_general(h, at, (((1,), (1,)), ((), ())),
                                 preferred_element_type=jnp.float32)

    @pl.when(i == pl.num_programs(0) - 1)
    def _fin():
        n_nodes = x2_out.shape[1]
        g = acc0[...]
        g3t = g[0:20, :]
        s3t = g[20:21, :]
        msg = (jnp.dot(w4at[...], g3t[:, 0:1], precision=_HI,
                       preferred_element_type=jnp.float32)
               + jnp.dot(w4bt[...], g3t[:, 1:2], precision=_HI,
                         preferred_element_type=jnp.float32)
               + jnp.dot(w4ct[...], g3t[:, 2:3], precision=_HI,
                         preferred_element_type=jnp.float32)
               + s3t[0:1, 0:1] * b4t[:, 0:1]
               + s3t[0:1, 1:2] * b4t[:, 1:2]
               + s3t[0:1, 2:3] * b4t[:, 2:3])
        xmean = jnp.sum(xt[...], axis=1, keepdims=True) * (1.0 / n_nodes)
        xm = (msg * (1.0 / n_nodes)
              + jnp.dot(roott[...], xmean, precision=_HI,
                        preferred_element_type=jnp.float32)
              + cbc[...])
        t = jnp.dot(f1wt[...], xm, precision=_HI,
                    preferred_element_type=jnp.float32) + f1bc[...]
        t = (t - m1c[...]) / jnp.sqrt(v1c[...] + 1e-5) * g1c[...] + be1c[...]
        t = jnp.maximum(t, 0.0)
        t = jnp.dot(f2wt[...], t, precision=_HI,
                    preferred_element_type=jnp.float32) + f2bc[...]
        t = (t - m2c[...]) / jnp.sqrt(v2c[...] + 1e-5) * g2c[...] + be2c[...]
        t = jnp.maximum(t, 0.0)
        y = jnp.dot(f3wt[...], t, precision=_HI,
                    preferred_element_type=jnp.float32) + f3bc[...]
        y_out[...] = y
        x2_out[...] = jnp.broadcast_to(y, x2_out.shape)


def _nea_body(ea, yc, out):
    out[...] = jnp.concatenate(
        [ea[...], jnp.broadcast_to(yc[...], (50, ea.shape[1]))], axis=0)


def _full(shape):
    return pl.BlockSpec(shape, lambda i: tuple(0 for _ in shape))


def kernel(x, edge_index, edge_attr, W1, b1, W2, b2, W3, b3, W4, b4,
           root, conv_bias, F1w, F1b, bn1g, bn1b, bn1m, bn1v,
           F2w, F2b, bn2g, bn2b, bn2m, bn2v, F3w, F3b):
    N, IC = x.shape
    E = edge_attr.shape[0]
    L = root.shape[1]

    xt = jnp.swapaxes(x, 0, 1)
    eat = jnp.swapaxes(edge_attr, 0, 1)

    a_flat = _sc_edge_weights(E, N)(edge_index.reshape(-1), xt.reshape(-1))

    w3te = jnp.concatenate([W3.T, jnp.zeros((1, 20))], axis=0)
    b3ce = jnp.concatenate([b3, jnp.ones((1,))])[:, None]

    grid = E // _BER
    nb = grid

    y, x2t = pl.pallas_call(
        _reduce_head_body,
        grid=(grid,),
        in_specs=[
            pl.BlockSpec((12, _BER), lambda i: (0, i)),
            pl.BlockSpec((_BER,), lambda i: (i,)),
            pl.BlockSpec((_BER,), lambda i: (nb + i,)),
            pl.BlockSpec((_BER,), lambda i: (2 * nb + i,)),
            _full((20, 12)), _full((20, 1)),
            _full((20, 20)), _full((20, 1)),
            _full((21, 20)), _full((21, 1)),
            _full((L, 20)), _full((L, 20)), _full((L, 20)), _full((L, IC)),
            _full((IC, N)), _full((L, IC)), _full((L, 1)),
            _full((L, L)), _full((L, 1)), _full((L, 1)), _full((L, 1)),
            _full((L, 1)), _full((L, 1)),
            _full((L, L)), _full((L, 1)), _full((L, 1)), _full((L, 1)),
            _full((L, 1)), _full((L, 1)),
            _full((L, L)), _full((L, 1)),
        ],
        out_specs=[
            pl.BlockSpec((L, 1), lambda i: (0, 0)),
            pl.BlockSpec((L, N), lambda i: (0, 0)),
        ],
        out_shape=[
            jax.ShapeDtypeStruct((L, 1), jnp.float32),
            jax.ShapeDtypeStruct((L, N), jnp.float32),
        ],
        scratch_shapes=[pltpu.VMEM((21, 3), jnp.float32)],
    )(eat, a_flat, a_flat, a_flat, W1.T, b1[:, None], W2.T, b2[:, None],
      w3te, b3ce,
      W4[:, 0:L].T, W4[:, L:2 * L].T, W4[:, 2 * L:3 * L].T,
      b4.reshape(IC, L).T,
      xt, root.T, conv_bias[:, None],
      F1w.T, F1b[:, None], bn1g[:, None], bn1b[:, None], bn1m[:, None],
      bn1v[:, None],
      F2w.T, F2b[:, None], bn2g[:, None], bn2b[:, None], bn2m[:, None],
      bn2v[:, None],
      F3w.T, F3b[:, None])

    eat6 = lax.slice(eat, (0, 0), (6, E))
    neat = pl.pallas_call(
        _nea_body,
        grid=(E // _BEN,),
        in_specs=[
            pl.BlockSpec((6, _BEN), lambda i: (0, i)),
            pl.BlockSpec((L, 1), lambda i: (0, 0)),
        ],
        out_specs=pl.BlockSpec((6 + L, _BEN), lambda i: (0, i)),
        out_shape=jax.ShapeDtypeStruct((6 + L, E), jnp.float32),
    )(eat6, y)

    return (jnp.swapaxes(x2t, 0, 1), jnp.swapaxes(neat, 0, 1),
            jnp.swapaxes(y, 0, 1))

# --- scband reference (transcript-rebuilt; emitter-appended) ---
"""Pipeline reference for scband-gnoenc-69140383531669 (READ-ONLY COPY).

The authoritative reference and input builder live on the scoring server;
editing this copy changes nothing except your own understanding.
"""

import jax, jax.numpy as jnp
import numpy as np

N = 10000
E = 640000
IN_CH = 3
LATENT = 50


def _lin(k, i, o):
    kw, kb = jax.random.split(k)
    s = 1.0 / np.sqrt(i)
    W = jax.random.uniform(kw, (i, o), jnp.float32, -s, s)
    b = jax.random.uniform(kb, (o,), jnp.float32, -s, s)
    return W, b


def setup_inputs(seed: int = 0):
    key = jax.random.key(seed)
    ks = jax.random.split(key, 12)
    x = jax.random.normal(ks[0], (N, IN_CH), jnp.float32)
    edge_index = jax.random.randint(ks[1], (2, E), 0, N, dtype=jnp.int32)
    edge_attr = jax.random.normal(ks[2], (E, 12), jnp.float32)
    W1, b1 = _lin(ks[3], 12, 20)
    W2, b2 = _lin(ks[4], 20, 20)
    W3, b3 = _lin(ks[5], 20, 20)
    W4, b4 = _lin(ks[6], 20, IN_CH * LATENT)
    s = 1.0 / np.sqrt(IN_CH)
    root = jax.random.uniform(ks[7], (IN_CH, LATENT), jnp.float32, -s, s)
    conv_bias = jnp.zeros((LATENT,), jnp.float32)
    F1w, F1b = _lin(ks[8], LATENT, 50)
    F2w, F2b = _lin(ks[9], 50, 50)
    F3w, F3b = _lin(ks[10], 50, 50)
    bn1g = jnp.ones((50,), jnp.float32); bn1b = jnp.zeros((50,), jnp.float32)
    bn1m = jnp.zeros((50,), jnp.float32); bn1v = jnp.ones((50,), jnp.float32)
    bn2g = jnp.ones((50,), jnp.float32); bn2b = jnp.zeros((50,), jnp.float32)
    bn2m = jnp.zeros((50,), jnp.float32); bn2v = jnp.ones((50,), jnp.float32)
    return dict(x=x, edge_index=edge_index, edge_attr=edge_attr,
                W1=W1, b1=b1, W2=W2, b2=b2, W3=W3, b3=b3, W4=W4, b4=b4,
                root=root, conv_bias=conv_bias,
                F1w=F1w, F1b=F1b, bn1g=bn1g, bn1b=bn1b, bn1m=bn1m, bn1v=bn1v,
                F2w=F2w, F2b=F2b, bn2g=bn2g, bn2b=bn2b, bn2m=bn2m, bn2v=bn2v,
                F3w=F3w, F3b=F3b)


def reference(x, edge_index, edge_attr, W1, b1, W2, b2, W3, b3, W4, b4,
              root, conv_bias, F1w, F1b, bn1g, bn1b, bn1m, bn1v,
              F2w, F2b, bn2g, bn2b, bn2m, bn2v, F3w, F3b):
    # NNConv edge-conditioned conv, aggr='mean'
    h = jax.nn.relu(edge_attr @ W1 + b1)
    h = jax.nn.relu(h @ W2 + b2)
    h = jax.nn.relu(h @ W3 + b3)
    w = (h @ W4 + b4).reshape(-1, IN_CH, LATENT)  # [E, 3, 50]
    src = edge_index[0]
    dst = edge_index[1]
    msg = jnp.einsum('ei,eio->eo', x[src], w)  # [E, 50]
    summed = jax.ops.segment_sum(msg, dst, num_segments=N)
    cnt = jax.ops.segment_sum(jnp.ones((msg.shape[0],), jnp.float32), dst, num_segments=N)
    aggr = summed / jnp.clip(cnt, 1.0)[:, None]
    out = aggr + x @ root + conv_bias  # [N, 50]
    xg = out.reshape(1, N, LATENT)
    xm = jnp.mean(xg, axis=1)  # [1, 50]
    def bn(v, g, b, m, var):
        return (v - m) / jnp.sqrt(var + 1e-5) * g + b
    y = jax.nn.relu(bn(xm @ F1w + F1b, bn1g, bn1b, bn1m, bn1v))
    y = jax.nn.relu(bn(y @ F2w + F2b, bn2g, bn2b, bn2m, bn2v))
    y = y @ F3w + F3b  # [1, 50]
    len_points = N
    len_graph = E
    x_2 = jnp.tile(y.reshape(1, -1, LATENT), (1, len_points, 1)).reshape(-1, LATENT)
    x_3 = jnp.tile(y.reshape(1, -1, LATENT), (1, len_graph, 1)).reshape(-1, LATENT)
    new_edge_attr = jnp.concatenate([edge_attr[:, :6], x_3], axis=1)  # [E, 56]
    return (x_2, new_edge_attr, y)

if __name__ == "__main__":
    import jax
    _d = setup_inputs()
    print(jax.jit(kernel)(*tuple(_d.values())))

</pallas_src>

<mosaic_0001>
#map = affine_map<(d0, d1) -> (0)>
module attributes {stable_mosaic.version = 14 : i64} {
  func.func @sc_k(%arg0: i32, %arg1: i32, %arg2: memref<1280000xi32, #tpu.memory_space<hbm>>, %arg3: memref<30000xf32, #tpu.memory_space<hbm>>, %arg4: memref<1920000xf32, #tpu.memory_space<hbm>>, %arg5: memref<30000xf32, #tpu.memory_space<vmem>>, %arg6: memref<10240xf32, #tpu.memory_space<vmem>>, %arg7: memref<8000xi32, #tpu.memory_space<vmem>>, %arg8: memref<8000xi32, #tpu.memory_space<vmem>>, %arg9: memref<8000xf32, #tpu.memory_space<vmem>>, %arg10: memref<4000xi32, #tpu.memory_space<vmem>>, %arg11: memref<4000xi32, #tpu.memory_space<vmem>>, %arg12: memref<4000xi32, #tpu.memory_space<vmem>>, %arg13: memref<4000xi32, #tpu.memory_space<vmem>>, %arg14: memref<12000xf32, #tpu.memory_space<vmem>>, %arg15: memref<12000xf32, #tpu.memory_space<vmem>>, %arg16: memref<640xf32, #tpu.memory_space<vmem>>, %arg17: memref<10240xf32, #tpu.memory_space<vmem_shared>>, %arg18: memref<!tpu.dma_semaphore, #tpu.memory_space<semaphore_mem>>, %arg19: memref<!tpu.dma_semaphore, #tpu.memory_space<semaphore_mem>>, %arg20: memref<!tpu.dma_semaphore, #tpu.memory_space<semaphore_mem>>, %arg21: memref<!tpu.dma_semaphore, #tpu.memory_space<semaphore_mem>>, %arg22: memref<!tpu.dma_semaphore, #tpu.memory_space<semaphore_mem>>) attributes {dimension_semantics = [#tpu.dimension_semantics<core_parallel>, #tpu.dimension_semantics<subcore_parallel>], iteration_bounds = array<i64: 2, 16>, scalar_prefetch = 0 : i64, scratch_operands = 18 : i64, tpu.core_type = #tpu.core_type<sc_vector_subcore>, window_params = [{transform_indices = #map}, {transform_indices = #map}, {transform_indices = #map}]} {
    %mul3A = arith.constant 2 : i32
    %mul3A_0 = arith.muli %arg1, %mul3A : i32
    %add3A = arith.addi %mul3A_0, %arg0 : i32
    tpu.enqueue_dma source(%arg3 : memref<30000xf32, #tpu.memory_space<hbm>>) target(%arg5 : memref<30000xf32, #tpu.memory_space<vmem>>) target_semaphore(%arg18 : memref<!tpu.dma_semaphore, #tpu.memory_space<semaphore_mem>>)
    %broadcast_in_dim3A = arith.constant 0.000000e+00 : f32
    %broadcast_in_dim3A_1 = vector.broadcast %broadcast_in_dim3A : f32 to vector<16xf32>
    %swap3A = arith.constant 0 : index
    %swap3A_2 = tpu.vector_load %arg16[%swap3A] {strides = array<i32>} : memref<640xf32, #tpu.memory_space<vmem>>, vector<16xf32>,
    tpu.vector_store %arg16[%swap3A], %broadcast_in_dim3A_1 {strides = array<i32>} : memref<640xf32, #tpu.memory_space<vmem>>, vector<16xf32>,
    %broadcast_in_dim3A_3 = arith.constant 0.000000e+00 : f32
    %broadcast_in_dim3A_4 = vector.broadcast %broadcast_in_dim3A_3 : f32 to vector<16xf32>
    %swap3A_5 = arith.constant 16 : index
    %swap3A_6 = tpu.vector_load %arg16[%swap3A_5] {strides = array<i32>} : memref<640xf32, #tpu.memory_space<vmem>>, vector<16xf32>,
    tpu.vector_store %arg16[%swap3A_5], %broadcast_in_dim3A_4 {strides = array<i32>} : memref<640xf32, #tpu.memory_space<vmem>>, vector<16xf32>,
    %broadcast_in_dim3A_7 = arith.constant 0.000000e+00 : f32
    %broadcast_in_dim3A_8 = vector.broadcast %broadcast_in_dim3A_7 : f32 to vector<16xf32>
    %swap3A_9 = arith.constant 32 : index
    %swap3A_10 = tpu.vector_load %arg16[%swap3A_9] {strides = array<i32>} : memref<640xf32, #tpu.memory_space<vmem>>, vector<16xf32>,
    tpu.vector_store %arg16[%swap3A_9], %broadcast_in_dim3A_8 {strides = array<i32>} : memref<640xf32, #tpu.memory_space<vmem>>, vector<16xf32>,
    %broadcast_in_dim3A_11 = arith.constant 0.000000e+00 : f32
    %broadcast_in_dim3A_12 = vector.broadcast %broadcast_in_dim3A_11 : f32 to vector<16xf32>
    %swap3A_13 = arith.constant 48 : index
    %swap3A_14 = tpu.vector_load %arg16[%swap3A_13] {strides = array<i32>} : memref<640xf32, #tpu.memory_space<vmem>>, vector<16xf32>,
    tpu.vector_store %arg16[%swap3A_13], %broadcast_in_dim3A_12 {strides = array<i32>} : memref<640xf32, #tpu.memory_space<vmem>>, vector<16xf32>,
    %broadcast_in_dim3A_15 = arith.constant 0.000000e+00 : f32
    %broadcast_in_dim3A_16 = vector.broadcast %broadcast_in_dim3A_15 : f32 to vector<16xf32>
    %swap3A_17 = arith.constant 64 : index
    %swap3A_18 = tpu.vector_load %arg16[%swap3A_17] {strides = array<i32>} : memref<640xf32, #tpu.memory_space<vmem>>, vector<16xf32>,
    tpu.vector_store %arg16[%swap3A_17], %broadcast_in_dim3A_16 {strides = array<i32>} : memref<640xf32, #tpu.memory_space<vmem>>, vector<16xf32>,
    %broadcast_in_dim3A_19 = arith.constant 0.000000e+00 : f32
    %broadcast_in_dim3A_20 = vector.broadcast %broadcast_in_dim3A_19 : f32 to vector<16xf32>
    %swap3A_21 = arith.constant 80 : index
    %swap3A_22 = tpu.vector_load %arg16[%swap3A_21] {strides = array<i32>} : memref<640xf32, #tpu.memory_space<vmem>>, vector<16xf32>,
    tpu.vector_store %arg16[%swap3A_21], %broadcast_in_dim3A_20 {strides = array<i32>} : memref<640xf32, #tpu.memory_space<vmem>>, vector<16xf32>,
    %broadcast_in_dim3A_23 = arith.constant 0.000000e+00 : f32
    %broadcast_in_dim3A_24 = vector.broadcast %broadcast_in_dim3A_23 : f32 to vector<16xf32>
    %swap3A_25 = arith.constant 96 : index
    %swap3A_26 = tpu.vector_load %arg16[%swap3A_25] {strides = array<i32>} : memref<640xf32, #tpu.memory_space<vmem>>, vector<16xf32>,
    tpu.vector_store %arg16[%swap3A_25], %broadcast_in_dim3A_24 {strides = array<i32>} : memref<640xf32, #tpu.memory_space<vmem>>, vector<16xf32>,
    %broadcast_in_dim3A_27 = arith.constant 0.000000e+00 : f32
    %broadcast_in_dim3A_28 = vector.broadcast %broadcast_in_dim3A_27 : f32 to vector<16xf32>
    %swap3A_29 = arith.constant 112 : index
    %swap3A_30 = tpu.vector_load %arg16[%swap3A_29] {strides = array<i32>} : memref<640xf32, #tpu.memory_space<vmem>>, vector<16xf32>,
    tpu.vector_store %arg16[%swap3A_29], %broadcast_in_dim3A_28 {strides = array<i32>} : memref<640xf32, #tpu.memory_space<vmem>>, vector<16xf32>,
    %broadcast_in_dim3A_31 = arith.constant 0.000000e+00 : f32
    %broadcast_in_dim3A_32 = vector.broadcast %broadcast_in_dim3A_31 : f32 to vector<16xf32>
    %swap3A_33 = arith.constant 128 : index
    %swap3A_34 = tpu.vector_load %arg16[%swap3A_33] {strides = array<i32>} : memref<640xf32, #tpu.memory_space<vmem>>, vector<16xf32>,
    tpu.vector_store %arg16[%swap3A_33], %broadcast_in_dim3A_32 {strides = array<i32>} : memref<640xf32, #tpu.memory_space<vmem>>, vector<16xf32>,
    %broadcast_in_dim3A_35 = arith.constant 0.000000e+00 : f32
    %broadcast_in_dim3A_36 = vector.broadcast %broadcast_in_dim3A_35 : f32 to vector<16xf32>
    %swap3A_37 = arith.constant 144 : index
    %swap3A_38 = tpu.vector_load %arg16[%swap3A_37] {strides = array<i32>} : memref<640xf32, #tpu.memory_space<vmem>>, vector<16xf32>,
    tpu.vector_store %arg16[%swap3A_37], %broadcast_in_dim3A_36 {strides = array<i32>} : memref<640xf32, #tpu.memory_space<vmem>>, vector<16xf32>,
    %broadcast_in_dim3A_39 = arith.constant 0.000000e+00 : f32
    %broadcast_in_dim3A_40 = vector.broadcast %broadcast_in_dim3A_39 : f32 to vector<16xf32>
    %swap3A_41 = arith.constant 160 : index
    %swap3A_42 = tpu.vector_load %arg16[%swap3A_41] {strides = array<i32>} : memref<640xf32, #tpu.memory_space<vmem>>, vector<16xf32>,
    tpu.vector_store %arg16[%swap3A_41], %broadcast_in_dim3A_40 {strides = array<i32>} : memref<640xf32, #tpu.memory_space<vmem>>, vector<16xf32>,
    %broadcast_in_dim3A_43 = arith.constant 0.000000e+00 : f32
    %broadcast_in_dim3A_44 = vector.broadcast %broadcast_in_dim3A_43 : f32 to vector<16xf32>
    %swap3A_45 = arith.constant 176 : index
    %swap3A_46 = tpu.vector_load %arg16[%swap3A_45] {strides = array<i32>} : memref<640xf32, #tpu.memory_space<vmem>>, vector<16xf32>,
    tpu.vector_store %arg16[%swap3A_45], %broadcast_in_dim3A_44 {strides = array<i32>} : memref<640xf32, #tpu.memory_space<vmem>>, vector<16xf32>,
    %broadcast_in_dim3A_47 = arith.constant 0.000000e+00 : f32
    %broadcast_in_dim3A_48 = vector.broadcast %broadcast_in_dim3A_47 : f32 to vector<16xf32>
    %swap3A_49 = arith.constant 192 : index
    %swap3A_50 = tpu.vector_load %arg16[%swap3A_49] {strides = array<i32>} : memref<640xf32, #tpu.memory_space<vmem>>, vector<16xf32>,
    tpu.vector_store %arg16[%swap3A_49], %broadcast_in_dim3A_48 {strides = array<i32>} : memref<640xf32, #tpu.memory_space<vmem>>, vector<16xf32>,
    %broadcast_in_dim3A_51 = arith.constant 0.000000e+00 : f32
    %broadcast_in_dim3A_52 = vector.broadcast %broadcast_in_dim3A_51 : f32 to vector<16xf32>
    %swap3A_53 = arith.constant 208 : index
    %swap3A_54 = tpu.vector_load %arg16[%swap3A_53] {strides = array<i32>} : memref<640xf32, #tpu.memory_space<vmem>>, vector<16xf32>,
    tpu.vector_store %arg16[%swap3A_53], %broadcast_in_dim3A_52 {strides = array<i32>} : memref<640xf32, #tpu.memory_space<vmem>>, vector<16xf32>,
    %broadcast_in_dim3A_55 = arith.constant 0.000000e+00 : f32
    %broadcast_in_dim3A_56 = vector.broadcast %broadcast_in_dim3A_55 : f32 to vector<16xf32>
    %swap3A_57 = arith.constant 224 : index
    %swap3A_58 = tpu.vector_load %arg16[%swap3A_57] {strides = array<i32>} : memref<640xf32, #tpu.memory_space<vmem>>, vector<16xf32>,
    tpu.vector_store %arg16[%swap3A_57], %broadcast_in_dim3A_56 {strides = array<i32>} : memref<640xf32, #tpu.memory_space<vmem>>, vector<16xf32>,
    %broadcast_in_dim3A_59 = arith.constant 0.000000e+00 : f32
    %broadcast_in_dim3A_60 = vector.broadcast %broadcast_in_dim3A_59 : f32 to vector<16xf32>
    %swap3A_61 = arith.constant 240 : index
    %swap3A_62 = tpu.vector_load %arg16[%swap3A_61] {strides = array<i32>} : memref<640xf32, #tpu.memory_space<vmem>>, vector<16xf32>,
    tpu.vector_store %arg16[%swap3A_61], %broadcast_in_dim3A_60 {strides = array<i32>} : memref<640xf32, #tpu.memory_space<vmem>>, vector<16xf32>,
    %broadcast_in_dim3A_63 = arith.constant 0.000000e+00 : f32
    %broadcast_in_dim3A_64 = vector.broadcast %broadcast_in_dim3A_63 : f32 to vector<16xf32>
    %swap3A_65 = arith.constant 256 : index
    %swap3A_66 = tpu.vector_load %arg16[%swap3A_65] {strides = array<i32>} : memref<640xf32, #tpu.memory_space<vmem>>, vector<16xf32>,
    tpu.vector_store %arg16[%swap3A_65], %broadcast_in_dim3A_64 {strides = array<i32>} : memref<640xf32, #tpu.memory_space<vmem>>, vector<16xf32>,
    %broadcast_in_dim3A_67 = arith.constant 0.000000e+00 : f32
    %broadcast_in_dim3A_68 = vector.broadcast %broadcast_in_dim3A_67 : f32 to vector<16xf32>
    %swap3A_69 = arith.constant 272 : index
    %swap3A_70 = tpu.vector_load %arg16[%swap3A_69] {strides = array<i32>} : memref<640xf32, #tpu.memory_space<vmem>>, vector<16xf32>,
    tpu.vector_store %arg16[%swap3A_69], %broadcast_in_dim3A_68 {strides = array<i32>} : memref<640xf32, #tpu.memory_space<vmem>>, vector<16xf32>,
    %broadcast_in_dim3A_71 = arith.constant 0.000000e+00 : f32
    %broadcast_in_dim3A_72 = vector.broadcast %broadcast_in_dim3A_71 : f32 to vector<16xf32>
    %swap3A_73 = arith.constant 288 : index
    %swap3A_74 = tpu.vector_load %arg16[%swap3A_73] {strides = array<i32>} : memref<640xf32, #tpu.memory_space<vmem>>, vector<16xf32>,
    tpu.vector_store %arg16[%swap3A_73], %broadcast_in_dim3A_72 {strides = array<i32>} : memref<640xf32, #tpu.memory_space<vmem>>, vector<16xf32>,
    %broadcast_in_dim3A_75 = arith.constant 0.000000e+00 : f32
    %broadcast_in_dim3A_76 = vector.broadcast %broadcast_in_dim3A_75 : f32 to vector<16xf32>
    %swap3A_77 = arith.constant 304 : index
    %swap3A_78 = tpu.vector_load %arg16[%swap3A_77] {strides = array<i32>} : memref<640xf32, #tpu.memory_space<vmem>>, vector<16xf32>,
    tpu.vector_store %arg16[%swap3A_77], %broadcast_in_dim3A_76 {strides = array<i32>} : memref<640xf32, #tpu.memory_space<vmem>>, vector<16xf32>,
    %broadcast_in_dim3A_79 = arith.constant 0.000000e+00 : f32
    %broadcast_in_dim3A_80 = vector.broadcast %broadcast_in_dim3A_79 : f32 to vector<16xf32>
    %swap3A_81 = arith.constant 320 : index
    %swap3A_82 = tpu.vector_load %arg16[%swap3A_81] {strides = array<i32>} : memref<640xf32, #tpu.memory_space<vmem>>, vector<16xf32>,
    tpu.vector_store %arg16[%swap3A_81], %broadcast_in_dim3A_80 {strides = array<i32>} : memref<640xf32, #tpu.memory_space<vmem>>, vector<16xf32>,
    %broadcast_in_dim3A_83 = arith.constant 0.000000e+00 : f32
    %broadcast_in_dim3A_84 = vector.broadcast %broadcast_in_dim3A_83 : f32 to vector<16xf32>
    %swap3A_85 = arith.constant 336 : index
    %swap3A_86 = tpu.vector_load %arg16[%swap3A_85] {strides = array<i32>} : memref<640xf32, #tpu.memory_space<vmem>>, vector<16xf32>,
    tpu.vector_store %arg16[%swap3A_85], %broadcast_in_dim3A_84 {strides = array<i32>} : memref<640xf32, #tpu.memory_space<vmem>>, vector<16xf32>,
    %broadcast_in_dim3A_87 = arith.constant 0.000000e+00 : f32
    %broadcast_in_dim3A_88 = vector.broadcast %broadcast_in_dim3A_87 : f32 to vector<16xf32>
    %swap3A_89 = arith.constant 352 : index
    %swap3A_90 = tpu.vector_load %arg16[%swap3A_89] {strides = array<i32>} : memref<640xf32, #tpu.memory_space<vmem>>, vector<16xf32>,
    tpu.vector_store %arg16[%swap3A_89], %broadcast_in_dim3A_88 {strides = array<i32>} : memref<640xf32, #tpu.memory_space<vmem>>, vector<16xf32>,
    %broadcast_in_dim3A_91 = arith.constant 0.000000e+00 : f32
    %broadcast_in_dim3A_92 = vector.broadcast %broadcast_in_dim3A_91 : f32 to vector<16xf32>
    %swap3A_93 = arith.constant 368 : index
    %swap3A_94 = tpu.vector_load %arg16[%swap3A_93] {strides = array<i32>} : memref<640xf32, #tpu.memory_space<vmem>>, vector<16xf32>,
    tpu.vector_store %arg16[%swap3A_93], %broadcast_in_dim3A_92 {strides = array<i32>} : memref<640xf32, #tpu.memory_space<vmem>>, vector<16xf32>,
    %broadcast_in_dim3A_95 = arith.constant 0.000000e+00 : f32
    %broadcast_in_dim3A_96 = vector.broadcast %broadcast_in_dim3A_95 : f32 to vector<16xf32>
    %swap3A_97 = arith.constant 384 : index
    %swap3A_98 = tpu.vector_load %arg16[%swap3A_97] {strides = array<i32>} : memref<640xf32, #tpu.memory_space<vmem>>, vector<16xf32>,
    tpu.vector_store %arg16[%swap3A_97], %broadcast_in_dim3A_96 {strides = array<i32>} : memref<640xf32, #tpu.memory_space<vmem>>, vector<16xf32>,
    %broadcast_in_dim3A_99 = arith.constant 0.000000e+00 : f32
    %broadcast_in_dim3A_100 = vector.broadcast %broadcast_in_dim3A_99 : f32 to vector<16xf32>
    %swap3A_101 = arith.constant 400 : index
    %swap3A_102 = tpu.vector_load %arg16[%swap3A_101] {strides = array<i32>} : memref<640xf32, #tpu.memory_space<vmem>>, vector<16xf32>,
    tpu.vector_store %arg16[%swap3A_101], %broadcast_in_dim3A_100 {strides = array<i32>} : memref<640xf32, #tpu.memory_space<vmem>>, vector<16xf32>,
    %broadcast_in_dim3A_103 = arith.constant 0.000000e+00 : f32
    %broadcast_in_dim3A_104 = vector.broadcast %broadcast_in_dim3A_103 : f32 to vector<16xf32>
    %swap3A_105 = arith.constant 416 : index
    %swap3A_106 = tpu.vector_load %arg16[%swap3A_105] {strides = array<i32>} : memref<640xf32, #tpu.memory_space<vmem>>, vector<16xf32>,
    tpu.vector_store %arg16[%swap3A_105], %broadcast_in_dim3A_104 {strides = array<i32>} : memref<640xf32, #tpu.memory_space<vmem>>, vector<16xf32>,
    %broadcast_in_dim3A_107 = arith.constant 0.000000e+00 : f32
    %broadcast_in_dim3A_108 = vector.broadcast %broadcast_in_dim3A_107 : f32 to vector<16xf32>
    %swap3A_109 = arith.constant 432 : index
    %swap3A_110 = tpu.vector_load %arg16[%swap3A_109] {strides = array<i32>} : memref<640xf32, #tpu.memory_space<vmem>>, vector<16xf32>,
    tpu.vector_store %arg16[%swap3A_109], %broadcast_in_dim3A_108 {strides = array<i32>} : memref<640xf32, #tpu.memory_space<vmem>>, vector<16xf32>,
    %broadcast_in_dim3A_111 = arith.constant 0.000000e+00 : f32
    %broadcast_in_dim3A_112 = vector.broadcast %broadcast_in_dim3A_111 : f32 to vector<16xf32>
    %swap3A_113 = arith.constant 448 : index
    %swap3A_114 = tpu.vector_load %arg16[%swap3A_113] {strides = array<i32>} : memref<640xf32, #tpu.memory_space<vmem>>, vector<16xf32>,
    tpu.vector_store %arg16[%swap3A_113], %broadcast_in_dim3A_112 {strides = array<i32>} : memref<640xf32, #tpu.memory_space<vmem>>, vector<16xf32>,
    %broadcast_in_dim3A_115 = arith.constant 0.000000e+00 : f32
    %broadcast_in_dim3A_116 = vector.broadcast %broadcast_in_dim3A_115 : f32 to vector<16xf32>
    %swap3A_117 = arith.constant 464 : index
    %swap3A_118 = tpu.vector_load %arg16[%swap3A_117] {strides = array<i32>} : memref<640xf32, #tpu.memory_space<vmem>>, vector<16xf32>,
    tpu.vector_store %arg16[%swap3A_117], %broadcast_in_dim3A_116 {strides = array<i32>} : memref<640xf32, #tpu.memory_space<vmem>>, vector<16xf32>,
    %broadcast_in_dim3A_119 = arith.constant 0.000000e+00 : f32
    %broadcast_in_dim3A_120 = vector.broadcast %broadcast_in_dim3A_119 : f32 to vector<16xf32>
    %swap3A_121 = arith.constant 480 : index
    %swap3A_122 = tpu.vector_load %arg16[%swap3A_121] {strides = array<i32>} : memref<640xf32, #tpu.memory_space<vmem>>, vector<16xf32>,
    tpu.vector_store %arg16[%swap3A_121], %broadcast_in_dim3A_120 {strides = array<i32>} : memref<640xf32, #tpu.memory_space<vmem>>, vector<16xf32>,
    %broadcast_in_dim3A_123 = arith.constant 0.000000e+00 : f32
    %broadcast_in_dim3A_124 = vector.broadcast %broadcast_in_dim3A_123 : f32 to vector<16xf32>
    %swap3A_125 = arith.constant 496 : index
    %swap3A_126 = tpu.vector_load %arg16[%swap3A_125] {strides = array<i32>} : memref<640xf32, #tpu.memory_space<vmem>>, vector<16xf32>,
    tpu.vector_store %arg16[%swap3A_125], %broadcast_in_dim3A_124 {strides = array<i32>} : memref<640xf32, #tpu.memory_space<vmem>>, vector<16xf32>,
    %broadcast_in_dim3A_127 = arith.constant 0.000000e+00 : f32
    %broadcast_in_dim3A_128 = vector.broadcast %broadcast_in_dim3A_127 : f32 to vector<16xf32>
    %swap3A_129 = arith.constant 512 : index
    %swap3A_130 = tpu.vector_load %arg16[%swap3A_129] {strides = array<i32>} : memref<640xf32, #tpu.memory_space<vmem>>, vector<16xf32>,
    tpu.vector_store %arg16[%swap3A_129], %broadcast_in_dim3A_128 {strides = array<i32>} : memref<640xf32, #tpu.memory_space<vmem>>, vector<16xf32>,
    %broadcast_in_dim3A_131 = arith.constant 0.000000e+00 : f32
    %broadcast_in_dim3A_132 = vector.broadcast %broadcast_in_dim3A_131 : f32 to vector<16xf32>
    %swap3A_133 = arith.constant 528 : index
    %swap3A_134 = tpu.vector_load %arg16[%swap3A_133] {strides = array<i32>} : memref<640xf32, #tpu.memory_space<vmem>>, vector<16xf32>,
    tpu.vector_store %arg16[%swap3A_133], %broadcast_in_dim3A_132 {strides = array<i32>} : memref<640xf32, #tpu.memory_space<vmem>>, vector<16xf32>,
    %broadcast_in_dim3A_135 = arith.constant 0.000000e+00 : f32
    %broadcast_in_dim3A_136 = vector.broadcast %broadcast_in_dim3A_135 : f32 to vector<16xf32>
    %swap3A_137 = arith.constant 544 : index
    %swap3A_138 = tpu.vector_load %arg16[%swap3A_137] {strides = array<i32>} : memref<640xf32, #tpu.memory_space<vmem>>, vector<16xf32>,
    tpu.vector_store %arg16[%swap3A_137], %broadcast_in_dim3A_136 {strides = array<i32>} : memref<640xf32, #tpu.memory_space<vmem>>, vector<16xf32>,
    %broadcast_in_dim3A_139 = arith.constant 0.000000e+00 : f32
    %broadcast_in_dim3A_140 = vector.broadcast %broadcast_in_dim3A_139 : f32 to vector<16xf32>
    %swap3A_141 = arith.constant 560 : index
    %swap3A_142 = tpu.vector_load %arg16[%swap3A_141] {strides = array<i32>} : memref<640xf32, #tpu.memory_space<vmem>>, vector<16xf32>,
    tpu.vector_store %arg16[%swap3A_141], %broadcast_in_dim3A_140 {strides = array<i32>} : memref<640xf32, #tpu.memory_space<vmem>>, vector<16xf32>,
    %broadcast_in_dim3A_143 = arith.constant 0.000000e+00 : f32
    %broadcast_in_dim3A_144 = vector.broadcast %broadcast_in_dim3A_143 : f32 to vector<16xf32>
    %swap3A_145 = arith.constant 576 : index
    %swap3A_146 = tpu.vector_load %arg16[%swap3A_145] {strides = array<i32>} : memref<640xf32, #tpu.memory_space<vmem>>, vector<16xf32>,
    tpu.vector_store %arg16[%swap3A_145], %broadcast_in_dim3A_144 {strides = array<i32>} : memref<640xf32, #tpu.memory_space<vmem>>, vector<16xf32>,
    %broadcast_in_dim3A_147 = arith.constant 0.000000e+00 : f32
    %broadcast_in_dim3A_148 = vector.broadcast %broadcast_in_dim3A_147 : f32 to vector<16xf32>
    %swap3A_149 = arith.constant 592 : index
    %swap3A_150 = tpu.vector_load %arg16[%swap3A_149] {strides = array<i32>} : memref<640xf32, #tpu.memory_space<vmem>>, vector<16xf32>,
    tpu.vector_store %arg16[%swap3A_149], %broadcast_in_dim3A_148 {strides = array<i32>} : memref<640xf32, #tpu.memory_space<vmem>>, vector<16xf32>,
    %broadcast_in_dim3A_151 = arith.constant 0.000000e+00 : f32
    %broadcast_in_dim3A_152 = vector.broadcast %broadcast_in_dim3A_151 : f32 to vector<16xf32>
    %swap3A_153 = arith.constant 608 : index
    %swap3A_154 = tpu.vector_load %arg16[%swap3A_153] {strides = array<i32>} : memref<640xf32, #tpu.memory_space<vmem>>, vector<16xf32>,
    tpu.vector_store %arg16[%swap3A_153], %broadcast_in_dim3A_152 {strides = array<i32>} : memref<640xf32, #tpu.memory_space<vmem>>, vector<16xf32>,
    %broadcast_in_dim3A_155 = arith.constant 0.000000e+00 : f32
    %broadcast_in_dim3A_156 = vector.broadcast %broadcast_in_dim3A_155 : f32 to vector<16xf32>
    %swap3A_157 = arith.constant 624 : index
    %swap3A_158 = tpu.vector_load %arg16[%swap3A_157] {strides = array<i32>} : memref<640xf32, #tpu.memory_space<vmem>>, vector<16xf32>,
    tpu.vector_store %arg16[%swap3A_157], %broadcast_in_dim3A_156 {strides = array<i32>} : memref<640xf32, #tpu.memory_space<vmem>>, vector<16xf32>,
    %mul3A_159 = arith.constant 640 : i32
    %mul3A_160 = arith.muli %arg1, %mul3A_159 : i32
    "tpu.region"() ({
      %run_scoped3A = tpu.sem_alloc : memref<!tpu.dma_semaphore, #tpu.memory_space<semaphore_mem>>
      %dma_start3A_921 = tpu.memref_slice %arg17[%mul3A_160] : memref<10240xf32, #tpu.memory_space<vmem_shared>> -> memref<640xf32, #tpu.memory_space<vmem_shared>>
      %dma_start3A_922 = tpu.memref_slice %arg17[%mul3A_160] : memref<10240xf32, #tpu.memory_space<vmem_shared>> -> memref<640xf32, #tpu.memory_space<vmem_shared>>
      tpu.enqueue_dma source(%arg16 : memref<640xf32, #tpu.memory_space<vmem>>) target(%dma_start3A_922 : memref<640xf32, #tpu.memory_space<vmem_shared>>) target_semaphore(%run_scoped3A : memref<!tpu.dma_semaphore, #tpu.memory_space<semaphore_mem>>)
      %dma_wait3A_923 = tpu.memref_slice %arg17[%mul3A_160] : memref<10240xf32, #tpu.memory_space<vmem_shared>> -> memref<640xf32, #tpu.memory_space<vmem_shared>>
      %dma_wait3A_924 = tpu.memref_slice %arg17[%mul3A_160] : memref<10240xf32, #tpu.memory_space<vmem_shared>> -> memref<640xf32, #tpu.memory_space<vmem_shared>>
      tpu.wait_dma2 semaphore(%run_scoped3A : memref<!tpu.dma_semaphore, #tpu.memory_space<semaphore_mem>>) src(%arg16 : memref<640xf32, #tpu.memory_space<vmem>>) dst(%dma_wait3A_924 : memref<640xf32, #tpu.memory_space<vmem_shared>>)
      tpu.yield
    }) : () -> ()
    %scan3A = arith.constant 0 : i32
    %scan3A_161 = arith.constant 0 : i32
    %scan3A_162 = arith.constant 500 : i32
    %scan3A_163 = arith.addi %scan3A_161, %scan3A_162 : i32
    %scan3A_164 = arith.constant 1 : i32
    scf.for %scan3A_921 = %scan3A_161 to %scan3A_163 step %scan3A_164  : i32 {
      %broadcast_in_dim3A_922 = arith.constant 1.000000e+00 : f32
      %broadcast_in_dim3A_923 = vector.broadcast %broadcast_in_dim3A_922 : f32 to vector<16xf32>
      %mul3A_924 = arith.constant 16 : i32
      %mul3A_925 = arith.muli %mul3A_924, %scan3A_921 : i32
      %swap3A_926 = arith.index_cast %mul3A_925 : i32 to index
      %swap3A_927 = tpu.vector_load %arg9[%swap3A_926] {strides = array<i32>} : memref<8000xf32, #tpu.memory_space<vmem>>, vector<16xf32>,
      tpu.vector_store %arg9[%swap3A_926], %broadcast_in_dim3A_923 {strides = array<i32>} : memref<8000xf32, #tpu.memory_space<vmem>>, vector<16xf32>,
    }
    %scan3A_165 = arith.constant 500 : i32
    %barrier3A = arith.constant 0 : index
    tpu.barrier barrier_id(%barrier3A)
    %mul3A_166 = arith.constant 40000 : i32
    %mul3A_167 = arith.muli %arg1, %mul3A_166 : i32
    %add3A_168 = arith.constant 640000 : i32
    %add3A_169 = arith.addi %add3A_168, %mul3A_167 : i32
    %dma_start3A = tpu.memref_slice %arg2[%add3A_169] : memref<1280000xi32, #tpu.memory_space<hbm>> -> memref<8000xi32, #tpu.memory_space<hbm>>
    %dma_start3A_170 = tpu.memref_slice %arg2[%add3A_169] : memref<1280000xi32, #tpu.memory_space<hbm>> -> memref<8000xi32, #tpu.memory_space<hbm>>
    tpu.enqueue_dma source(%dma_start3A_170 : memref<8000xi32, #tpu.memory_space<hbm>>) target(%arg7 : memref<8000xi32, #tpu.memory_space<vmem>>) target_semaphore(%arg19 : memref<!tpu.dma_semaphore, #tpu.memory_space<semaphore_mem>>)
    %dma_wait3A = tpu.memref_slice %arg2[%add3A_169] : memref<1280000xi32, #tpu.memory_space<hbm>> -> memref<8000xi32, #tpu.memory_space<hbm>>
    %dma_wait3A_171 = tpu.memref_slice %arg2[%add3A_169] : memref<1280000xi32, #tpu.memory_space<hbm>> -> memref<8000xi32, #tpu.memory_space<hbm>>
    tpu.wait_dma2 semaphore(%arg19 : memref<!tpu.dma_semaphore, #tpu.memory_space<semaphore_mem>>) src(%dma_wait3A_171 : memref<8000xi32, #tpu.memory_space<hbm>>) dst(%arg7 : memref<8000xi32, #tpu.memory_space<vmem>>)
    %add3A_172 = arith.constant 8000 : i32
    %add3A_173 = arith.addi %add3A_169, %add3A_172 : i32
    %dma_start3A_174 = tpu.memref_slice %arg2[%add3A_173] : memref<1280000xi32, #tpu.memory_space<hbm>> -> memref<8000xi32, #tpu.memory_space<hbm>>
    %dma_start3A_175 = tpu.memref_slice %arg2[%add3A_173] : memref<1280000xi32, #tpu.memory_space<hbm>> -> memref<8000xi32, #tpu.memory_space<hbm>>
    tpu.enqueue_dma source(%dma_start3A_175 : memref<8000xi32, #tpu.memory_space<hbm>>) target(%arg8 : memref<8000xi32, #tpu.memory_space<vmem>>) target_semaphore(%arg20 : memref<!tpu.dma_semaphore, #tpu.memory_space<semaphore_mem>>)
    %dma_start3A_176 = arith.constant 0 : i32
    %dma_start3A_177 = tpu.memref_slice %arg17[%dma_start3A_176] : memref<10240xf32, #tpu.memory_space<vmem_shared>> -> memref<10240xf32, #tpu.memory_space<vmem_shared>>
    tpu.enqueue_indirect_dma source(%arg9 : memref<8000xf32, #tpu.memory_space<vmem>>) target(%dma_start3A_177 : memref<10240xf32, #tpu.memory_space<vmem_shared>>) offsets(%arg7 : memref<8000xi32, #tpu.memory_space<vmem>>) semaphore(%arg21 : memref<!tpu.dma_semaphore, #tpu.memory_space<semaphore_mem>>) {add = true}
    %dma_wait3A_178 = tpu.memref_slice %arg2[%add3A_173] : memref<1280000xi32, #tpu.memory_space<hbm>> -> memref<8000xi32, #tpu.memory_space<hbm>>
    %dma_wait3A_179 = tpu.memref_slice %arg2[%add3A_173] : memref<1280000xi32, #tpu.memory_space<hbm>> -> memref<8000xi32, #tpu.memory_space<hbm>>
    tpu.wait_dma2 semaphore(%arg20 : memref<!tpu.dma_semaphore, #tpu.memory_space<semaphore_mem>>) src(%dma_wait3A_179 : memref<8000xi32, #tpu.memory_space<hbm>>) dst(%arg8 : memref<8000xi32, #tpu.memory_space<vmem>>)
    %dma_wait3A_180 = arith.constant 0 : i32
    %dma_wait3A_181 = tpu.memref_slice %arg17[%dma_wait3A_180] : memref<10240xf32, #tpu.memory_space<vmem_shared>> -> memref<10240xf32, #tpu.memory_space<vmem_shared>>
    tpu.wait_indirect_dma semaphore(%arg21 : memref<!tpu.dma_semaphore, #tpu.memory_space<semaphore_mem>>) src(%arg9 : memref<8000xf32, #tpu.memory_space<vmem>>) dst(%dma_wait3A_181 : memref<10240xf32, #tpu.memory_space<vmem_shared>>)
    %add3A_182 = arith.constant 16000 : i32
    %add3A_183 = arith.addi %add3A_169, %add3A_182 : i32
    %dma_start3A_184 = tpu.memref_slice %arg2[%add3A_183] : memref<1280000xi32, #tpu.memory_space<hbm>> -> memref<8000xi32, #tpu.memory_space<hbm>>
    %dma_start3A_185 = tpu.memref_slice %arg2[%add3A_183] : memref<1280000xi32, #tpu.memory_space<hbm>> -> memref<8000xi32, #tpu.memory_space<hbm>>
    tpu.enqueue_dma source(%dma_start3A_185 : memref<8000xi32, #tpu.memory_space<hbm>>) target(%arg7 : memref<8000xi32, #tpu.memory_space<vmem>>) target_semaphore(%arg19 : memref<!tpu.dma_semaphore, #tpu.memory_space<semaphore_mem>>)
    %dma_start3A_186 = arith.constant 0 : i32
    %dma_start3A_187 = tpu.memref_slice %arg17[%dma_start3A_186] : memref<10240xf32, #tpu.memory_space<vmem_shared>> -> memref<10240xf32, #tpu.memory_space<vmem_shared>>
    tpu.enqueue_indirect_dma source(%arg9 : memref<8000xf32, #tpu.memory_space<vmem>>) target(%dma_start3A_187 : memref<10240xf32, #tpu.memory_space<vmem_shared>>) offsets(%arg8 : memref<8000xi32, #tpu.memory_space<vmem>>) semaphore(%arg22 : memref<!tpu.dma_semaphore, #tpu.memory_space<semaphore_mem>>) {add = true}
    %dma_wait3A_188 = tpu.memref_slice %arg2[%add3A_183] : memref<1280000xi32, #tpu.memory_space<hbm>> -> memref<8000xi32, #tpu.memory_space<hbm>>
    %dma_wait3A_189 = tpu.memref_slice %arg2[%add3A_183] : memref<1280000xi32, #tpu.memory_space<hbm>> -> memref<8000xi32, #tpu.memory_space<hbm>>
    tpu.wait_dma2 semaphore(%arg19 : memref<!tpu.dma_semaphore, #tpu.memory_space<semaphore_mem>>) src(%dma_wait3A_189 : memref<8000xi32, #tpu.memory_space<hbm>>) dst(%arg7 : memref<8000xi32, #tpu.memory_space<vmem>>)
    %dma_wait3A_190 = arith.constant 0 : i32
    %dma_wait3A_191 = tpu.memref_slice %arg17[%dma_wait3A_190] : memref<10240xf32, #tpu.memory_space<vmem_shared>> -> memref<10240xf32, #tpu.memory_space<vmem_shared>>
    tpu.wait_indirect_dma semaphore(%arg22 : memref<!tpu.dma_semaphore, #tpu.memory_space<semaphore_mem>>) src(%arg9 : memref<8000xf32, #tpu.memory_space<vmem>>) dst(%dma_wait3A_191 : memref<10240xf32, #tpu.memory_space<vmem_shared>>)
    %add3A_192 = arith.constant 24000 : i32
    %add3A_193 = arith.addi %add3A_169, %add3A_192 : i32
    %dma_start3A_194 = tpu.memref_slice %arg2[%add3A_193] : memref<1280000xi32, #tpu.memory_space<hbm>> -> memref<8000xi32, #tpu.memory_space<hbm>>
    %dma_start3A_195 = tpu.memref_slice %arg2[%add3A_193] : memref<1280000xi32, #tpu.memory_space<hbm>> -> memref<8000xi32, #tpu.memory_space<hbm>>
    tpu.enqueue_dma source(%dma_start3A_195 : memref<8000xi32, #tpu.memory_space<hbm>>) target(%arg8 : memref<8000xi32, #tpu.memory_space<vmem>>) target_semaphore(%arg20 : memref<!tpu.dma_semaphore, #tpu.memory_space<semaphore_mem>>)
    %dma_start3A_196 = arith.constant 0 : i32
    %dma_start3A_197 = tpu.memref_slice %arg17[%dma_start3A_196] : memref<10240xf32, #tpu.memory_space<vmem_shared>> -> memref<10240xf32, #tpu.memory_space<vmem_shared>>
    tpu.enqueue_indirect_dma source(%arg9 : memref<8000xf32, #tpu.memory_space<vmem>>) target(%dma_start3A_197 : memref<10240xf32, #tpu.memory_space<vmem_shared>>) offsets(%arg7 : memref<8000xi32, #tpu.memory_space<vmem>>) semaphore(%arg21 : memref<!tpu.dma_semaphore, #tpu.memory_space<semaphore_mem>>) {add = true}
    %dma_wait3A_198 = tpu.memref_slice %arg2[%add3A_193] : memref<1280000xi32, #tpu.memory_space<hbm>> -> memref<8000xi32, #tpu.memory_space<hbm>>
    %dma_wait3A_199 = tpu.memref_slice %arg2[%add3A_193] : memref<1280000xi32, #tpu.memory_space<hbm>> -> memref<8000xi32, #tpu.memory_space<hbm>>
    tpu.wait_dma2 semaphore(%arg20 : memref<!tpu.dma_semaphore, #tpu.memory_space<semaphore_mem>>) src(%dma_wait3A_199 : memref<8000xi32, #tpu.memory_space<hbm>>) dst(%arg8 : memref<8000xi32, #tpu.memory_space<vmem>>)
    %dma_wait3A_200 = arith.constant 0 : i32
    %dma_wait3A_201 = tpu.memref_slice %arg17[%dma_wait3A_200] : memref<10240xf32, #tpu.memory_space<vmem_shared>> -> memref<10240xf32, #tpu.memory_space<vmem_shared>>
    tpu.wait_indirect_dma semaphore(%arg21 : memref<!tpu.dma_semaphore, #tpu.memory_space<semaphore_mem>>) src(%arg9 : memref<8000xf32, #tpu.memory_space<vmem>>) dst(%dma_wait3A_201 : memref<10240xf32, #tpu.memory_space<vmem_shared>>)
    %add3A_202 = arith.constant 32000 : i32
    %add3A_203 = arith.addi %add3A_169, %add3A_202 : i32
    %dma_start3A_204 = tpu.memref_slice %arg2[%add3A_203] : memref<1280000xi32, #tpu.memory_space<hbm>> -> memref<8000xi32, #tpu.memory_space<hbm>>
    %dma_start3A_205 = tpu.memref_slice %arg2[%add3A_203] : memref<1280000xi32, #tpu.memory_space<hbm>> -> memref<8000xi32, #tpu.memory_space<hbm>>
    tpu.enqueue_dma source(%dma_start3A_205 : memref<8000xi32, #tpu.memory_space<hbm>>) target(%arg7 : memref<8000xi32, #tpu.memory_space<vmem>>) target_semaphore(%arg19 : memref<!tpu.dma_semaphore, #tpu.memory_space<semaphore_mem>>)
    %dma_start3A_206 = arith.constant 0 : i32
    %dma_start3A_207 = tpu.memref_slice %arg17[%dma_start3A_206] : memref<10240xf32, #tpu.memory_space<vmem_shared>> -> memref<10240xf32, #tpu.memory_space<vmem_shared>>
    tpu.enqueue_indirect_dma source(%arg9 : memref<8000xf32, #tpu.memory_space<vmem>>) target(%dma_start3A_207 : memref<10240xf32, #tpu.memory_space<vmem_shared>>) offsets(%arg8 : memref<8000xi32, #tpu.memory_space<vmem>>) semaphore(%arg22 : memref<!tpu.dma_semaphore, #tpu.memory_space<semaphore_mem>>) {add = true}
    %dma_wait3A_208 = tpu.memref_slice %arg2[%add3A_203] : memref<1280000xi32, #tpu.memory_space<hbm>> -> memref<8000xi32, #tpu.memory_space<hbm>>
    %dma_wait3A_209 = tpu.memref_slice %arg2[%add3A_203] : memref<1280000xi32, #tpu.memory_space<hbm>> -> memref<8000xi32, #tpu.memory_space<hbm>>
    tpu.wait_dma2 semaphore(%arg19 : memref<!tpu.dma_semaphore, #tpu.memory_space<semaphore_mem>>) src(%dma_wait3A_209 : memref<8000xi32, #tpu.memory_space<hbm>>) dst(%arg7 : memref<8000xi32, #tpu.memory_space<vmem>>)
    %dma_start3A_210 = arith.constant 0 : i32
    %dma_start3A_211 = tpu.memref_slice %arg17[%dma_start3A_210] : memref<10240xf32, #tpu.memory_space<vmem_shared>> -> memref<10240xf32, #tpu.memory_space<vmem_shared>>
    tpu.enqueue_indirect_dma source(%arg9 : memref<8000xf32, #tpu.memory_space<vmem>>) target(%dma_start3A_211 : memref<10240xf32, #tpu.memory_space<vmem_shared>>) offsets(%arg7 : memref<8000xi32, #tpu.memory_space<vmem>>) semaphore(%arg21 : memref<!tpu.dma_semaphore, #tpu.memory_space<semaphore_mem>>) {add = true}
    %dma_wait3A_212 = arith.constant 0 : i32
    %dma_wait3A_213 = tpu.memref_slice %arg17[%dma_wait3A_212] : memref<10240xf32, #tpu.memory_space<vmem_shared>> -> memref<10240xf32, #tpu.memory_space<vmem_shared>>
    tpu.wait_indirect_dma semaphore(%arg22 : memref<!tpu.dma_semaphore, #tpu.memory_space<semaphore_mem>>) src(%arg9 : memref<8000xf32, #tpu.memory_space<vmem>>) dst(%dma_wait3A_213 : memref<10240xf32, #tpu.memory_space<vmem_shared>>)
    %dma_wait3A_214 = arith.constant 0 : i32
    %dma_wait3A_215 = tpu.memref_slice %arg17[%dma_wait3A_214] : memref<10240xf32, #tpu.memory_space<vmem_shared>> -> memref<10240xf32, #tpu.memory_space<vmem_shared>>
    tpu.wait_indirect_dma semaphore(%arg21 : memref<!tpu.dma_semaphore, #tpu.memory_space<semaphore_mem>>) src(%arg9 : memref<8000xf32, #tpu.memory_space<vmem>>) dst(%dma_wait3A_215 : memref<10240xf32, #tpu.memory_space<vmem_shared>>)
    %barrier3A_216 = arith.constant 0 : index
    tpu.barrier barrier_id(%barrier3A_216)
    %mul3A_217 = arith.constant 640 : i32
    %mul3A_218 = arith.muli %arg1, %mul3A_217 : i32
    "tpu.region"() ({
      %run_scoped3A = tpu.sem_alloc : memref<!tpu.dma_semaphore, #tpu.memory_space<semaphore_mem>>
      %dma_start3A_921 = tpu.memref_slice %arg17[%mul3A_218] : memref<10240xf32, #tpu.memory_space<vmem_shared>> -> memref<640xf32, #tpu.memory_space<vmem_shared>>
      %dma_start3A_922 = tpu.memref_slice %arg17[%mul3A_218] : memref<10240xf32, #tpu.memory_space<vmem_shared>> -> memref<640xf32, #tpu.memory_space<vmem_shared>>
      tpu.enqueue_dma source(%dma_start3A_922 : memref<640xf32, #tpu.memory_space<vmem_shared>>) target(%arg16 : memref<640xf32, #tpu.memory_space<vmem>>) target_semaphore(%run_scoped3A : memref<!tpu.dma_semaphore, #tpu.memory_space<semaphore_mem>>)
      %dma_wait3A_923 = tpu.memref_slice %arg17[%mul3A_218] : memref<10240xf32, #tpu.memory_space<vmem_shared>> -> memref<640xf32, #tpu.memory_space<vmem_shared>>
      %dma_wait3A_924 = tpu.memref_slice %arg17[%mul3A_218] : memref<10240xf32, #tpu.memory_space<vmem_shared>> -> memref<640xf32, #tpu.memory_space<vmem_shared>>
      tpu.wait_dma2 semaphore(%run_scoped3A : memref<!tpu.dma_semaphore, #tpu.memory_space<semaphore_mem>>) src(%dma_wait3A_924 : memref<640xf32, #tpu.memory_space<vmem_shared>>) dst(%arg16 : memref<640xf32, #tpu.memory_space<vmem>>)
      tpu.yield
    }) : () -> ()
    %get3A = arith.constant 0 : index
    %get3A_219 = tpu.vector_load %arg16[%get3A] {strides = array<i32>} : memref<640xf32, #tpu.memory_space<vmem>>, vector<16xf32>,
    %max3A = arith.constant 1.000000e+00 : f32
    %max3A_220 = vector.broadcast %max3A : f32 to vector<16xf32>
    %max3A_221 = arith.maximumf %get3A_219, %max3A_220 : vector<16xf32>
    %div3A = arith.constant 1.000000e+00 : f32
    %div3A_222 = vector.broadcast %div3A : f32 to vector<16xf32>
    %div3A_223 = arith.divf %div3A_222, %max3A_221 : vector<16xf32>
    %swap3A_224 = arith.constant 0 : index
    %swap3A_225 = tpu.vector_load %arg16[%swap3A_224] {strides = array<i32>} : memref<640xf32, #tpu.memory_space<vmem>>, vector<16xf32>,
    tpu.vector_store %arg16[%swap3A_224], %div3A_223 {strides = array<i32>} : memref<640xf32, #tpu.memory_space<vmem>>, vector<16xf32>,
    %get3A_226 = arith.constant 16 : index
    %get3A_227 = tpu.vector_load %arg16[%get3A_226] {strides = array<i32>} : memref<640xf32, #tpu.memory_space<vmem>>, vector<16xf32>,
    %max3A_228 = arith.constant 1.000000e+00 : f32
    %max3A_229 = vector.broadcast %max3A_228 : f32 to vector<16xf32>
    %max3A_230 = arith.maximumf %get3A_227, %max3A_229 : vector<16xf32>
    %div3A_231 = arith.constant 1.000000e+00 : f32
    %div3A_232 = vector.broadcast %div3A_231 : f32 to vector<16xf32>
    %div3A_233 = arith.divf %div3A_232, %max3A_230 : vector<16xf32>
    %swap3A_234 = arith.constant 16 : index
    %swap3A_235 = tpu.vector_load %arg16[%swap3A_234] {strides = array<i32>} : memref<640xf32, #tpu.memory_space<vmem>>, vector<16xf32>,
    tpu.vector_store %arg16[%swap3A_234], %div3A_233 {strides = array<i32>} : memref<640xf32, #tpu.memory_space<vmem>>, vector<16xf32>,
    %get3A_236 = arith.constant 32 : index
    %get3A_237 = tpu.vector_load %arg16[%get3A_236] {strides = array<i32>} : memref<640xf32, #tpu.memory_space<vmem>>, vector<16xf32>,
    %max3A_238 = arith.constant 1.000000e+00 : f32
    %max3A_239 = vector.broadcast %max3A_238 : f32 to vector<16xf32>
    %max3A_240 = arith.maximumf %get3A_237, %max3A_239 : vector<16xf32>
    %div3A_241 = arith.constant 1.000000e+00 : f32
    %div3A_242 = vector.broadcast %div3A_241 : f32 to vector<16xf32>
    %div3A_243 = arith.divf %div3A_242, %max3A_240 : vector<16xf32>
    %swap3A_244 = arith.constant 32 : index
    %swap3A_245 = tpu.vector_load %arg16[%swap3A_244] {strides = array<i32>} : memref<640xf32, #tpu.memory_space<vmem>>, vector<16xf32>,
    tpu.vector_store %arg16[%swap3A_244], %div3A_243 {strides = array<i32>} : memref<640xf32, #tpu.memory_space<vmem>>, vector<16xf32>,
    %get3A_246 = arith.constant 48 : index
    %get3A_247 = tpu.vector_load %arg16[%get3A_246] {strides = array<i32>} : memref<640xf32, #tpu.memory_space<vmem>>, vector<16xf32>,
    %max3A_248 = arith.constant 1.000000e+00 : f32
    %max3A_249 = vector.broadcast %max3A_248 : f32 to vector<16xf32>
    %max3A_250 = arith.maximumf %get3A_247, %max3A_249 : vector<16xf32>
    %div3A_251 = arith.constant 1.000000e+00 : f32
    %div3A_252 = vector.broadcast %div3A_251 : f32 to vector<16xf32>
    %div3A_253 = arith.divf %div3A_252, %max3A_250 : vector<16xf32>
    %swap3A_254 = arith.constant 48 : index
    %swap3A_255 = tpu.vector_load %arg16[%swap3A_254] {strides = array<i32>} : memref<640xf32, #tpu.memory_space<vmem>>, vector<16xf32>,
    tpu.vector_store %arg16[%swap3A_254], %div3A_253 {strides = array<i32>} : memref<640xf32, #tpu.memory_space<vmem>>, vector<16xf32>,
    %get3A_256 = arith.constant 64 : index
    %get3A_257 = tpu.vector_load %arg16[%get3A_256] {strides = array<i32>} : memref<640xf32, #tpu.memory_space<vmem>>, vector<16xf32>,
    %max3A_258 = arith.constant 1.000000e+00 : f32
    %max3A_259 = vector.broadcast %max3A_258 : f32 to vector<16xf32>
    %max3A_260 = arith.maximumf %get3A_257, %max3A_259 : vector<16xf32>
    %div3A_261 = arith.constant 1.000000e+00 : f32
    %div3A_262 = vector.broadcast %div3A_261 : f32 to vector<16xf32>
    %div3A_263 = arith.divf %div3A_262, %max3A_260 : vector<16xf32>
    %swap3A_264 = arith.constant 64 : index
    %swap3A_265 = tpu.vector_load %arg16[%swap3A_264] {strides = array<i32>} : memref<640xf32, #tpu.memory_space<vmem>>, vector<16xf32>,
    tpu.vector_store %arg16[%swap3A_264], %div3A_263 {strides = array<i32>} : memref<640xf32, #tpu.memory_space<vmem>>, vector<16xf32>,
    %get3A_266 = arith.constant 80 : index
    %get3A_267 = tpu.vector_load %arg16[%get3A_266] {strides = array<i32>} : memref<640xf32, #tpu.memory_space<vmem>>, vector<16xf32>,
    %max3A_268 = arith.constant 1.000000e+00 : f32
    %max3A_269 = vector.broadcast %max3A_268 : f32 to vector<16xf32>
    %max3A_270 = arith.maximumf %get3A_267, %max3A_269 : vector<16xf32>
    %div3A_271 = arith.constant 1.000000e+00 : f32
    %div3A_272 = vector.broadcast %div3A_271 : f32 to vector<16xf32>
    %div3A_273 = arith.divf %div3A_272, %max3A_270 : vector<16xf32>
    %swap3A_274 = arith.constant 80 : index
    %swap3A_275 = tpu.vector_load %arg16[%swap3A_274] {strides = array<i32>} : memref<640xf32, #tpu.memory_space<vmem>>, vector<16xf32>,
    tpu.vector_store %arg16[%swap3A_274], %div3A_273 {strides = array<i32>} : memref<640xf32, #tpu.memory_space<vmem>>, vector<16xf32>,
    %get3A_276 = arith.constant 96 : index
    %get3A_277 = tpu.vector_load %arg16[%get3A_276] {strides = array<i32>} : memref<640xf32, #tpu.memory_space<vmem>>, vector<16xf32>,
    %max3A_278 = arith.constant 1.000000e+00 : f32
    %max3A_279 = vector.broadcast %max3A_278 : f32 to vector<16xf32>
    %max3A_280 = arith.maximumf %get3A_277, %max3A_279 : vector<16xf32>
    %div3A_281 = arith.constant 1.000000e+00 : f32
    %div3A_282 = vector.broadcast %div3A_281 : f32 to vector<16xf32>
    %div3A_283 = arith.divf %div3A_282, %max3A_280 : vector<16xf32>
    %swap3A_284 = arith.constant 96 : index
    %swap3A_285 = tpu.vector_load %arg16[%swap3A_284] {strides = array<i32>} : memref<640xf32, #tpu.memory_space<vmem>>, vector<16xf32>,
    tpu.vector_store %arg16[%swap3A_284], %div3A_283 {strides = array<i32>} : memref<640xf32, #tpu.memory_space<vmem>>, vector<16xf32>,
    %get3A_286 = arith.constant 112 : index
    %get3A_287 = tpu.vector_load %arg16[%get3A_286] {strides = array<i32>} : memref<640xf32, #tpu.memory_space<vmem>>, vector<16xf32>,
    %max3A_288 = arith.constant 1.000000e+00 : f32
    %max3A_289 = vector.broadcast %max3A_288 : f32 to vector<16xf32>
    %max3A_290 = arith.maximumf %get3A_287, %max3A_289 : vector<16xf32>
    %div3A_291 = arith.constant 1.000000e+00 : f32
    %div3A_292 = vector.broadcast %div3A_291 : f32 to vector<16xf32>
    %div3A_293 = arith.divf %div3A_292, %max3A_290 : vector<16xf32>
    %swap3A_294 = arith.constant 112 : index
    %swap3A_295 = tpu.vector_load %arg16[%swap3A_294] {strides = array<i32>} : memref<640xf32, #tpu.memory_space<vmem>>, vector<16xf32>,
    tpu.vector_store %arg16[%swap3A_294], %div3A_293 {strides = array<i32>} : memref<640xf32, #tpu.memory_space<vmem>>, vector<16xf32>,
    %get3A_296 = arith.constant 128 : index
    %get3A_297 = tpu.vector_load %arg16[%get3A_296] {strides = array<i32>} : memref<640xf32, #tpu.memory_space<vmem>>, vector<16xf32>,
    %max3A_298 = arith.constant 1.000000e+00 : f32
    %max3A_299 = vector.broadcast %max3A_298 : f32 to vector<16xf32>
    %max3A_300 = arith.maximumf %get3A_297, %max3A_299 : vector<16xf32>
    %div3A_301 = arith.constant 1.000000e+00 : f32
    %div3A_302 = vector.broadcast %div3A_301 : f32 to vector<16xf32>
    %div3A_303 = arith.divf %div3A_302, %max3A_300 : vector<16xf32>
    %swap3A_304 = arith.constant 128 : index
    %swap3A_305 = tpu.vector_load %arg16[%swap3A_304] {strides = array<i32>} : memref<640xf32, #tpu.memory_space<vmem>>, vector<16xf32>,
    tpu.vector_store %arg16[%swap3A_304], %div3A_303 {strides = array<i32>} : memref<640xf32, #tpu.memory_space<vmem>>, vector<16xf32>,
    %get3A_306 = arith.constant 144 : index
    %get3A_307 = tpu.vector_load %arg16[%get3A_306] {strides = array<i32>} : memref<640xf32, #tpu.memory_space<vmem>>, vector<16xf32>,
    %max3A_308 = arith.constant 1.000000e+00 : f32
    %max3A_309 = vector.broadcast %max3A_308 : f32 to vector<16xf32>
    %max3A_310 = arith.maximumf %get3A_307, %max3A_309 : vector<16xf32>
    %div3A_311 = arith.constant 1.000000e+00 : f32
    %div3A_312 = vector.broadcast %div3A_311 : f32 to vector<16xf32>
    %div3A_313 = arith.divf %div3A_312, %max3A_310 : vector<16xf32>
    %swap3A_314 = arith.constant 144 : index
    %swap3A_315 = tpu.vector_load %arg16[%swap3A_314] {strides = array<i32>} : memref<640xf32, #tpu.memory_space<vmem>>, vector<16xf32>,
    tpu.vector_store %arg16[%swap3A_314], %div3A_313 {strides = array<i32>} : memref<640xf32, #tpu.memory_space<vmem>>, vector<16xf32>,
    %get3A_316 = arith.constant 160 : index
    %get3A_317 = tpu.vector_load %arg16[%get3A_316] {strides = array<i32>} : memref<640xf32, #tpu.memory_space<vmem>>, vector<16xf32>,
    %max3A_318 = arith.constant 1.000000e+00 : f32
    %max3A_319 = vector.broadcast %max3A_318 : f32 to vector<16xf32>
    %max3A_320 = arith.maximumf %get3A_317, %max3A_319 : vector<16xf32>
    %div3A_321 = arith.constant 1.000000e+00 : f32
    %div3A_322 = vector.broadcast %div3A_321 : f32 to vector<16xf32>
    %div3A_323 = arith.divf %div3A_322, %max3A_320 : vector<16xf32>
    %swap3A_324 = arith.constant 160 : index
    %swap3A_325 = tpu.vector_load %arg16[%swap3A_324] {strides = array<i32>} : memref<640xf32, #tpu.memory_space<vmem>>, vector<16xf32>,
    tpu.vector_store %arg16[%swap3A_324], %div3A_323 {strides = array<i32>} : memref<640xf32, #tpu.memory_space<vmem>>, vector<16xf32>,
    %get3A_326 = arith.constant 176 : index
    %get3A_327 = tpu.vector_load %arg16[%get3A_326] {strides = array<i32>} : memref<640xf32, #tpu.memory_space<vmem>>, vector<16xf32>,
    %max3A_328 = arith.constant 1.000000e+00 : f32
    %max3A_329 = vector.broadcast %max3A_328 : f32 to vector<16xf32>
    %max3A_330 = arith.maximumf %get3A_327, %max3A_329 : vector<16xf32>
    %div3A_331 = arith.constant 1.000000e+00 : f32
    %div3A_332 = vector.broadcast %div3A_331 : f32 to vector<16xf32>
    %div3A_333 = arith.divf %div3A_332, %max3A_330 : vector<16xf32>
    %swap3A_334 = arith.constant 176 : index
    %swap3A_335 = tpu.vector_load %arg16[%swap3A_334] {strides = array<i32>} : memref<640xf32, #tpu.memory_space<vmem>>, vector<16xf32>,
    tpu.vector_store %arg16[%swap3A_334], %div3A_333 {strides = array<i32>} : memref<640xf32, #tpu.memory_space<vmem>>, vector<16xf32>,
    %get3A_336 = arith.constant 192 : index
    %get3A_337 = tpu.vector_load %arg16[%get3A_336] {strides = array<i32>} : memref<640xf32, #tpu.memory_space<vmem>>, vector<16xf32>,
    %max3A_338 = arith.constant 1.000000e+00 : f32
    %max3A_339 = vector.broadcast %max3A_338 : f32 to vector<16xf32>
    %max3A_340 = arith.maximumf %get3A_337, %max3A_339 : vector<16xf32>
    %div3A_341 = arith.constant 1.000000e+00 : f32
    %div3A_342 = vector.broadcast %div3A_341 : f32 to vector<16xf32>
    %div3A_343 = arith.divf %div3A_342, %max3A_340 : vector<16xf32>
    %swap3A_344 = arith.constant 192 : index
    %swap3A_345 = tpu.vector_load %arg16[%swap3A_344] {strides = array<i32>} : memref<640xf32, #tpu.memory_space<vmem>>, vector<16xf32>,
    tpu.vector_store %arg16[%swap3A_344], %div3A_343 {strides = array<i32>} : memref<640xf32, #tpu.memory_space<vmem>>, vector<16xf32>,
    %get3A_346 = arith.constant 208 : index
    %get3A_347 = tpu.vector_load %arg16[%get3A_346] {strides = array<i32>} : memref<640xf32, #tpu.memory_space<vmem>>, vector<16xf32>,
    %max3A_348 = arith.constant 1.000000e+00 : f32
    %max3A_349 = vector.broadcast %max3A_348 : f32 to vector<16xf32>
    %max3A_350 = arith.maximumf %get3A_347, %max3A_349 : vector<16xf32>
    %div3A_351 = arith.constant 1.000000e+00 : f32
    %div3A_352 = vector.broadcast %div3A_351 : f32 to vector<16xf32>
    %div3A_353 = arith.divf %div3A_352, %max3A_350 : vector<16xf32>
    %swap3A_354 = arith.constant 208 : index
    %swap3A_355 = tpu.vector_load %arg16[%swap3A_354] {strides = array<i32>} : memref<640xf32, #tpu.memory_space<vmem>>, vector<16xf32>,
    tpu.vector_store %arg16[%swap3A_354], %div3A_353 {strides = array<i32>} : memref<640xf32, #tpu.memory_space<vmem>>, vector<16xf32>,
    %get3A_356 = arith.constant 224 : index
    %get3A_357 = tpu.vector_load %arg16[%get3A_356] {strides = array<i32>} : memref<640xf32, #tpu.memory_space<vmem>>, vector<16xf32>,
    %max3A_358 = arith.constant 1.000000e+00 : f32
    %max3A_359 = vector.broadcast %max3A_358 : f32 to vector<16xf32>
    %max3A_360 = arith.maximumf %get3A_357, %max3A_359 : vector<16xf32>
    %div3A_361 = arith.constant 1.000000e+00 : f32
    %div3A_362 = vector.broadcast %div3A_361 : f32 to vector<16xf32>
    %div3A_363 = arith.divf %div3A_362, %max3A_360 : vector<16xf32>
    %swap3A_364 = arith.constant 224 : index
    %swap3A_365 = tpu.vector_load %arg16[%swap3A_364] {strides = array<i32>} : memref<640xf32, #tpu.memory_space<vmem>>, vector<16xf32>,
    tpu.vector_store %arg16[%swap3A_364], %div3A_363 {strides = array<i32>} : memref<640xf32, #tpu.memory_space<vmem>>, vector<16xf32>,
    %get3A_366 = arith.constant 240 : index
    %get3A_367 = tpu.vector_load %arg16[%get3A_366] {strides = array<i32>} : memref<640xf32, #tpu.memory_space<vmem>>, vector<16xf32>,
    %max3A_368 = arith.constant 1.000000e+00 : f32
    %max3A_369 = vector.broadcast %max3A_368 : f32 to vector<16xf32>
    %max3A_370 = arith.maximumf %get3A_367, %max3A_369 : vector<16xf32>
    %div3A_371 = arith.constant 1.000000e+00 : f32
    %div3A_372 = vector.broadcast %div3A_371 : f32 to vector<16xf32>
    %div3A_373 = arith.divf %div3A_372, %max3A_370 : vector<16xf32>
    %swap3A_374 = arith.constant 240 : index
    %swap3A_375 = tpu.vector_load %arg16[%swap3A_374] {strides = array<i32>} : memref<640xf32, #tpu.memory_space<vmem>>, vector<16xf32>,
    tpu.vector_store %arg16[%swap3A_374], %div3A_373 {strides = array<i32>} : memref<640xf32, #tpu.memory_space<vmem>>, vector<16xf32>,
    %get3A_376 = arith.constant 256 : index
    %get3A_377 = tpu.vector_load %arg16[%get3A_376] {strides = array<i32>} : memref<640xf32, #tpu.memory_space<vmem>>, vector<16xf32>,
    %max3A_378 = arith.constant 1.000000e+00 : f32
    %max3A_379 = vector.broadcast %max3A_378 : f32 to vector<16xf32>
    %max3A_380 = arith.maximumf %get3A_377, %max3A_379 : vector<16xf32>
    %div3A_381 = arith.constant 1.000000e+00 : f32
    %div3A_382 = vector.broadcast %div3A_381 : f32 to vector<16xf32>
    %div3A_383 = arith.divf %div3A_382, %max3A_380 : vector<16xf32>
    %swap3A_384 = arith.constant 256 : index
    %swap3A_385 = tpu.vector_load %arg16[%swap3A_384] {strides = array<i32>} : memref<640xf32, #tpu.memory_space<vmem>>, vector<16xf32>,
    tpu.vector_store %arg16[%swap3A_384], %div3A_383 {strides = array<i32>} : memref<640xf32, #tpu.memory_space<vmem>>, vector<16xf32>,
    %get3A_386 = arith.constant 272 : index
    %get3A_387 = tpu.vector_load %arg16[%get3A_386] {strides = array<i32>} : memref<640xf32, #tpu.memory_space<vmem>>, vector<16xf32>,
    %max3A_388 = arith.constant 1.000000e+00 : f32
    %max3A_389 = vector.broadcast %max3A_388 : f32 to vector<16xf32>
    %max3A_390 = arith.maximumf %get3A_387, %max3A_389 : vector<16xf32>
    %div3A_391 = arith.constant 1.000000e+00 : f32
    %div3A_392 = vector.broadcast %div3A_391 : f32 to vector<16xf32>
    %div3A_393 = arith.divf %div3A_392, %max3A_390 : vector<16xf32>
    %swap3A_394 = arith.constant 272 : index
    %swap3A_395 = tpu.vector_load %arg16[%swap3A_394] {strides = array<i32>} : memref<640xf32, #tpu.memory_space<vmem>>, vector<16xf32>,
    tpu.vector_store %arg16[%swap3A_394], %div3A_393 {strides = array<i32>} : memref<640xf32, #tpu.memory_space<vmem>>, vector<16xf32>,
    %get3A_396 = arith.constant 288 : index
    %get3A_397 = tpu.vector_load %arg16[%get3A_396] {strides = array<i32>} : memref<640xf32, #tpu.memory_space<vmem>>, vector<16xf32>,
    %max3A_398 = arith.constant 1.000000e+00 : f32
    %max3A_399 = vector.broadcast %max3A_398 : f32 to vector<16xf32>
    %max3A_400 = arith.maximumf %get3A_397, %max3A_399 : vector<16xf32>
    %div3A_401 = arith.constant 1.000000e+00 : f32
    %div3A_402 = vector.broadcast %div3A_401 : f32 to vector<16xf32>
    %div3A_403 = arith.divf %div3A_402, %max3A_400 : vector<16xf32>
    %swap3A_404 = arith.constant 288 : index
    %swap3A_405 = tpu.vector_load %arg16[%swap3A_404] {strides = array<i32>} : memref<640xf32, #tpu.memory_space<vmem>>, vector<16xf32>,
    tpu.vector_store %arg16[%swap3A_404], %div3A_403 {strides = array<i32>} : memref<640xf32, #tpu.memory_space<vmem>>, vector<16xf32>,
    %get3A_406 = arith.constant 304 : index
    %get3A_407 = tpu.vector_load %arg16[%get3A_406] {strides = array<i32>} : memref<640xf32, #tpu.memory_space<vmem>>, vector<16xf32>,
    %max3A_408 = arith.constant 1.000000e+00 : f32
    %max3A_409 = vector.broadcast %max3A_408 : f32 to vector<16xf32>
    %max3A_410 = arith.maximumf %get3A_407, %max3A_409 : vector<16xf32>
    %div3A_411 = arith.constant 1.000000e+00 : f32
    %div3A_412 = vector.broadcast %div3A_411 : f32 to vector<16xf32>
    %div3A_413 = arith.divf %div3A_412, %max3A_410 : vector<16xf32>
    %swap3A_414 = arith.constant 304 : index
    %swap3A_415 = tpu.vector_load %arg16[%swap3A_414] {strides = array<i32>} : memref<640xf32, #tpu.memory_space<vmem>>, vector<16xf32>,
    tpu.vector_store %arg16[%swap3A_414], %div3A_413 {strides = array<i32>} : memref<640xf32, #tpu.memory_space<vmem>>, vector<16xf32>,
    %get3A_416 = arith.constant 320 : index
    %get3A_417 = tpu.vector_load %arg16[%get3A_416] {strides = array<i32>} : memref<640xf32, #tpu.memory_space<vmem>>, vector<16xf32>,
    %max3A_418 = arith.constant 1.000000e+00 : f32
    %max3A_419 = vector.broadcast %max3A_418 : f32 to vector<16xf32>
    %max3A_420 = arith.maximumf %get3A_417, %max3A_419 : vector<16xf32>
    %div3A_421 = arith.constant 1.000000e+00 : f32
    %div3A_422 = vector.broadcast %div3A_421 : f32 to vector<16xf32>
    %div3A_423 = arith.divf %div3A_422, %max3A_420 : vector<16xf32>
    %swap3A_424 = arith.constant 320 : index
    %swap3A_425 = tpu.vector_load %arg16[%swap3A_424] {strides = array<i32>} : memref<640xf32, #tpu.memory_space<vmem>>, vector<16xf32>,
    tpu.vector_store %arg16[%swap3A_424], %div3A_423 {strides = array<i32>} : memref<640xf32, #tpu.memory_space<vmem>>, vector<16xf32>,
    %get3A_426 = arith.constant 336 : index
    %get3A_427 = tpu.vector_load %arg16[%get3A_426] {strides = array<i32>} : memref<640xf32, #tpu.memory_space<vmem>>, vector<16xf32>,
    %max3A_428 = arith.constant 1.000000e+00 : f32
    %max3A_429 = vector.broadcast %max3A_428 : f32 to vector<16xf32>
    %max3A_430 = arith.maximumf %get3A_427, %max3A_429 : vector<16xf32>
    %div3A_431 = arith.constant 1.000000e+00 : f32
    %div3A_432 = vector.broadcast %div3A_431 : f32 to vector<16xf32>
    %div3A_433 = arith.divf %div3A_432, %max3A_430 : vector<16xf32>
    %swap3A_434 = arith.constant 336 : index
    %swap3A_435 = tpu.vector_load %arg16[%swap3A_434] {strides = array<i32>} : memref<640xf32, #tpu.memory_space<vmem>>, vector<16xf32>,
    tpu.vector_store %arg16[%swap3A_434], %div3A_433 {strides = array<i32>} : memref<640xf32, #tpu.memory_space<vmem>>, vector<16xf32>,
    %get3A_436 = arith.constant 352 : index
    %get3A_437 = tpu.vector_load %arg16[%get3A_436] {strides = array<i32>} : memref<640xf32, #tpu.memory_space<vmem>>, vector<16xf32>,
    %max3A_438 = arith.constant 1.000000e+00 : f32
    %max3A_439 = vector.broadcast %max3A_438 : f32 to vector<16xf32>
    %max3A_440 = arith.maximumf %get3A_437, %max3A_439 : vector<16xf32>
    %div3A_441 = arith.constant 1.000000e+00 : f32
    %div3A_442 = vector.broadcast %div3A_441 : f32 to vector<16xf32>
    %div3A_443 = arith.divf %div3A_442, %max3A_440 : vector<16xf32>
    %swap3A_444 = arith.constant 352 : index
    %swap3A_445 = tpu.vector_load %arg16[%swap3A_444] {strides = array<i32>} : memref<640xf32, #tpu.memory_space<vmem>>, vector<16xf32>,
    tpu.vector_store %arg16[%swap3A_444], %div3A_443 {strides = array<i32>} : memref<640xf32, #tpu.memory_space<vmem>>, vector<16xf32>,
    %get3A_446 = arith.constant 368 : index
    %get3A_447 = tpu.vector_load %arg16[%get3A_446] {strides = array<i32>} : memref<640xf32, #tpu.memory_space<vmem>>, vector<16xf32>,
    %max3A_448 = arith.constant 1.000000e+00 : f32
    %max3A_449 = vector.broadcast %max3A_448 : f32 to vector<16xf32>
    %max3A_450 = arith.maximumf %get3A_447, %max3A_449 : vector<16xf32>
    %div3A_451 = arith.constant 1.000000e+00 : f32
    %div3A_452 = vector.broadcast %div3A_451 : f32 to vector<16xf32>
    %div3A_453 = arith.divf %div3A_452, %max3A_450 : vector<16xf32>
    %swap3A_454 = arith.constant 368 : index
    %swap3A_455 = tpu.vector_load %arg16[%swap3A_454] {strides = array<i32>} : memref<640xf32, #tpu.memory_space<vmem>>, vector<16xf32>,
    tpu.vector_store %arg16[%swap3A_454], %div3A_453 {strides = array<i32>} : memref<640xf32, #tpu.memory_space<vmem>>, vector<16xf32>,
    %get3A_456 = arith.constant 384 : index
    %get3A_457 = tpu.vector_load %arg16[%get3A_456] {strides = array<i32>} : memref<640xf32, #tpu.memory_space<vmem>>, vector<16xf32>,
    %max3A_458 = arith.constant 1.000000e+00 : f32
    %max3A_459 = vector.broadcast %max3A_458 : f32 to vector<16xf32>
    %max3A_460 = arith.maximumf %get3A_457, %max3A_459 : vector<16xf32>
    %div3A_461 = arith.constant 1.000000e+00 : f32
    %div3A_462 = vector.broadcast %div3A_461 : f32 to vector<16xf32>
    %div3A_463 = arith.divf %div3A_462, %max3A_460 : vector<16xf32>
    %swap3A_464 = arith.constant 384 : index
    %swap3A_465 = tpu.vector_load %arg16[%swap3A_464] {strides = array<i32>} : memref<640xf32, #tpu.memory_space<vmem>>, vector<16xf32>,
    tpu.vector_store %arg16[%swap3A_464], %div3A_463 {strides = array<i32>} : memref<640xf32, #tpu.memory_space<vmem>>, vector<16xf32>,
    %get3A_466 = arith.constant 400 : index
    %get3A_467 = tpu.vector_load %arg16[%get3A_466] {strides = array<i32>} : memref<640xf32, #tpu.memory_space<vmem>>, vector<16xf32>,
    %max3A_468 = arith.constant 1.000000e+00 : f32
    %max3A_469 = vector.broadcast %max3A_468 : f32 to vector<16xf32>
    %max3A_470 = arith.maximumf %get3A_467, %max3A_469 : vector<16xf32>
    %div3A_471 = arith.constant 1.000000e+00 : f32
    %div3A_472 = vector.broadcast %div3A_471 : f32 to vector<16xf32>
    %div3A_473 = arith.divf %div3A_472, %max3A_470 : vector<16xf32>
    %swap3A_474 = arith.constant 400 : index
    %swap3A_475 = tpu.vector_load %arg16[%swap3A_474] {strides = array<i32>} : memref<640xf32, #tpu.memory_space<vmem>>, vector<16xf32>,
    tpu.vector_store %arg16[%swap3A_474], %div3A_473 {strides = array<i32>} : memref<640xf32, #tpu.memory_space<vmem>>, vector<16xf32>,
    %get3A_476 = arith.constant 416 : index
    %get3A_477 = tpu.vector_load %arg16[%get3A_476] {strides = array<i32>} : memref<640xf32, #tpu.memory_space<vmem>>, vector<16xf32>,
    %max3A_478 = arith.constant 1.000000e+00 : f32
    %max3A_479 = vector.broadcast %max3A_478 : f32 to vector<16xf32>
    %max3A_480 = arith.maximumf %get3A_477, %max3A_479 : vector<16xf32>
    %div3A_481 = arith.constant 1.000000e+00 : f32
    %div3A_482 = vector.broadcast %div3A_481 : f32 to vector<16xf32>
    %div3A_483 = arith.divf %div3A_482, %max3A_480 : vector<16xf32>
    %swap3A_484 = arith.constant 416 : index
    %swap3A_485 = tpu.vector_load %arg16[%swap3A_484] {strides = array<i32>} : memref<640xf32, #tpu.memory_space<vmem>>, vector<16xf32>,
    tpu.vector_store %arg16[%swap3A_484], %div3A_483 {strides = array<i32>} : memref<640xf32, #tpu.memory_space<vmem>>, vector<16xf32>,
    %get3A_486 = arith.constant 432 : index
    %get3A_487 = tpu.vector_load %arg16[%get3A_486] {strides = array<i32>} : memref<640xf32, #tpu.memory_space<vmem>>, vector<16xf32>,
    %max3A_488 = arith.constant 1.000000e+00 : f32
    %max3A_489 = vector.broadcast %max3A_488 : f32 to vector<16xf32>
    %max3A_490 = arith.maximumf %get3A_487, %max3A_489 : vector<16xf32>
    %div3A_491 = arith.constant 1.000000e+00 : f32
    %div3A_492 = vector.broadcast %div3A_491 : f32 to vector<16xf32>
    %div3A_493 = arith.divf %div3A_492, %max3A_490 : vector<16xf32>
    %swap3A_494 = arith.constant 432 : index
    %swap3A_495 = tpu.vector_load %arg16[%swap3A_494] {strides = array<i32>} : memref<640xf32, #tpu.memory_space<vmem>>, vector<16xf32>,
    tpu.vector_store %arg16[%swap3A_494], %div3A_493 {strides = array<i32>} : memref<640xf32, #tpu.memory_space<vmem>>, vector<16xf32>,
    %get3A_496 = arith.constant 448 : index
    %get3A_497 = tpu.vector_load %arg16[%get3A_496] {strides = array<i32>} : memref<640xf32, #tpu.memory_space<vmem>>, vector<16xf32>,
    %max3A_498 = arith.constant 1.000000e+00 : f32
    %max3A_499 = vector.broadcast %max3A_498 : f32 to vector<16xf32>
    %max3A_500 = arith.maximumf %get3A_497, %max3A_499 : vector<16xf32>
    %div3A_501 = arith.constant 1.000000e+00 : f32
    %div3A_502 = vector.broadcast %div3A_501 : f32 to vector<16xf32>
    %div3A_503 = arith.divf %div3A_502, %max3A_500 : vector<16xf32>
    %swap3A_504 = arith.constant 448 : index
    %swap3A_505 = tpu.vector_load %arg16[%swap3A_504] {strides = array<i32>} : memref<640xf32, #tpu.memory_space<vmem>>, vector<16xf32>,
    tpu.vector_store %arg16[%swap3A_504], %div3A_503 {strides = array<i32>} : memref<640xf32, #tpu.memory_space<vmem>>, vector<16xf32>,
    %get3A_506 = arith.constant 464 : index
    %get3A_507 = tpu.vector_load %arg16[%get3A_506] {strides = array<i32>} : memref<640xf32, #tpu.memory_space<vmem>>, vector<16xf32>,
    %max3A_508 = arith.constant 1.000000e+00 : f32
    %max3A_509 = vector.broadcast %max3A_508 : f32 to vector<16xf32>
    %max3A_510 = arith.maximumf %get3A_507, %max3A_509 : vector<16xf32>
    %div3A_511 = arith.constant 1.000000e+00 : f32
    %div3A_512 = vector.broadcast %div3A_511 : f32 to vector<16xf32>
    %div3A_513 = arith.divf %div3A_512, %max3A_510 : vector<16xf32>
    %swap3A_514 = arith.constant 464 : index
    %swap3A_515 = tpu.vector_load %arg16[%swap3A_514] {strides = array<i32>} : memref<640xf32, #tpu.memory_space<vmem>>, vector<16xf32>,
    tpu.vector_store %arg16[%swap3A_514], %div3A_513 {strides = array<i32>} : memref<640xf32, #tpu.memory_space<vmem>>, vector<16xf32>,
    %get3A_516 = arith.constant 480 : index
    %get3A_517 = tpu.vector_load %arg16[%get3A_516] {strides = array<i32>} : memref<640xf32, #tpu.memory_space<vmem>>, vector<16xf32>,
    %max3A_518 = arith.constant 1.000000e+00 : f32
    %max3A_519 = vector.broadcast %max3A_518 : f32 to vector<16xf32>
    %max3A_520 = arith.maximumf %get3A_517, %max3A_519 : vector<16xf32>
    %div3A_521 = arith.constant 1.000000e+00 : f32
    %div3A_522 = vector.broadcast %div3A_521 : f32 to vector<16xf32>
    %div3A_523 = arith.divf %div3A_522, %max3A_520 : vector<16xf32>
    %swap3A_524 = arith.constant 480 : index
    %swap3A_525 = tpu.vector_load %arg16[%swap3A_524] {strides = array<i32>} : memref<640xf32, #tpu.memory_space<vmem>>, vector<16xf32>,
    tpu.vector_store %arg16[%swap3A_524], %div3A_523 {strides = array<i32>} : memref<640xf32, #tpu.memory_space<vmem>>, vector<16xf32>,
    %get3A_526 = arith.constant 496 : index
    %get3A_527 = tpu.vector_load %arg16[%get3A_526] {strides = array<i32>} : memref<640xf32, #tpu.memory_space<vmem>>, vector<16xf32>,
    %max3A_528 = arith.constant 1.000000e+00 : f32
    %max3A_529 = vector.broadcast %max3A_528 : f32 to vector<16xf32>
    %max3A_530 = arith.maximumf %get3A_527, %max3A_529 : vector<16xf32>
    %div3A_531 = arith.constant 1.000000e+00 : f32
    %div3A_532 = vector.broadcast %div3A_531 : f32 to vector<16xf32>
    %div3A_533 = arith.divf %div3A_532, %max3A_530 : vector<16xf32>
    %swap3A_534 = arith.constant 496 : index
    %swap3A_535 = tpu.vector_load %arg16[%swap3A_534] {strides = array<i32>} : memref<640xf32, #tpu.memory_space<vmem>>, vector<16xf32>,
    tpu.vector_store %arg16[%swap3A_534], %div3A_533 {strides = array<i32>} : memref<640xf32, #tpu.memory_space<vmem>>, vector<16xf32>,
    %get3A_536 = arith.constant 512 : index
    %get3A_537 = tpu.vector_load %arg16[%get3A_536] {strides = array<i32>} : memref<640xf32, #tpu.memory_space<vmem>>, vector<16xf32>,
    %max3A_538 = arith.constant 1.000000e+00 : f32
    %max3A_539 = vector.broadcast %max3A_538 : f32 to vector<16xf32>
    %max3A_540 = arith.maximumf %get3A_537, %max3A_539 : vector<16xf32>
    %div3A_541 = arith.constant 1.000000e+00 : f32
    %div3A_542 = vector.broadcast %div3A_541 : f32 to vector<16xf32>
    %div3A_543 = arith.divf %div3A_542, %max3A_540 : vector<16xf32>
    %swap3A_544 = arith.constant 512 : index
    %swap3A_545 = tpu.vector_load %arg16[%swap3A_544] {strides = array<i32>} : memref<640xf32, #tpu.memory_space<vmem>>, vector<16xf32>,
    tpu.vector_store %arg16[%swap3A_544], %div3A_543 {strides = array<i32>} : memref<640xf32, #tpu.memory_space<vmem>>, vector<16xf32>,
    %get3A_546 = arith.constant 528 : index
    %get3A_547 = tpu.vector_load %arg16[%get3A_546] {strides = array<i32>} : memref<640xf32, #tpu.memory_space<vmem>>, vector<16xf32>,
    %max3A_548 = arith.constant 1.000000e+00 : f32
    %max3A_549 = vector.broadcast %max3A_548 : f32 to vector<16xf32>
    %max3A_550 = arith.maximumf %get3A_547, %max3A_549 : vector<16xf32>
    %div3A_551 = arith.constant 1.000000e+00 : f32
    %div3A_552 = vector.broadcast %div3A_551 : f32 to vector<16xf32>
    %div3A_553 = arith.divf %div3A_552, %max3A_550 : vector<16xf32>
    %swap3A_554 = arith.constant 528 : index
    %swap3A_555 = tpu.vector_load %arg16[%swap3A_554] {strides = array<i32>} : memref<640xf32, #tpu.memory_space<vmem>>, vector<16xf32>,
    tpu.vector_store %arg16[%swap3A_554], %div3A_553 {strides = array<i32>} : memref<640xf32, #tpu.memory_space<vmem>>, vector<16xf32>,
    %get3A_556 = arith.constant 544 : index
    %get3A_557 = tpu.vector_load %arg16[%get3A_556] {strides = array<i32>} : memref<640xf32, #tpu.memory_space<vmem>>, vector<16xf32>,
    %max3A_558 = arith.constant 1.000000e+00 : f32
    %max3A_559 = vector.broadcast %max3A_558 : f32 to vector<16xf32>
    %max3A_560 = arith.maximumf %get3A_557, %max3A_559 : vector<16xf32>
    %div3A_561 = arith.constant 1.000000e+00 : f32
    %div3A_562 = vector.broadcast %div3A_561 : f32 to vector<16xf32>
    %div3A_563 = arith.divf %div3A_562, %max3A_560 : vector<16xf32>
    %swap3A_564 = arith.constant 544 : index
    %swap3A_565 = tpu.vector_load %arg16[%swap3A_564] {strides = array<i32>} : memref<640xf32, #tpu.memory_space<vmem>>, vector<16xf32>,
    tpu.vector_store %arg16[%swap3A_564], %div3A_563 {strides = array<i32>} : memref<640xf32, #tpu.memory_space<vmem>>, vector<16xf32>,
    %get3A_566 = arith.constant 560 : index
    %get3A_567 = tpu.vector_load %arg16[%get3A_566] {strides = array<i32>} : memref<640xf32, #tpu.memory_space<vmem>>, vector<16xf32>,
    %max3A_568 = arith.constant 1.000000e+00 : f32
    %max3A_569 = vector.broadcast %max3A_568 : f32 to vector<16xf32>
    %max3A_570 = arith.maximumf %get3A_567, %max3A_569 : vector<16xf32>
    %div3A_571 = arith.constant 1.000000e+00 : f32
    %div3A_572 = vector.broadcast %div3A_571 : f32 to vector<16xf32>
    %div3A_573 = arith.divf %div3A_572, %max3A_570 : vector<16xf32>
    %swap3A_574 = arith.constant 560 : index
    %swap3A_575 = tpu.vector_load %arg16[%swap3A_574] {strides = array<i32>} : memref<640xf32, #tpu.memory_space<vmem>>, vector<16xf32>,
    tpu.vector_store %arg16[%swap3A_574], %div3A_573 {strides = array<i32>} : memref<640xf32, #tpu.memory_space<vmem>>, vector<16xf32>,
    %get3A_576 = arith.constant 576 : index
    %get3A_577 = tpu.vector_load %arg16[%get3A_576] {strides = array<i32>} : memref<640xf32, #tpu.memory_space<vmem>>, vector<16xf32>,
    %max3A_578 = arith.constant 1.000000e+00 : f32
    %max3A_579 = vector.broadcast %max3A_578 : f32 to vector<16xf32>
    %max3A_580 = arith.maximumf %get3A_577, %max3A_579 : vector<16xf32>
    %div3A_581 = arith.constant 1.000000e+00 : f32
    %div3A_582 = vector.broadcast %div3A_581 : f32 to vector<16xf32>
    %div3A_583 = arith.divf %div3A_582, %max3A_580 : vector<16xf32>
    %swap3A_584 = arith.constant 576 : index
    %swap3A_585 = tpu.vector_load %arg16[%swap3A_584] {strides = array<i32>} : memref<640xf32, #tpu.memory_space<vmem>>, vector<16xf32>,
    tpu.vector_store %arg16[%swap3A_584], %div3A_583 {strides = array<i32>} : memref<640xf32, #tpu.memory_space<vmem>>, vector<16xf32>,
    %get3A_586 = arith.constant 592 : index
    %get3A_587 = tpu.vector_load %arg16[%get3A_586] {strides = array<i32>} : memref<640xf32, #tpu.memory_space<vmem>>, vector<16xf32>,
    %max3A_588 = arith.constant 1.000000e+00 : f32
    %max3A_589 = vector.broadcast %max3A_588 : f32 to vector<16xf32>
    %max3A_590 = arith.maximumf %get3A_587, %max3A_589 : vector<16xf32>
    %div3A_591 = arith.constant 1.000000e+00 : f32
    %div3A_592 = vector.broadcast %div3A_591 : f32 to vector<16xf32>
    %div3A_593 = arith.divf %div3A_592, %max3A_590 : vector<16xf32>
    %swap3A_594 = arith.constant 592 : index
    %swap3A_595 = tpu.vector_load %arg16[%swap3A_594] {strides = array<i32>} : memref<640xf32, #tpu.memory_space<vmem>>, vector<16xf32>,
    tpu.vector_store %arg16[%swap3A_594], %div3A_593 {strides = array<i32>} : memref<640xf32, #tpu.memory_space<vmem>>, vector<16xf32>,
    %get3A_596 = arith.constant 608 : index
    %get3A_597 = tpu.vector_load %arg16[%get3A_596] {strides = array<i32>} : memref<640xf32, #tpu.memory_space<vmem>>, vector<16xf32>,
    %max3A_598 = arith.constant 1.000000e+00 : f32
    %max3A_599 = vector.broadcast %max3A_598 : f32 to vector<16xf32>
    %max3A_600 = arith.maximumf %get3A_597, %max3A_599 : vector<16xf32>
    %div3A_601 = arith.constant 1.000000e+00 : f32
    %div3A_602 = vector.broadcast %div3A_601 : f32 to vector<16xf32>
    %div3A_603 = arith.divf %div3A_602, %max3A_600 : vector<16xf32>
    %swap3A_604 = arith.constant 608 : index
    %swap3A_605 = tpu.vector_load %arg16[%swap3A_604] {strides = array<i32>} : memref<640xf32, #tpu.memory_space<vmem>>, vector<16xf32>,
    tpu.vector_store %arg16[%swap3A_604], %div3A_603 {strides = array<i32>} : memref<640xf32, #tpu.memory_space<vmem>>, vector<16xf32>,
    %get3A_606 = arith.constant 624 : index
    %get3A_607 = tpu.vector_load %arg16[%get3A_606] {strides = array<i32>} : memref<640xf32, #tpu.memory_space<vmem>>, vector<16xf32>,
    %max3A_608 = arith.constant 1.000000e+00 : f32
    %max3A_609 = vector.broadcast %max3A_608 : f32 to vector<16xf32>
    %max3A_610 = arith.maximumf %get3A_607, %max3A_609 : vector<16xf32>
    %div3A_611 = arith.constant 1.000000e+00 : f32
    %div3A_612 = vector.broadcast %div3A_611 : f32 to vector<16xf32>
    %div3A_613 = arith.divf %div3A_612, %max3A_610 : vector<16xf32>
    %swap3A_614 = arith.constant 624 : index
    %swap3A_615 = tpu.vector_load %arg16[%swap3A_614] {strides = array<i32>} : memref<640xf32, #tpu.memory_space<vmem>>, vector<16xf32>,
    tpu.vector_store %arg16[%swap3A_614], %div3A_613 {strides = array<i32>} : memref<640xf32, #tpu.memory_space<vmem>>, vector<16xf32>,
    %mul3A_616 = arith.constant 640 : i32
    %mul3A_617 = arith.muli %arg1, %mul3A_616 : i32
    "tpu.region"() ({
      %run_scoped3A = tpu.sem_alloc : memref<!tpu.dma_semaphore, #tpu.memory_space<semaphore_mem>>
      %dma_start3A_921 = tpu.memref_slice %arg17[%mul3A_617] : memref<10240xf32, #tpu.memory_space<vmem_shared>> -> memref<640xf32, #tpu.memory_space<vmem_shared>>
      %dma_start3A_922 = tpu.memref_slice %arg17[%mul3A_617] : memref<10240xf32, #tpu.memory_space<vmem_shared>> -> memref<640xf32, #tpu.memory_space<vmem_shared>>
      tpu.enqueue_dma source(%arg16 : memref<640xf32, #tpu.memory_space<vmem>>) target(%dma_start3A_922 : memref<640xf32, #tpu.memory_space<vmem_shared>>) target_semaphore(%run_scoped3A : memref<!tpu.dma_semaphore, #tpu.memory_space<semaphore_mem>>)
      %dma_wait3A_923 = tpu.memref_slice %arg17[%mul3A_617] : memref<10240xf32, #tpu.memory_space<vmem_shared>> -> memref<640xf32, #tpu.memory_space<vmem_shared>>
      %dma_wait3A_924 = tpu.memref_slice %arg17[%mul3A_617] : memref<10240xf32, #tpu.memory_space<vmem_shared>> -> memref<640xf32, #tpu.memory_space<vmem_shared>>
      tpu.wait_dma2 semaphore(%run_scoped3A : memref<!tpu.dma_semaphore, #tpu.memory_space<semaphore_mem>>) src(%arg16 : memref<640xf32, #tpu.memory_space<vmem>>) dst(%dma_wait3A_924 : memref<640xf32, #tpu.memory_space<vmem_shared>>)
      tpu.yield
    }) : () -> ()
    %barrier3A_618 = arith.constant 0 : index
    tpu.barrier barrier_id(%barrier3A_618)
    "tpu.region"() ({
      %run_scoped3A = tpu.sem_alloc : memref<!tpu.dma_semaphore, #tpu.memory_space<semaphore_mem>>
      tpu.enqueue_dma source(%arg17 : memref<10240xf32, #tpu.memory_space<vmem_shared>>) target(%arg6 : memref<10240xf32, #tpu.memory_space<vmem>>) target_semaphore(%run_scoped3A : memref<!tpu.dma_semaphore, #tpu.memory_space<semaphore_mem>>)
      tpu.wait_dma2 semaphore(%run_scoped3A : memref<!tpu.dma_semaphore, #tpu.memory_space<semaphore_mem>>) src(%arg17 : memref<10240xf32, #tpu.memory_space<vmem_shared>>) dst(%arg6 : memref<10240xf32, #tpu.memory_space<vmem>>)
      tpu.yield
    }) : () -> ()
    tpu.wait_dma2 semaphore(%arg18 : memref<!tpu.dma_semaphore, #tpu.memory_space<semaphore_mem>>) src(%arg3 : memref<30000xf32, #tpu.memory_space<hbm>>) dst(%arg5 : memref<30000xf32, #tpu.memory_space<vmem>>)
    %mul3A_619 = arith.constant 20000 : i32
    %mul3A_620 = arith.muli %add3A, %mul3A_619 : i32
    %add3A_621 = arith.constant 0 : i32
    %add3A_622 = arith.addi %mul3A_620, %add3A_621 : i32
    %dma_start3A_623 = tpu.memref_slice %arg2[%add3A_622] : memref<1280000xi32, #tpu.memory_space<hbm>> -> memref<4000xi32, #tpu.memory_space<hbm>>
    %dma_start3A_624 = tpu.memref_slice %arg2[%add3A_622] : memref<1280000xi32, #tpu.memory_space<hbm>> -> memref<4000xi32, #tpu.memory_space<hbm>>
    tpu.enqueue_dma source(%dma_start3A_624 : memref<4000xi32, #tpu.memory_space<hbm>>) target(%arg10 : memref<4000xi32, #tpu.memory_space<vmem>>) target_semaphore(%arg19 : memref<!tpu.dma_semaphore, #tpu.memory_space<semaphore_mem>>)
    %add3A_625 = arith.constant 640000 : i32
    %add3A_626 = arith.addi %add3A_625, %add3A_622 : i32
    %dma_start3A_627 = tpu.memref_slice %arg2[%add3A_626] : memref<1280000xi32, #tpu.memory_space<hbm>> -> memref<4000xi32, #tpu.memory_space<hbm>>
    %dma_start3A_628 = tpu.memref_slice %arg2[%add3A_626] : memref<1280000xi32, #tpu.memory_space<hbm>> -> memref<4000xi32, #tpu.memory_space<hbm>>
    tpu.enqueue_dma source(%dma_start3A_628 : memref<4000xi32, #tpu.memory_space<hbm>>) target(%arg12 : memref<4000xi32, #tpu.memory_space<vmem>>) target_semaphore(%arg19 : memref<!tpu.dma_semaphore, #tpu.memory_space<semaphore_mem>>)
    %dma_wait3A_629 = tpu.memref_slice %arg2[%add3A_622] : memref<1280000xi32, #tpu.memory_space<hbm>> -> memref<4000xi32, #tpu.memory_space<hbm>>
    %dma_wait3A_630 = tpu.memref_slice %arg2[%add3A_622] : memref<1280000xi32, #tpu.memory_space<hbm>> -> memref<4000xi32, #tpu.memory_space<hbm>>
    tpu.wait_dma2 semaphore(%arg19 : memref<!tpu.dma_semaphore, #tpu.memory_space<semaphore_mem>>) src(%dma_wait3A_630 : memref<4000xi32, #tpu.memory_space<hbm>>) dst(%arg10 : memref<4000xi32, #tpu.memory_space<vmem>>)
    %dma_wait3A_631 = tpu.memref_slice %arg2[%add3A_626] : memref<1280000xi32, #tpu.memory_space<hbm>> -> memref<4000xi32, #tpu.memory_space<hbm>>
    %dma_wait3A_632 = tpu.memref_slice %arg2[%add3A_626] : memref<1280000xi32, #tpu.memory_space<hbm>> -> memref<4000xi32, #tpu.memory_space<hbm>>
    tpu.wait_dma2 semaphore(%arg19 : memref<!tpu.dma_semaphore, #tpu.memory_space<semaphore_mem>>) src(%dma_wait3A_632 : memref<4000xi32, #tpu.memory_space<hbm>>) dst(%arg12 : memref<4000xi32, #tpu.memory_space<vmem>>)
    %add3A_633 = arith.constant 4000 : i32
    %add3A_634 = arith.addi %mul3A_620, %add3A_633 : i32
    %dma_start3A_635 = tpu.memref_slice %arg2[%add3A_634] : memref<1280000xi32, #tpu.memory_space<hbm>> -> memref<4000xi32, #tpu.memory_space<hbm>>
    %dma_start3A_636 = tpu.memref_slice %arg2[%add3A_634] : memref<1280000xi32, #tpu.memory_space<hbm>> -> memref<4000xi32, #tpu.memory_space<hbm>>
    tpu.enqueue_dma source(%dma_start3A_636 : memref<4000xi32, #tpu.memory_space<hbm>>) target(%arg11 : memref<4000xi32, #tpu.memory_space<vmem>>) target_semaphore(%arg20 : memref<!tpu.dma_semaphore, #tpu.memory_space<semaphore_mem>>)
    %add3A_637 = arith.constant 640000 : i32
    %add3A_638 = arith.addi %add3A_637, %add3A_634 : i32
    %dma_start3A_639 = tpu.memref_slice %arg2[%add3A_638] : memref<1280000xi32, #tpu.memory_space<hbm>> -> memref<4000xi32, #tpu.memory_space<hbm>>
    %dma_start3A_640 = tpu.memref_slice %arg2[%add3A_638] : memref<1280000xi32, #tpu.memory_space<hbm>> -> memref<4000xi32, #tpu.memory_space<hbm>>
    tpu.enqueue_dma source(%dma_start3A_640 : memref<4000xi32, #tpu.memory_space<hbm>>) target(%arg13 : memref<4000xi32, #tpu.memory_space<vmem>>) target_semaphore(%arg20 : memref<!tpu.dma_semaphore, #tpu.memory_space<semaphore_mem>>)
    %scan3A_641 = arith.constant 0 : i32
    %scan3A_642 = arith.constant 0 : i32
    %scan3A_643 = arith.constant 250 : i32
    %scan3A_644 = arith.addi %scan3A_642, %scan3A_643 : i32
    %scan3A_645 = arith.constant 1 : i32
    scf.for %scan3A_921 = %scan3A_642 to %scan3A_644 step %scan3A_645  : i32 {
      %mul3A_922 = arith.constant 16 : i32
      %mul3A_923 = arith.muli %scan3A_921, %mul3A_922 : i32
      %get3A_924 = arith.index_cast %mul3A_923 : i32 to index
      %get3A_925 = tpu.vector_load %arg10[%get3A_924] {strides = array<i32>} : memref<4000xi32, #tpu.memory_space<vmem>>, vector<16xi32>,
      %mul3A_926 = arith.constant 16 : i32
      %mul3A_927 = arith.muli %scan3A_921, %mul3A_926 : i32
      %get3A_928 = arith.index_cast %mul3A_927 : i32 to index
      %get3A_929 = tpu.vector_load %arg12[%get3A_928] {strides = array<i32>} : memref<4000xi32, #tpu.memory_space<vmem>>, vector<16xi32>,
      %gather3A = tpu.vector_load_idx %arg6[%get3A_929] : memref<10240xf32, #tpu.memory_space<vmem>>[vector<16xi32>], vector<16xf32>,
      %gather3A_930 = tpu.vector_load_idx %arg5[%get3A_925] : memref<30000xf32, #tpu.memory_space<vmem>>[vector<16xi32>], vector<16xf32>,
      %mul3A_931 = arith.mulf %gather3A_930, %gather3A : vector<16xf32>
      %mul3A_932 = arith.constant 16 : i32
      %mul3A_933 = arith.muli %scan3A_921, %mul3A_932 : i32
      %swap3A_934 = arith.index_cast %mul3A_933 : i32 to index
      %swap3A_935 = tpu.vector_load %arg14[%swap3A_934] {strides = array<i32>} : memref<12000xf32, #tpu.memory_space<vmem>>, vector<16xf32>,
      tpu.vector_store %arg14[%swap3A_934], %mul3A_931 {strides = array<i32>} : memref<12000xf32, #tpu.memory_space<vmem>>, vector<16xf32>,
      %add3A_936 = arith.constant 10000 : i32
      %add3A_937 = vector.broadcast %add3A_936 : i32 to vector<16xi32>
      %add3A_938 = arith.addi %get3A_925, %add3A_937 : vector<16xi32>
      %gather3A_939 = tpu.vector_load_idx %arg5[%add3A_938] : memref<30000xf32, #tpu.memory_space<vmem>>[vector<16xi32>], vector<16xf32>,
      %mul3A_940 = arith.mulf %gather3A_939, %gather3A : vector<16xf32>
      %mul3A_941 = arith.constant 16 : i32
      %mul3A_942 = arith.muli %scan3A_921, %mul3A_941 : i32
      %add3A_943 = arith.constant 4000 : i32
      %add3A_944 = arith.addi %add3A_943, %mul3A_942 : i32
      %swap3A_945 = arith.index_cast %add3A_944 : i32 to index
      %swap3A_946 = tpu.vector_load %arg14[%swap3A_945] {strides = array<i32>} : memref<12000xf32, #tpu.memory_space<vmem>>, vector<16xf32>,
      tpu.vector_store %arg14[%swap3A_945], %mul3A_940 {strides = array<i32>} : memref<12000xf32, #tpu.memory_space<vmem>>, vector<16xf32>,
      %add3A_947 = arith.constant 20000 : i32
      %add3A_948 = vector.broadcast %add3A_947 : i32 to vector<16xi32>
      %add3A_949 = arith.addi %get3A_925, %add3A_948 : vector<16xi32>
      %gather3A_950 = tpu.vector_load_idx %arg5[%add3A_949] : memref<30000xf32, #tpu.memory_space<vmem>>[vector<16xi32>], vector<16xf32>,
      %mul3A_951 = arith.mulf %gather3A_950, %gather3A : vector<16xf32>
      %mul3A_952 = arith.constant 16 : i32
      %mul3A_953 = arith.muli %scan3A_921, %mul3A_952 : i32
      %add3A_954 = arith.constant 8000 : i32
      %add3A_955 = arith.addi %add3A_954, %mul3A_953 : i32
      %swap3A_956 = arith.index_cast %add3A_955 : i32 to index
      %swap3A_957 = tpu.vector_load %arg14[%swap3A_956] {strides = array<i32>} : memref<12000xf32, #tpu.memory_space<vmem>>, vector<16xf32>,
      tpu.vector_store %arg14[%swap3A_956], %mul3A_951 {strides = array<i32>} : memref<12000xf32, #tpu.memory_space<vmem>>, vector<16xf32>,
    }
    %scan3A_646 = arith.constant 250 : i32
    %add3A_647 = arith.constant 0 : i32
    %add3A_648 = arith.addi %mul3A_620, %add3A_647 : i32
    %dma_start3A_649 = arith.constant 0 : i32
    %dma_start3A_650 = tpu.memref_slice %arg14[%dma_start3A_649] : memref<12000xf32, #tpu.memory_space<vmem>> -> memref<4000xf32, #tpu.memory_space<vmem>>
    %dma_start3A_651 = tpu.memref_slice %arg4[%add3A_648] : memref<1920000xf32, #tpu.memory_space<hbm>> -> memref<4000xf32, #tpu.memory_space<hbm>>
    %dma_start3A_652 = tpu.memref_slice %arg4[%add3A_648] : memref<1920000xf32, #tpu.memory_space<hbm>> -> memref<4000xf32, #tpu.memory_space<hbm>>
    %dma_start3A_653 = arith.constant 0 : i32
    %dma_start3A_654 = tpu.memref_slice %arg14[%dma_start3A_653] : memref<12000xf32, #tpu.memory_space<vmem>> -> memref<4000xf32, #tpu.memory_space<vmem>>
    tpu.enqueue_dma source(%dma_start3A_654 : memref<4000xf32, #tpu.memory_space<vmem>>) target(%dma_start3A_652 : memref<4000xf32, #tpu.memory_space<hbm>>) target_semaphore(%arg21 : memref<!tpu.dma_semaphore, #tpu.memory_space<semaphore_mem>>)
    %add3A_655 = arith.constant 640000 : i32
    %add3A_656 = arith.addi %add3A_655, %add3A_648 : i32
    %dma_start3A_657 = arith.constant 4000 : i32
    %dma_start3A_658 = tpu.memref_slice %arg14[%dma_start3A_657] : memref<12000xf32, #tpu.memory_space<vmem>> -> memref<4000xf32, #tpu.memory_space<vmem>>
    %dma_start3A_659 = tpu.memref_slice %arg4[%add3A_656] : memref<1920000xf32, #tpu.memory_space<hbm>> -> memref<4000xf32, #tpu.memory_space<hbm>>
    %dma_start3A_660 = tpu.memref_slice %arg4[%add3A_656] : memref<1920000xf32, #tpu.memory_space<hbm>> -> memref<4000xf32, #tpu.memory_space<hbm>>
    %dma_start3A_661 = arith.constant 4000 : i32
    %dma_start3A_662 = tpu.memref_slice %arg14[%dma_start3A_661] : memref<12000xf32, #tpu.memory_space<vmem>> -> memref<4000xf32, #tpu.memory_space<vmem>>
    tpu.enqueue_dma source(%dma_start3A_662 : memref<4000xf32, #tpu.memory_space<vmem>>) target(%dma_start3A_660 : memref<4000xf32, #tpu.memory_space<hbm>>) target_semaphore(%arg21 : memref<!tpu.dma_semaphore, #tpu.memory_space<semaphore_mem>>)
    %add3A_663 = arith.constant 1280000 : i32
    %add3A_664 = arith.addi %add3A_663, %add3A_648 : i32
    %dma_start3A_665 = arith.constant 8000 : i32
    %dma_start3A_666 = tpu.memref_slice %arg14[%dma_start3A_665] : memref<12000xf32, #tpu.memory_space<vmem>> -> memref<4000xf32, #tpu.memory_space<vmem>>
    %dma_start3A_667 = tpu.memref_slice %arg4[%add3A_664] : memref<1920000xf32, #tpu.memory_space<hbm>> -> memref<4000xf32, #tpu.memory_space<hbm>>
    %dma_start3A_668 = tpu.memref_slice %arg4[%add3A_664] : memref<1920000xf32, #tpu.memory_space<hbm>> -> memref<4000xf32, #tpu.memory_space<hbm>>
    %dma_start3A_669 = arith.constant 8000 : i32
    %dma_start3A_670 = tpu.memref_slice %arg14[%dma_start3A_669] : memref<12000xf32, #tpu.memory_space<vmem>> -> memref<4000xf32, #tpu.memory_space<vmem>>
    tpu.enqueue_dma source(%dma_start3A_670 : memref<4000xf32, #tpu.memory_space<vmem>>) target(%dma_start3A_668 : memref<4000xf32, #tpu.memory_space<hbm>>) target_semaphore(%arg21 : memref<!tpu.dma_semaphore, #tpu.memory_space<semaphore_mem>>)
    %dma_wait3A_671 = tpu.memref_slice %arg2[%add3A_634] : memref<1280000xi32, #tpu.memory_space<hbm>> -> memref<4000xi32, #tpu.memory_space<hbm>>
    %dma_wait3A_672 = tpu.memref_slice %arg2[%add3A_634] : memref<1280000xi32, #tpu.memory_space<hbm>> -> memref<4000xi32, #tpu.memory_space<hbm>>
    tpu.wait_dma2 semaphore(%arg20 : memref<!tpu.dma_semaphore, #tpu.memory_space<semaphore_mem>>) src(%dma_wait3A_672 : memref<4000xi32, #tpu.memory_space<hbm>>) dst(%arg11 : memref<4000xi32, #tpu.memory_space<vmem>>)
    %dma_wait3A_673 = tpu.memref_slice %arg2[%add3A_638] : memref<1280000xi32, #tpu.memory_space<hbm>> -> memref<4000xi32, #tpu.memory_space<hbm>>
    %dma_wait3A_674 = tpu.memref_slice %arg2[%add3A_638] : memref<1280000xi32, #tpu.memory_space<hbm>> -> memref<4000xi32, #tpu.memory_space<hbm>>
    tpu.wait_dma2 semaphore(%arg20 : memref<!tpu.dma_semaphore, #tpu.memory_space<semaphore_mem>>) src(%dma_wait3A_674 : memref<4000xi32, #tpu.memory_space<hbm>>) dst(%arg13 : memref<4000xi32, #tpu.memory_space<vmem>>)
    %add3A_675 = arith.constant 8000 : i32
    %add3A_676 = arith.addi %mul3A_620, %add3A_675 : i32
    %dma_start3A_677 = tpu.memref_slice %arg2[%add3A_676] : memref<1280000xi32, #tpu.memory_space<hbm>> -> memref<4000xi32, #tpu.memory_space<hbm>>
    %dma_start3A_678 = tpu.memref_slice %arg2[%add3A_676] : memref<1280000xi32, #tpu.memory_space<hbm>> -> memref<4000xi32, #tpu.memory_space<hbm>>
    tpu.enqueue_dma source(%dma_start3A_678 : memref<4000xi32, #tpu.memory_space<hbm>>) target(%arg10 : memref<4000xi32, #tpu.memory_space<vmem>>) target_semaphore(%arg19 : memref<!tpu.dma_semaphore, #tpu.memory_space<semaphore_mem>>)
    %add3A_679 = arith.constant 640000 : i32
    %add3A_680 = arith.addi %add3A_679, %add3A_676 : i32
    %dma_start3A_681 = tpu.memref_slice %arg2[%add3A_680] : memref<1280000xi32, #tpu.memory_space<hbm>> -> memref<4000xi32, #tpu.memory_space<hbm>>
    %dma_start3A_682 = tpu.memref_slice %arg2[%add3A_680] : memref<1280000xi32, #tpu.memory_space<hbm>> -> memref<4000xi32, #tpu.memory_space<hbm>>
    tpu.enqueue_dma source(%dma_start3A_682 : memref<4000xi32, #tpu.memory_space<hbm>>) target(%arg12 : memref<4000xi32, #tpu.memory_space<vmem>>) target_semaphore(%arg19 : memref<!tpu.dma_semaphore, #tpu.memory_space<semaphore_mem>>)
    %scan3A_683 = arith.constant 0 : i32
    %scan3A_684 = arith.constant 0 : i32
    %scan3A_685 = arith.constant 250 : i32
    %scan3A_686 = arith.addi %scan3A_684, %scan3A_685 : i32
    %scan3A_687 = arith.constant 1 : i32
    scf.for %scan3A_921 = %scan3A_684 to %scan3A_686 step %scan3A_687  : i32 {
      %mul3A_922 = arith.constant 16 : i32
      %mul3A_923 = arith.muli %scan3A_921, %mul3A_922 : i32
      %get3A_924 = arith.index_cast %mul3A_923 : i32 to index
      %get3A_925 = tpu.vector_load %arg11[%get3A_924] {strides = array<i32>} : memref<4000xi32, #tpu.memory_space<vmem>>, vector<16xi32>,
      %mul3A_926 = arith.constant 16 : i32
      %mul3A_927 = arith.muli %scan3A_921, %mul3A_926 : i32
      %get3A_928 = arith.index_cast %mul3A_927 : i32 to index
      %get3A_929 = tpu.vector_load %arg13[%get3A_928] {strides = array<i32>} : memref<4000xi32, #tpu.memory_space<vmem>>, vector<16xi32>,
      %gather3A = tpu.vector_load_idx %arg6[%get3A_929] : memref<10240xf32, #tpu.memory_space<vmem>>[vector<16xi32>], vector<16xf32>,
      %gather3A_930 = tpu.vector_load_idx %arg5[%get3A_925] : memref<30000xf32, #tpu.memory_space<vmem>>[vector<16xi32>], vector<16xf32>,
      %mul3A_931 = arith.mulf %gather3A_930, %gather3A : vector<16xf32>
      %mul3A_932 = arith.constant 16 : i32
      %mul3A_933 = arith.muli %scan3A_921, %mul3A_932 : i32
      %swap3A_934 = arith.index_cast %mul3A_933 : i32 to index
      %swap3A_935 = tpu.vector_load %arg15[%swap3A_934] {strides = array<i32>} : memref<12000xf32, #tpu.memory_space<vmem>>, vector<16xf32>,
      tpu.vector_store %arg15[%swap3A_934], %mul3A_931 {strides = array<i32>} : memref<12000xf32, #tpu.memory_space<vmem>>, vector<16xf32>,
      %add3A_936 = arith.constant 10000 : i32
      %add3A_937 = vector.broadcast %add3A_936 : i32 to vector<16xi32>
      %add3A_938 = arith.addi %get3A_925, %add3A_937 : vector<16xi32>
      %gather3A_939 = tpu.vector_load_idx %arg5[%add3A_938] : memref<30000xf32, #tpu.memory_space<vmem>>[vector<16xi32>], vector<16xf32>,
      %mul3A_940 = arith.mulf %gather3A_939, %gather3A : vector<16xf32>
      %mul3A_941 = arith.constant 16 : i32
      %mul3A_942 = arith.muli %scan3A_921, %mul3A_941 : i32
      %add3A_943 = arith.constant 4000 : i32
      %add3A_944 = arith.addi %add3A_943, %mul3A_942 : i32
      %swap3A_945 = arith.index_cast %add3A_944 : i32 to index
      %swap3A_946 = tpu.vector_load %arg15[%swap3A_945] {strides = array<i32>} : memref<12000xf32, #tpu.memory_space<vmem>>, vector<16xf32>,
      tpu.vector_store %arg15[%swap3A_945], %mul3A_940 {strides = array<i32>} : memref<12000xf32, #tpu.memory_space<vmem>>, vector<16xf32>,
      %add3A_947 = arith.constant 20000 : i32
      %add3A_948 = vector.broadcast %add3A_947 : i32 to vector<16xi32>
      %add3A_949 = arith.addi %get3A_925, %add3A_948 : vector<16xi32>
      %gather3A_950 = tpu.vector_load_idx %arg5[%add3A_949] : memref<30000xf32, #tpu.memory_space<vmem>>[vector<16xi32>], vector<16xf32>,
      %mul3A_951 = arith.mulf %gather3A_950, %gather3A : vector<16xf32>
      %mul3A_952 = arith.constant 16 : i32
      %mul3A_953 = arith.muli %scan3A_921, %mul3A_952 : i32
      %add3A_954 = arith.constant 8000 : i32
      %add3A_955 = arith.addi %add3A_954, %mul3A_953 : i32
      %swap3A_956 = arith.index_cast %add3A_955 : i32 to index
      %swap3A_957 = tpu.vector_load %arg15[%swap3A_956] {strides = array<i32>} : memref<12000xf32, #tpu.memory_space<vmem>>, vector<16xf32>,
      tpu.vector_store %arg15[%swap3A_956], %mul3A_951 {strides = array<i32>} : memref<12000xf32, #tpu.memory_space<vmem>>, vector<16xf32>,
    }
    %scan3A_688 = arith.constant 250 : i32
    %add3A_689 = arith.constant 4000 : i32
    %add3A_690 = arith.addi %mul3A_620, %add3A_689 : i32
    %dma_start3A_691 = arith.constant 0 : i32
    %dma_start3A_692 = tpu.memref_slice %arg15[%dma_start3A_691] : memref<12000xf32, #tpu.memory_space<vmem>> -> memref<4000xf32, #tpu.memory_space<vmem>>
    %dma_start3A_693 = tpu.memref_slice %arg4[%add3A_690] : memref<1920000xf32, #tpu.memory_space<hbm>> -> memref<4000xf32, #tpu.memory_space<hbm>>
    %dma_start3A_694 = tpu.memref_slice %arg4[%add3A_690] : memref<1920000xf32, #tpu.memory_space<hbm>> -> memref<4000xf32, #tpu.memory_space<hbm>>
    %dma_start3A_695 = arith.constant 0 : i32
    %dma_start3A_696 = tpu.memref_slice %arg15[%dma_start3A_695] : memref<12000xf32, #tpu.memory_space<vmem>> -> memref<4000xf32, #tpu.memory_space<vmem>>
    tpu.enqueue_dma source(%dma_start3A_696 : memref<4000xf32, #tpu.memory_space<vmem>>) target(%dma_start3A_694 : memref<4000xf32, #tpu.memory_space<hbm>>) target_semaphore(%arg22 : memref<!tpu.dma_semaphore, #tpu.memory_space<semaphore_mem>>)
    %add3A_697 = arith.constant 640000 : i32
    %add3A_698 = arith.addi %add3A_697, %add3A_690 : i32
    %dma_start3A_699 = arith.constant 4000 : i32
    %dma_start3A_700 = tpu.memref_slice %arg15[%dma_start3A_699] : memref<12000xf32, #tpu.memory_space<vmem>> -> memref<4000xf32, #tpu.memory_space<vmem>>
    %dma_start3A_701 = tpu.memref_slice %arg4[%add3A_698] : memref<1920000xf32, #tpu.memory_space<hbm>> -> memref<4000xf32, #tpu.memory_space<hbm>>
    %dma_start3A_702 = tpu.memref_slice %arg4[%add3A_698] : memref<1920000xf32, #tpu.memory_space<hbm>> -> memref<4000xf32, #tpu.memory_space<hbm>>
    %dma_start3A_703 = arith.constant 4000 : i32
    %dma_start3A_704 = tpu.memref_slice %arg15[%dma_start3A_703] : memref<12000xf32, #tpu.memory_space<vmem>> -> memref<4000xf32, #tpu.memory_space<vmem>>
    tpu.enqueue_dma source(%dma_start3A_704 : memref<4000xf32, #tpu.memory_space<vmem>>) target(%dma_start3A_702 : memref<4000xf32, #tpu.memory_space<hbm>>) target_semaphore(%arg22 : memref<!tpu.dma_semaphore, #tpu.memory_space<semaphore_mem>>)
    %add3A_705 = arith.constant 1280000 : i32
    %add3A_706 = arith.addi %add3A_705, %add3A_690 : i32
    %dma_start3A_707 = arith.constant 8000 : i32
    %dma_start3A_708 = tpu.memref_slice %arg15[%dma_start3A_707] : memref<12000xf32, #tpu.memory_space<vmem>> -> memref<4000xf32, #tpu.memory_space<vmem>>
    %dma_start3A_709 = tpu.memref_slice %arg4[%add3A_706] : memref<1920000xf32, #tpu.memory_space<hbm>> -> memref<4000xf32, #tpu.memory_space<hbm>>
    %dma_start3A_710 = tpu.memref_slice %arg4[%add3A_706] : memref<1920000xf32, #tpu.memory_space<hbm>> -> memref<4000xf32, #tpu.memory_space<hbm>>
    %dma_start3A_711 = arith.constant 8000 : i32
    %dma_start3A_712 = tpu.memref_slice %arg15[%dma_start3A_711] : memref<12000xf32, #tpu.memory_space<vmem>> -> memref<4000xf32, #tpu.memory_space<vmem>>
    tpu.enqueue_dma source(%dma_start3A_712 : memref<4000xf32, #tpu.memory_space<vmem>>) target(%dma_start3A_710 : memref<4000xf32, #tpu.memory_space<hbm>>) target_semaphore(%arg22 : memref<!tpu.dma_semaphore, #tpu.memory_space<semaphore_mem>>)
    %dma_wait3A_713 = tpu.memref_slice %arg2[%add3A_676] : memref<1280000xi32, #tpu.memory_space<hbm>> -> memref<4000xi32, #tpu.memory_space<hbm>>
    %dma_wait3A_714 = tpu.memref_slice %arg2[%add3A_676] : memref<1280000xi32, #tpu.memory_space<hbm>> -> memref<4000xi32, #tpu.memory_space<hbm>>
    tpu.wait_dma2 semaphore(%arg19 : memref<!tpu.dma_semaphore, #tpu.memory_space<semaphore_mem>>) src(%dma_wait3A_714 : memref<4000xi32, #tpu.memory_space<hbm>>) dst(%arg10 : memref<4000xi32, #tpu.memory_space<vmem>>)
    %dma_wait3A_715 = tpu.memref_slice %arg2[%add3A_680] : memref<1280000xi32, #tpu.memory_space<hbm>> -> memref<4000xi32, #tpu.memory_space<hbm>>
    %dma_wait3A_716 = tpu.memref_slice %arg2[%add3A_680] : memref<1280000xi32, #tpu.memory_space<hbm>> -> memref<4000xi32, #tpu.memory_space<hbm>>
    tpu.wait_dma2 semaphore(%arg19 : memref<!tpu.dma_semaphore, #tpu.memory_space<semaphore_mem>>) src(%dma_wait3A_716 : memref<4000xi32, #tpu.memory_space<hbm>>) dst(%arg12 : memref<4000xi32, #tpu.memory_space<vmem>>)
    %add3A_717 = arith.constant 12000 : i32
    %add3A_718 = arith.addi %mul3A_620, %add3A_717 : i32
    %dma_start3A_719 = tpu.memref_slice %arg2[%add3A_718] : memref<1280000xi32, #tpu.memory_space<hbm>> -> memref<4000xi32, #tpu.memory_space<hbm>>
    %dma_start3A_720 = tpu.memref_slice %arg2[%add3A_718] : memref<1280000xi32, #tpu.memory_space<hbm>> -> memref<4000xi32, #tpu.memory_space<hbm>>
    tpu.enqueue_dma source(%dma_start3A_720 : memref<4000xi32, #tpu.memory_space<hbm>>) target(%arg11 : memref<4000xi32, #tpu.memory_space<vmem>>) target_semaphore(%arg20 : memref<!tpu.dma_semaphore, #tpu.memory_space<semaphore_mem>>)
    %add3A_721 = arith.constant 640000 : i32
    %add3A_722 = arith.addi %add3A_721, %add3A_718 : i32
    %dma_start3A_723 = tpu.memref_slice %arg2[%add3A_722] : memref<1280000xi32, #tpu.memory_space<hbm>> -> memref<4000xi32, #tpu.memory_space<hbm>>
    %dma_start3A_724 = tpu.memref_slice %arg2[%add3A_722] : memref<1280000xi32, #tpu.memory_space<hbm>> -> memref<4000xi32, #tpu.memory_space<hbm>>
    tpu.enqueue_dma source(%dma_start3A_724 : memref<4000xi32, #tpu.memory_space<hbm>>) target(%arg13 : memref<4000xi32, #tpu.memory_space<vmem>>) target_semaphore(%arg20 : memref<!tpu.dma_semaphore, #tpu.memory_space<semaphore_mem>>)
    %dma_wait3A_725 = arith.constant 0 : i32
    %dma_wait3A_726 = tpu.memref_slice %arg14[%dma_wait3A_725] : memref<12000xf32, #tpu.memory_space<vmem>> -> memref<4000xf32, #tpu.memory_space<vmem>>
    %dma_wait3A_727 = tpu.memref_slice %arg4[%add3A_648] : memref<1920000xf32, #tpu.memory_space<hbm>> -> memref<4000xf32, #tpu.memory_space<hbm>>
    %dma_wait3A_728 = tpu.memref_slice %arg4[%add3A_648] : memref<1920000xf32, #tpu.memory_space<hbm>> -> memref<4000xf32, #tpu.memory_space<hbm>>
    %dma_wait3A_729 = arith.constant 0 : i32
    %dma_wait3A_730 = tpu.memref_slice %arg14[%dma_wait3A_729] : memref<12000xf32, #tpu.memory_space<vmem>> -> memref<4000xf32, #tpu.memory_space<vmem>>
    tpu.wait_dma2 semaphore(%arg21 : memref<!tpu.dma_semaphore, #tpu.memory_space<semaphore_mem>>) src(%dma_wait3A_730 : memref<4000xf32, #tpu.memory_space<vmem>>) dst(%dma_wait3A_728 : memref<4000xf32, #tpu.memory_space<hbm>>)
    %dma_wait3A_731 = arith.constant 4000 : i32
    %dma_wait3A_732 = tpu.memref_slice %arg14[%dma_wait3A_731] : memref<12000xf32, #tpu.memory_space<vmem>> -> memref<4000xf32, #tpu.memory_space<vmem>>
    %dma_wait3A_733 = tpu.memref_slice %arg4[%add3A_656] : memref<1920000xf32, #tpu.memory_space<hbm>> -> memref<4000xf32, #tpu.memory_space<hbm>>
    %dma_wait3A_734 = tpu.memref_slice %arg4[%add3A_656] : memref<1920000xf32, #tpu.memory_space<hbm>> -> memref<4000xf32, #tpu.memory_space<hbm>>
    %dma_wait3A_735 = arith.constant 4000 : i32
    %dma_wait3A_736 = tpu.memref_slice %arg14[%dma_wait3A_735] : memref<12000xf32, #tpu.memory_space<vmem>> -> memref<4000xf32, #tpu.memory_space<vmem>>
    tpu.wait_dma2 semaphore(%arg21 : memref<!tpu.dma_semaphore, #tpu.memory_space<semaphore_mem>>) src(%dma_wait3A_736 : memref<4000xf32, #tpu.memory_space<vmem>>) dst(%dma_wait3A_734 : memref<4000xf32, #tpu.memory_space<hbm>>)
    %dma_wait3A_737 = arith.constant 8000 : i32
    %dma_wait3A_738 = tpu.memref_slice %arg14[%dma_wait3A_737] : memref<12000xf32, #tpu.memory_space<vmem>> -> memref<4000xf32, #tpu.memory_space<vmem>>
    %dma_wait3A_739 = tpu.memref_slice %arg4[%add3A_664] : memref<1920000xf32, #tpu.memory_space<hbm>> -> memref<4000xf32, #tpu.memory_space<hbm>>
    %dma_wait3A_740 = tpu.memref_slice %arg4[%add3A_664] : memref<1920000xf32, #tpu.memory_space<hbm>> -> memref<4000xf32, #tpu.memory_space<hbm>>
    %dma_wait3A_741 = arith.constant 8000 : i32
    %dma_wait3A_742 = tpu.memref_slice %arg14[%dma_wait3A_741] : memref<12000xf32, #tpu.memory_space<vmem>> -> memref<4000xf32, #tpu.memory_space<vmem>>
    tpu.wait_dma2 semaphore(%arg21 : memref<!tpu.dma_semaphore, #tpu.memory_space<semaphore_mem>>) src(%dma_wait3A_742 : memref<4000xf32, #tpu.memory_space<vmem>>) dst(%dma_wait3A_740 : memref<4000xf32, #tpu.memory_space<hbm>>)
    %scan3A_743 = arith.constant 0 : i32
    %scan3A_744 = arith.constant 0 : i32
    %scan3A_745 = arith.constant 250 : i32
    %scan3A_746 = arith.addi %scan3A_744, %scan3A_745 : i32
    %scan3A_747 = arith.constant 1 : i32
    scf.for %scan3A_921 = %scan3A_744 to %scan3A_746 step %scan3A_747  : i32 {
      %mul3A_922 = arith.constant 16 : i32
      %mul3A_923 = arith.muli %scan3A_921, %mul3A_922 : i32
      %get3A_924 = arith.index_cast %mul3A_923 : i32 to index
      %get3A_925 = tpu.vector_load %arg10[%get3A_924] {strides = array<i32>} : memref<4000xi32, #tpu.memory_space<vmem>>, vector<16xi32>,
      %mul3A_926 = arith.constant 16 : i32
      %mul3A_927 = arith.muli %scan3A_921, %mul3A_926 : i32
      %get3A_928 = arith.index_cast %mul3A_927 : i32 to index
      %get3A_929 = tpu.vector_load %arg12[%get3A_928] {strides = array<i32>} : memref<4000xi32, #tpu.memory_space<vmem>>, vector<16xi32>,
      %gather3A = tpu.vector_load_idx %arg6[%get3A_929] : memref<10240xf32, #tpu.memory_space<vmem>>[vector<16xi32>], vector<16xf32>,
      %gather3A_930 = tpu.vector_load_idx %arg5[%get3A_925] : memref<30000xf32, #tpu.memory_space<vmem>>[vector<16xi32>], vector<16xf32>,
      %mul3A_931 = arith.mulf %gather3A_930, %gather3A : vector<16xf32>
      %mul3A_932 = arith.constant 16 : i32
      %mul3A_933 = arith.muli %scan3A_921, %mul3A_932 : i32
      %swap3A_934 = arith.index_cast %mul3A_933 : i32 to index
      %swap3A_935 = tpu.vector_load %arg14[%swap3A_934] {strides = array<i32>} : memref<12000xf32, #tpu.memory_space<vmem>>, vector<16xf32>,
      tpu.vector_store %arg14[%swap3A_934], %mul3A_931 {strides = array<i32>} : memref<12000xf32, #tpu.memory_space<vmem>>, vector<16xf32>,
      %add3A_936 = arith.constant 10000 : i32
      %add3A_937 = vector.broadcast %add3A_936 : i32 to vector<16xi32>
      %add3A_938 = arith.addi %get3A_925, %add3A_937 : vector<16xi32>
      %gather3A_939 = tpu.vector_load_idx %arg5[%add3A_938] : memref<30000xf32, #tpu.memory_space<vmem>>[vector<16xi32>], vector<16xf32>,
      %mul3A_940 = arith.mulf %gather3A_939, %gather3A : vector<16xf32>
      %mul3A_941 = arith.constant 16 : i32
      %mul3A_942 = arith.muli %scan3A_921, %mul3A_941 : i32
      %add3A_943 = arith.constant 4000 : i32
      %add3A_944 = arith.addi %add3A_943, %mul3A_942 : i32
      %swap3A_945 = arith.index_cast %add3A_944 : i32 to index
      %swap3A_946 = tpu.vector_load %arg14[%swap3A_945] {strides = array<i32>} : memref<12000xf32, #tpu.memory_space<vmem>>, vector<16xf32>,
      tpu.vector_store %arg14[%swap3A_945], %mul3A_940 {strides = array<i32>} : memref<12000xf32, #tpu.memory_space<vmem>>, vector<16xf32>,
      %add3A_947 = arith.constant 20000 : i32
      %add3A_948 = vector.broadcast %add3A_947 : i32 to vector<16xi32>
      %add3A_949 = arith.addi %get3A_925, %add3A_948 : vector<16xi32>
      %gather3A_950 = tpu.vector_load_idx %arg5[%add3A_949] : memref<30000xf32, #tpu.memory_space<vmem>>[vector<16xi32>], vector<16xf32>,
      %mul3A_951 = arith.mulf %gather3A_950, %gather3A : vector<16xf32>
      %mul3A_952 = arith.constant 16 : i32
      %mul3A_953 = arith.muli %scan3A_921, %mul3A_952 : i32
      %add3A_954 = arith.constant 8000 : i32
      %add3A_955 = arith.addi %add3A_954, %mul3A_953 : i32
      %swap3A_956 = arith.index_cast %add3A_955 : i32 to index
      %swap3A_957 = tpu.vector_load %arg14[%swap3A_956] {strides = array<i32>} : memref<12000xf32, #tpu.memory_space<vmem>>, vector<16xf32>,
      tpu.vector_store %arg14[%swap3A_956], %mul3A_951 {strides = array<i32>} : memref<12000xf32, #tpu.memory_space<vmem>>, vector<16xf32>,
    }
    %scan3A_748 = arith.constant 250 : i32
    %add3A_749 = arith.constant 8000 : i32
    %add3A_750 = arith.addi %mul3A_620, %add3A_749 : i32
    %dma_start3A_751 = arith.constant 0 : i32
    %dma_start3A_752 = tpu.memref_slice %arg14[%dma_start3A_751] : memref<12000xf32, #tpu.memory_space<vmem>> -> memref<4000xf32, #tpu.memory_space<vmem>>
    %dma_start3A_753 = tpu.memref_slice %arg4[%add3A_750] : memref<1920000xf32, #tpu.memory_space<hbm>> -> memref<4000xf32, #tpu.memory_space<hbm>>
    %dma_start3A_754 = tpu.memref_slice %arg4[%add3A_750] : memref<1920000xf32, #tpu.memory_space<hbm>> -> memref<4000xf32, #tpu.memory_space<hbm>>
    %dma_start3A_755 = arith.constant 0 : i32
    %dma_start3A_756 = tpu.memref_slice %arg14[%dma_start3A_755] : memref<12000xf32, #tpu.memory_space<vmem>> -> memref<4000xf32, #tpu.memory_space<vmem>>
    tpu.enqueue_dma source(%dma_start3A_756 : memref<4000xf32, #tpu.memory_space<vmem>>) target(%dma_start3A_754 : memref<4000xf32, #tpu.memory_space<hbm>>) target_semaphore(%arg21 : memref<!tpu.dma_semaphore, #tpu.memory_space<semaphore_mem>>)
    %add3A_757 = arith.constant 640000 : i32
    %add3A_758 = arith.addi %add3A_757, %add3A_750 : i32
    %dma_start3A_759 = arith.constant 4000 : i32
    %dma_start3A_760 = tpu.memref_slice %arg14[%dma_start3A_759] : memref<12000xf32, #tpu.memory_space<vmem>> -> memref<4000xf32, #tpu.memory_space<vmem>>
    %dma_start3A_761 = tpu.memref_slice %arg4[%add3A_758] : memref<1920000xf32, #tpu.memory_space<hbm>> -> memref<4000xf32, #tpu.memory_space<hbm>>
    %dma_start3A_762 = tpu.memref_slice %arg4[%add3A_758] : memref<1920000xf32, #tpu.memory_space<hbm>> -> memref<4000xf32, #tpu.memory_space<hbm>>
    %dma_start3A_763 = arith.constant 4000 : i32
    %dma_start3A_764 = tpu.memref_slice %arg14[%dma_start3A_763] : memref<12000xf32, #tpu.memory_space<vmem>> -> memref<4000xf32, #tpu.memory_space<vmem>>
    tpu.enqueue_dma source(%dma_start3A_764 : memref<4000xf32, #tpu.memory_space<vmem>>) target(%dma_start3A_762 : memref<4000xf32, #tpu.memory_space<hbm>>) target_semaphore(%arg21 : memref<!tpu.dma_semaphore, #tpu.memory_space<semaphore_mem>>)
    %add3A_765 = arith.constant 1280000 : i32
    %add3A_766 = arith.addi %add3A_765, %add3A_750 : i32
    %dma_start3A_767 = arith.constant 8000 : i32
    %dma_start3A_768 = tpu.memref_slice %arg14[%dma_start3A_767] : memref<12000xf32, #tpu.memory_space<vmem>> -> memref<4000xf32, #tpu.memory_space<vmem>>
    %dma_start3A_769 = tpu.memref_slice %arg4[%add3A_766] : memref<1920000xf32, #tpu.memory_space<hbm>> -> memref<4000xf32, #tpu.memory_space<hbm>>
    %dma_start3A_770 = tpu.memref_slice %arg4[%add3A_766] : memref<1920000xf32, #tpu.memory_space<hbm>> -> memref<4000xf32, #tpu.memory_space<hbm>>
    %dma_start3A_771 = arith.constant 8000 : i32
    %dma_start3A_772 = tpu.memref_slice %arg14[%dma_start3A_771] : memref<12000xf32, #tpu.memory_space<vmem>> -> memref<4000xf32, #tpu.memory_space<vmem>>
    tpu.enqueue_dma source(%dma_start3A_772 : memref<4000xf32, #tpu.memory_space<vmem>>) target(%dma_start3A_770 : memref<4000xf32, #tpu.memory_space<hbm>>) target_semaphore(%arg21 : memref<!tpu.dma_semaphore, #tpu.memory_space<semaphore_mem>>)
    %dma_wait3A_773 = tpu.memref_slice %arg2[%add3A_718] : memref<1280000xi32, #tpu.memory_space<hbm>> -> memref<4000xi32, #tpu.memory_space<hbm>>
    %dma_wait3A_774 = tpu.memref_slice %arg2[%add3A_718] : memref<1280000xi32, #tpu.memory_space<hbm>> -> memref<4000xi32, #tpu.memory_space<hbm>>
    tpu.wait_dma2 semaphore(%arg20 : memref<!tpu.dma_semaphore, #tpu.memory_space<semaphore_mem>>) src(%dma_wait3A_774 : memref<4000xi32, #tpu.memory_space<hbm>>) dst(%arg11 : memref<4000xi32, #tpu.memory_space<vmem>>)
    %dma_wait3A_775 = tpu.memref_slice %arg2[%add3A_722] : memref<1280000xi32, #tpu.memory_space<hbm>> -> memref<4000xi32, #tpu.memory_space<hbm>>
    %dma_wait3A_776 = tpu.memref_slice %arg2[%add3A_722] : memref<1280000xi32, #tpu.memory_space<hbm>> -> memref<4000xi32, #tpu.memory_space<hbm>>
    tpu.wait_dma2 semaphore(%arg20 : memref<!tpu.dma_semaphore, #tpu.memory_space<semaphore_mem>>) src(%dma_wait3A_776 : memref<4000xi32, #tpu.memory_space<hbm>>) dst(%arg13 : memref<4000xi32, #tpu.memory_space<vmem>>)
    %add3A_777 = arith.constant 16000 : i32
    %add3A_778 = arith.addi %mul3A_620, %add3A_777 : i32
    %dma_start3A_779 = tpu.memref_slice %arg2[%add3A_778] : memref<1280000xi32, #tpu.memory_space<hbm>> -> memref<4000xi32, #tpu.memory_space<hbm>>
    %dma_start3A_780 = tpu.memref_slice %arg2[%add3A_778] : memref<1280000xi32, #tpu.memory_space<hbm>> -> memref<4000xi32, #tpu.memory_space<hbm>>
    tpu.enqueue_dma source(%dma_start3A_780 : memref<4000xi32, #tpu.memory_space<hbm>>) target(%arg10 : memref<4000xi32, #tpu.memory_space<vmem>>) target_semaphore(%arg19 : memref<!tpu.dma_semaphore, #tpu.memory_space<semaphore_mem>>)
    %add3A_781 = arith.constant 640000 : i32
    %add3A_782 = arith.addi %add3A_781, %add3A_778 : i32
    %dma_start3A_783 = tpu.memref_slice %arg2[%add3A_782] : memref<1280000xi32, #tpu.memory_space<hbm>> -> memref<4000xi32, #tpu.memory_space<hbm>>
    %dma_start3A_784 = tpu.memref_slice %arg2[%add3A_782] : memref<1280000xi32, #tpu.memory_space<hbm>> -> memref<4000xi32, #tpu.memory_space<hbm>>
    tpu.enqueue_dma source(%dma_start3A_784 : memref<4000xi32, #tpu.memory_space<hbm>>) target(%arg12 : memref<4000xi32, #tpu.memory_space<vmem>>) target_semaphore(%arg19 : memref<!tpu.dma_semaphore, #tpu.memory_space<semaphore_mem>>)
    %dma_wait3A_785 = arith.constant 0 : i32
    %dma_wait3A_786 = tpu.memref_slice %arg15[%dma_wait3A_785] : memref<12000xf32, #tpu.memory_space<vmem>> -> memref<4000xf32, #tpu.memory_space<vmem>>
    %dma_wait3A_787 = tpu.memref_slice %arg4[%add3A_690] : memref<1920000xf32, #tpu.memory_space<hbm>> -> memref<4000xf32, #tpu.memory_space<hbm>>
    %dma_wait3A_788 = tpu.memref_slice %arg4[%add3A_690] : memref<1920000xf32, #tpu.memory_space<hbm>> -> memref<4000xf32, #tpu.memory_space<hbm>>
    %dma_wait3A_789 = arith.constant 0 : i32
    %dma_wait3A_790 = tpu.memref_slice %arg15[%dma_wait3A_789] : memref<12000xf32, #tpu.memory_space<vmem>> -> memref<4000xf32, #tpu.memory_space<vmem>>
    tpu.wait_dma2 semaphore(%arg22 : memref<!tpu.dma_semaphore, #tpu.memory_space<semaphore_mem>>) src(%dma_wait3A_790 : memref<4000xf32, #tpu.memory_space<vmem>>) dst(%dma_wait3A_788 : memref<4000xf32, #tpu.memory_space<hbm>>)
    %dma_wait3A_791 = arith.constant 4000 : i32
    %dma_wait3A_792 = tpu.memref_slice %arg15[%dma_wait3A_791] : memref<12000xf32, #tpu.memory_space<vmem>> -> memref<4000xf32, #tpu.memory_space<vmem>>
    %dma_wait3A_793 = tpu.memref_slice %arg4[%add3A_698] : memref<1920000xf32, #tpu.memory_space<hbm>> -> memref<4000xf32, #tpu.memory_space<hbm>>
    %dma_wait3A_794 = tpu.memref_slice %arg4[%add3A_698] : memref<1920000xf32, #tpu.memory_space<hbm>> -> memref<4000xf32, #tpu.memory_space<hbm>>
    %dma_wait3A_795 = arith.constant 4000 : i32
    %dma_wait3A_796 = tpu.memref_slice %arg15[%dma_wait3A_795] : memref<12000xf32, #tpu.memory_space<vmem>> -> memref<4000xf32, #tpu.memory_space<vmem>>
    tpu.wait_dma2 semaphore(%arg22 : memref<!tpu.dma_semaphore, #tpu.memory_space<semaphore_mem>>) src(%dma_wait3A_796 : memref<4000xf32, #tpu.memory_space<vmem>>) dst(%dma_wait3A_794 : memref<4000xf32, #tpu.memory_space<hbm>>)
    %dma_wait3A_797 = arith.constant 8000 : i32
    %dma_wait3A_798 = tpu.memref_slice %arg15[%dma_wait3A_797] : memref<12000xf32, #tpu.memory_space<vmem>> -> memref<4000xf32, #tpu.memory_space<vmem>>
    %dma_wait3A_799 = tpu.memref_slice %arg4[%add3A_706] : memref<1920000xf32, #tpu.memory_space<hbm>> -> memref<4000xf32, #tpu.memory_space<hbm>>
    %dma_wait3A_800 = tpu.memref_slice %arg4[%add3A_706] : memref<1920000xf32, #tpu.memory_space<hbm>> -> memref<4000xf32, #tpu.memory_space<hbm>>
    %dma_wait3A_801 = arith.constant 8000 : i32
    %dma_wait3A_802 = tpu.memref_slice %arg15[%dma_wait3A_801] : memref<12000xf32, #tpu.memory_space<vmem>> -> memref<4000xf32, #tpu.memory_space<vmem>>
    tpu.wait_dma2 semaphore(%arg22 : memref<!tpu.dma_semaphore, #tpu.memory_space<semaphore_mem>>) src(%dma_wait3A_802 : memref<4000xf32, #tpu.memory_space<vmem>>) dst(%dma_wait3A_800 : memref<4000xf32, #tpu.memory_space<hbm>>)
    %scan3A_803 = arith.constant 0 : i32
    %scan3A_804 = arith.constant 0 : i32
    %scan3A_805 = arith.constant 250 : i32
    %scan3A_806 = arith.addi %scan3A_804, %scan3A_805 : i32
    %scan3A_807 = arith.constant 1 : i32
    scf.for %scan3A_921 = %scan3A_804 to %scan3A_806 step %scan3A_807  : i32 {
      %mul3A_922 = arith.constant 16 : i32
      %mul3A_923 = arith.muli %scan3A_921, %mul3A_922 : i32
      %get3A_924 = arith.index_cast %mul3A_923 : i32 to index
      %get3A_925 = tpu.vector_load %arg11[%get3A_924] {strides = array<i32>} : memref<4000xi32, #tpu.memory_space<vmem>>, vector<16xi32>,
      %mul3A_926 = arith.constant 16 : i32
      %mul3A_927 = arith.muli %scan3A_921, %mul3A_926 : i32
      %get3A_928 = arith.index_cast %mul3A_927 : i32 to index
      %get3A_929 = tpu.vector_load %arg13[%get3A_928] {strides = array<i32>} : memref<4000xi32, #tpu.memory_space<vmem>>, vector<16xi32>,
      %gather3A = tpu.vector_load_idx %arg6[%get3A_929] : memref<10240xf32, #tpu.memory_space<vmem>>[vector<16xi32>], vector<16xf32>,
      %gather3A_930 = tpu.vector_load_idx %arg5[%get3A_925] : memref<30000xf32, #tpu.memory_space<vmem>>[vector<16xi32>], vector<16xf32>,
      %mul3A_931 = arith.mulf %gather3A_930, %gather3A : vector<16xf32>
      %mul3A_932 = arith.constant 16 : i32
      %mul3A_933 = arith.muli %scan3A_921, %mul3A_932 : i32
      %swap3A_934 = arith.index_cast %mul3A_933 : i32 to index
      %swap3A_935 = tpu.vector_load %arg15[%swap3A_934] {strides = array<i32>} : memref<12000xf32, #tpu.memory_space<vmem>>, vector<16xf32>,
      tpu.vector_store %arg15[%swap3A_934], %mul3A_931 {strides = array<i32>} : memref<12000xf32, #tpu.memory_space<vmem>>, vector<16xf32>,
      %add3A_936 = arith.constant 10000 : i32
      %add3A_937 = vector.broadcast %add3A_936 : i32 to vector<16xi32>
      %add3A_938 = arith.addi %get3A_925, %add3A_937 : vector<16xi32>
      %gather3A_939 = tpu.vector_load_idx %arg5[%add3A_938] : memref<30000xf32, #tpu.memory_space<vmem>>[vector<16xi32>], vector<16xf32>,
      %mul3A_940 = arith.mulf %gather3A_939, %gather3A : vector<16xf32>
      %mul3A_941 = arith.constant 16 : i32
      %mul3A_942 = arith.muli %scan3A_921, %mul3A_941 : i32
      %add3A_943 = arith.constant 4000 : i32
      %add3A_944 = arith.addi %add3A_943, %mul3A_942 : i32
      %swap3A_945 = arith.index_cast %add3A_944 : i32 to index
      %swap3A_946 = tpu.vector_load %arg15[%swap3A_945] {strides = array<i32>} : memref<12000xf32, #tpu.memory_space<vmem>>, vector<16xf32>,
      tpu.vector_store %arg15[%swap3A_945], %mul3A_940 {strides = array<i32>} : memref<12000xf32, #tpu.memory_space<vmem>>, vector<16xf32>,
      %add3A_947 = arith.constant 20000 : i32
      %add3A_948 = vector.broadcast %add3A_947 : i32 to vector<16xi32>
      %add3A_949 = arith.addi %get3A_925, %add3A_948 : vector<16xi32>
      %gather3A_950 = tpu.vector_load_idx %arg5[%add3A_949] : memref<30000xf32, #tpu.memory_space<vmem>>[vector<16xi32>], vector<16xf32>,
      %mul3A_951 = arith.mulf %gather3A_950, %gather3A : vector<16xf32>
      %mul3A_952 = arith.constant 16 : i32
      %mul3A_953 = arith.muli %scan3A_921, %mul3A_952 : i32
      %add3A_954 = arith.constant 8000 : i32
      %add3A_955 = arith.addi %add3A_954, %mul3A_953 : i32
      %swap3A_956 = arith.index_cast %add3A_955 : i32 to index
      %swap3A_957 = tpu.vector_load %arg15[%swap3A_956] {strides = array<i32>} : memref<12000xf32, #tpu.memory_space<vmem>>, vector<16xf32>,
      tpu.vector_store %arg15[%swap3A_956], %mul3A_951 {strides = array<i32>} : memref<12000xf32, #tpu.memory_space<vmem>>, vector<16xf32>,
    }
    %scan3A_808 = arith.constant 250 : i32
    %add3A_809 = arith.constant 12000 : i32
    %add3A_810 = arith.addi %mul3A_620, %add3A_809 : i32
    %dma_start3A_811 = arith.constant 0 : i32
    %dma_start3A_812 = tpu.memref_slice %arg15[%dma_start3A_811] : memref<12000xf32, #tpu.memory_space<vmem>> -> memref<4000xf32, #tpu.memory_space<vmem>>
    %dma_start3A_813 = tpu.memref_slice %arg4[%add3A_810] : memref<1920000xf32, #tpu.memory_space<hbm>> -> memref<4000xf32, #tpu.memory_space<hbm>>
    %dma_start3A_814 = tpu.memref_slice %arg4[%add3A_810] : memref<1920000xf32, #tpu.memory_space<hbm>> -> memref<4000xf32, #tpu.memory_space<hbm>>
    %dma_start3A_815 = arith.constant 0 : i32
    %dma_start3A_816 = tpu.memref_slice %arg15[%dma_start3A_815] : memref<12000xf32, #tpu.memory_space<vmem>> -> memref<4000xf32, #tpu.memory_space<vmem>>
    tpu.enqueue_dma source(%dma_start3A_816 : memref<4000xf32, #tpu.memory_space<vmem>>) target(%dma_start3A_814 : memref<4000xf32, #tpu.memory_space<hbm>>) target_semaphore(%arg22 : memref<!tpu.dma_semaphore, #tpu.memory_space<semaphore_mem>>)
    %add3A_817 = arith.constant 640000 : i32
    %add3A_818 = arith.addi %add3A_817, %add3A_810 : i32
    %dma_start3A_819 = arith.constant 4000 : i32
    %dma_start3A_820 = tpu.memref_slice %arg15[%dma_start3A_819] : memref<12000xf32, #tpu.memory_space<vmem>> -> memref<4000xf32, #tpu.memory_space<vmem>>
    %dma_start3A_821 = tpu.memref_slice %arg4[%add3A_818] : memref<1920000xf32, #tpu.memory_space<hbm>> -> memref<4000xf32, #tpu.memory_space<hbm>>
    %dma_start3A_822 = tpu.memref_slice %arg4[%add3A_818] : memref<1920000xf32, #tpu.memory_space<hbm>> -> memref<4000xf32, #tpu.memory_space<hbm>>
    %dma_start3A_823 = arith.constant 4000 : i32
    %dma_start3A_824 = tpu.memref_slice %arg15[%dma_start3A_823] : memref<12000xf32, #tpu.memory_space<vmem>> -> memref<4000xf32, #tpu.memory_space<vmem>>
    tpu.enqueue_dma source(%dma_start3A_824 : memref<4000xf32, #tpu.memory_space<vmem>>) target(%dma_start3A_822 : memref<4000xf32, #tpu.memory_space<hbm>>) target_semaphore(%arg22 : memref<!tpu.dma_semaphore, #tpu.memory_space<semaphore_mem>>)
    %add3A_825 = arith.constant 1280000 : i32
    %add3A_826 = arith.addi %add3A_825, %add3A_810 : i32
    %dma_start3A_827 = arith.constant 8000 : i32
    %dma_start3A_828 = tpu.memref_slice %arg15[%dma_start3A_827] : memref<12000xf32, #tpu.memory_space<vmem>> -> memref<4000xf32, #tpu.memory_space<vmem>>
    %dma_start3A_829 = tpu.memref_slice %arg4[%add3A_826] : memref<1920000xf32, #tpu.memory_space<hbm>> -> memref<4000xf32, #tpu.memory_space<hbm>>
    %dma_start3A_830 = tpu.memref_slice %arg4[%add3A_826] : memref<1920000xf32, #tpu.memory_space<hbm>> -> memref<4000xf32, #tpu.memory_space<hbm>>
    %dma_start3A_831 = arith.constant 8000 : i32
    %dma_start3A_832 = tpu.memref_slice %arg15[%dma_start3A_831] : memref<12000xf32, #tpu.memory_space<vmem>> -> memref<4000xf32, #tpu.memory_space<vmem>>
    tpu.enqueue_dma source(%dma_start3A_832 : memref<4000xf32, #tpu.memory_space<vmem>>) target(%dma_start3A_830 : memref<4000xf32, #tpu.memory_space<hbm>>) target_semaphore(%arg22 : memref<!tpu.dma_semaphore, #tpu.memory_space<semaphore_mem>>)
    %dma_wait3A_833 = tpu.memref_slice %arg2[%add3A_778] : memref<1280000xi32, #tpu.memory_space<hbm>> -> memref<4000xi32, #tpu.memory_space<hbm>>
    %dma_wait3A_834 = tpu.memref_slice %arg2[%add3A_778] : memref<1280000xi32, #tpu.memory_space<hbm>> -> memref<4000xi32, #tpu.memory_space<hbm>>
    tpu.wait_dma2 semaphore(%arg19 : memref<!tpu.dma_semaphore, #tpu.memory_space<semaphore_mem>>) src(%dma_wait3A_834 : memref<4000xi32, #tpu.memory_space<hbm>>) dst(%arg10 : memref<4000xi32, #tpu.memory_space<vmem>>)
    %dma_wait3A_835 = tpu.memref_slice %arg2[%add3A_782] : memref<1280000xi32, #tpu.memory_space<hbm>> -> memref<4000xi32, #tpu.memory_space<hbm>>
    %dma_wait3A_836 = tpu.memref_slice %arg2[%add3A_782] : memref<1280000xi32, #tpu.memory_space<hbm>> -> memref<4000xi32, #tpu.memory_space<hbm>>
    tpu.wait_dma2 semaphore(%arg19 : memref<!tpu.dma_semaphore, #tpu.memory_space<semaphore_mem>>) src(%dma_wait3A_836 : memref<4000xi32, #tpu.memory_space<hbm>>) dst(%arg12 : memref<4000xi32, #tpu.memory_space<vmem>>)
    %dma_wait3A_837 = arith.constant 0 : i32
    %dma_wait3A_838 = tpu.memref_slice %arg14[%dma_wait3A_837] : memref<12000xf32, #tpu.memory_space<vmem>> -> memref<4000xf32, #tpu.memory_space<vmem>>
    %dma_wait3A_839 = tpu.memref_slice %arg4[%add3A_750] : memref<1920000xf32, #tpu.memory_space<hbm>> -> memref<4000xf32, #tpu.memory_space<hbm>>
    %dma_wait3A_840 = tpu.memref_slice %arg4[%add3A_750] : memref<1920000xf32, #tpu.memory_space<hbm>> -> memref<4000xf32, #tpu.memory_space<hbm>>
    %dma_wait3A_841 = arith.constant 0 : i32
    %dma_wait3A_842 = tpu.memref_slice %arg14[%dma_wait3A_841] : memref<12000xf32, #tpu.memory_space<vmem>> -> memref<4000xf32, #tpu.memory_space<vmem>>
    tpu.wait_dma2 semaphore(%arg21 : memref<!tpu.dma_semaphore, #tpu.memory_space<semaphore_mem>>) src(%dma_wait3A_842 : memref<4000xf32, #tpu.memory_space<vmem>>) dst(%dma_wait3A_840 : memref<4000xf32, #tpu.memory_space<hbm>>)
    %dma_wait3A_843 = arith.constant 4000 : i32
    %dma_wait3A_844 = tpu.memref_slice %arg14[%dma_wait3A_843] : memref<12000xf32, #tpu.memory_space<vmem>> -> memref<4000xf32, #tpu.memory_space<vmem>>
    %dma_wait3A_845 = tpu.memref_slice %arg4[%add3A_758] : memref<1920000xf32, #tpu.memory_space<hbm>> -> memref<4000xf32, #tpu.memory_space<hbm>>
    %dma_wait3A_846 = tpu.memref_slice %arg4[%add3A_758] : memref<1920000xf32, #tpu.memory_space<hbm>> -> memref<4000xf32, #tpu.memory_space<hbm>>
    %dma_wait3A_847 = arith.constant 4000 : i32
    %dma_wait3A_848 = tpu.memref_slice %arg14[%dma_wait3A_847] : memref<12000xf32, #tpu.memory_space<vmem>> -> memref<4000xf32, #tpu.memory_space<vmem>>
    tpu.wait_dma2 semaphore(%arg21 : memref<!tpu.dma_semaphore, #tpu.memory_space<semaphore_mem>>) src(%dma_wait3A_848 : memref<4000xf32, #tpu.memory_space<vmem>>) dst(%dma_wait3A_846 : memref<4000xf32, #tpu.memory_space<hbm>>)
    %dma_wait3A_849 = arith.constant 8000 : i32
    %dma_wait3A_850 = tpu.memref_slice %arg14[%dma_wait3A_849] : memref<12000xf32, #tpu.memory_space<vmem>> -> memref<4000xf32, #tpu.memory_space<vmem>>
    %dma_wait3A_851 = tpu.memref_slice %arg4[%add3A_766] : memref<1920000xf32, #tpu.memory_space<hbm>> -> memref<4000xf32, #tpu.memory_space<hbm>>
    %dma_wait3A_852 = tpu.memref_slice %arg4[%add3A_766] : memref<1920000xf32, #tpu.memory_space<hbm>> -> memref<4000xf32, #tpu.memory_space<hbm>>
    %dma_wait3A_853 = arith.constant 8000 : i32
    %dma_wait3A_854 = tpu.memref_slice %arg14[%dma_wait3A_853] : memref<12000xf32, #tpu.memory_space<vmem>> -> memref<4000xf32, #tpu.memory_space<vmem>>
    tpu.wait_dma2 semaphore(%arg21 : memref<!tpu.dma_semaphore, #tpu.memory_space<semaphore_mem>>) src(%dma_wait3A_854 : memref<4000xf32, #tpu.memory_space<vmem>>) dst(%dma_wait3A_852 : memref<4000xf32, #tpu.memory_space<hbm>>)
    %scan3A_855 = arith.constant 0 : i32
    %scan3A_856 = arith.constant 0 : i32
    %scan3A_857 = arith.constant 250 : i32
    %scan3A_858 = arith.addi %scan3A_856, %scan3A_857 : i32
    %scan3A_859 = arith.constant 1 : i32
    scf.for %scan3A_921 = %scan3A_856 to %scan3A_858 step %scan3A_859  : i32 {
      %mul3A_922 = arith.constant 16 : i32
      %mul3A_923 = arith.muli %scan3A_921, %mul3A_922 : i32
      %get3A_924 = arith.index_cast %mul3A_923 : i32 to index
      %get3A_925 = tpu.vector_load %arg10[%get3A_924] {strides = array<i32>} : memref<4000xi32, #tpu.memory_space<vmem>>, vector<16xi32>,
      %mul3A_926 = arith.constant 16 : i32
      %mul3A_927 = arith.muli %scan3A_921, %mul3A_926 : i32
      %get3A_928 = arith.index_cast %mul3A_927 : i32 to index
      %get3A_929 = tpu.vector_load %arg12[%get3A_928] {strides = array<i32>} : memref<4000xi32, #tpu.memory_space<vmem>>, vector<16xi32>,
      %gather3A = tpu.vector_load_idx %arg6[%get3A_929] : memref<10240xf32, #tpu.memory_space<vmem>>[vector<16xi32>], vector<16xf32>,
      %gather3A_930 = tpu.vector_load_idx %arg5[%get3A_925] : memref<30000xf32, #tpu.memory_space<vmem>>[vector<16xi32>], vector<16xf32>,
      %mul3A_931 = arith.mulf %gather3A_930, %gather3A : vector<16xf32>
      %mul3A_932 = arith.constant 16 : i32
      %mul3A_933 = arith.muli %scan3A_921, %mul3A_932 : i32
      %swap3A_934 = arith.index_cast %mul3A_933 : i32 to index
      %swap3A_935 = tpu.vector_load %arg14[%swap3A_934] {strides = array<i32>} : memref<12000xf32, #tpu.memory_space<vmem>>, vector<16xf32>,
      tpu.vector_store %arg14[%swap3A_934], %mul3A_931 {strides = array<i32>} : memref<12000xf32, #tpu.memory_space<vmem>>, vector<16xf32>,
      %add3A_936 = arith.constant 10000 : i32
      %add3A_937 = vector.broadcast %add3A_936 : i32 to vector<16xi32>
      %add3A_938 = arith.addi %get3A_925, %add3A_937 : vector<16xi32>
      %gather3A_939 = tpu.vector_load_idx %arg5[%add3A_938] : memref<30000xf32, #tpu.memory_space<vmem>>[vector<16xi32>], vector<16xf32>,
      %mul3A_940 = arith.mulf %gather3A_939, %gather3A : vector<16xf32>
      %mul3A_941 = arith.constant 16 : i32
      %mul3A_942 = arith.muli %scan3A_921, %mul3A_941 : i32
      %add3A_943 = arith.constant 4000 : i32
      %add3A_944 = arith.addi %add3A_943, %mul3A_942 : i32
      %swap3A_945 = arith.index_cast %add3A_944 : i32 to index
      %swap3A_946 = tpu.vector_load %arg14[%swap3A_945] {strides = array<i32>} : memref<12000xf32, #tpu.memory_space<vmem>>, vector<16xf32>,
      tpu.vector_store %arg14[%swap3A_945], %mul3A_940 {strides = array<i32>} : memref<12000xf32, #tpu.memory_space<vmem>>, vector<16xf32>,
      %add3A_947 = arith.constant 20000 : i32
      %add3A_948 = vector.broadcast %add3A_947 : i32 to vector<16xi32>
      %add3A_949 = arith.addi %get3A_925, %add3A_948 : vector<16xi32>
      %gather3A_950 = tpu.vector_load_idx %arg5[%add3A_949] : memref<30000xf32, #tpu.memory_space<vmem>>[vector<16xi32>], vector<16xf32>,
      %mul3A_951 = arith.mulf %gather3A_950, %gather3A : vector<16xf32>
      %mul3A_952 = arith.constant 16 : i32
      %mul3A_953 = arith.muli %scan3A_921, %mul3A_952 : i32
      %add3A_954 = arith.constant 8000 : i32
      %add3A_955 = arith.addi %add3A_954, %mul3A_953 : i32
      %swap3A_956 = arith.index_cast %add3A_955 : i32 to index
      %swap3A_957 = tpu.vector_load %arg14[%swap3A_956] {strides = array<i32>} : memref<12000xf32, #tpu.memory_space<vmem>>, vector<16xf32>,
      tpu.vector_store %arg14[%swap3A_956], %mul3A_951 {strides = array<i32>} : memref<12000xf32, #tpu.memory_space<vmem>>, vector<16xf32>,
    }
    %scan3A_860 = arith.constant 250 : i32
    %add3A_861 = arith.constant 16000 : i32
    %add3A_862 = arith.addi %mul3A_620, %add3A_861 : i32
    %dma_start3A_863 = arith.constant 0 : i32
    %dma_start3A_864 = tpu.memref_slice %arg14[%dma_start3A_863] : memref<12000xf32, #tpu.memory_space<vmem>> -> memref<4000xf32, #tpu.memory_space<vmem>>
    %dma_start3A_865 = tpu.memref_slice %arg4[%add3A_862] : memref<1920000xf32, #tpu.memory_space<hbm>> -> memref<4000xf32, #tpu.memory_space<hbm>>
    %dma_start3A_866 = tpu.memref_slice %arg4[%add3A_862] : memref<1920000xf32, #tpu.memory_space<hbm>> -> memref<4000xf32, #tpu.memory_space<hbm>>
    %dma_start3A_867 = arith.constant 0 : i32
    %dma_start3A_868 = tpu.memref_slice %arg14[%dma_start3A_867] : memref<12000xf32, #tpu.memory_space<vmem>> -> memref<4000xf32, #tpu.memory_space<vmem>>
    tpu.enqueue_dma source(%dma_start3A_868 : memref<4000xf32, #tpu.memory_space<vmem>>) target(%dma_start3A_866 : memref<4000xf32, #tpu.memory_space<hbm>>) target_semaphore(%arg21 : memref<!tpu.dma_semaphore, #tpu.memory_space<semaphore_mem>>)
    %add3A_869 = arith.constant 640000 : i32
    %add3A_870 = arith.addi %add3A_869, %add3A_862 : i32
    %dma_start3A_871 = arith.constant 4000 : i32
    %dma_start3A_872 = tpu.memref_slice %arg14[%dma_start3A_871] : memref<12000xf32, #tpu.memory_space<vmem>> -> memref<4000xf32, #tpu.memory_space<vmem>>
    %dma_start3A_873 = tpu.memref_slice %arg4[%add3A_870] : memref<1920000xf32, #tpu.memory_space<hbm>> -> memref<4000xf32, #tpu.memory_space<hbm>>
    %dma_start3A_874 = tpu.memref_slice %arg4[%add3A_870] : memref<1920000xf32, #tpu.memory_space<hbm>> -> memref<4000xf32, #tpu.memory_space<hbm>>
    %dma_start3A_875 = arith.constant 4000 : i32
    %dma_start3A_876 = tpu.memref_slice %arg14[%dma_start3A_875] : memref<12000xf32, #tpu.memory_space<vmem>> -> memref<4000xf32, #tpu.memory_space<vmem>>
    tpu.enqueue_dma source(%dma_start3A_876 : memref<4000xf32, #tpu.memory_space<vmem>>) target(%dma_start3A_874 : memref<4000xf32, #tpu.memory_space<hbm>>) target_semaphore(%arg21 : memref<!tpu.dma_semaphore, #tpu.memory_space<semaphore_mem>>)
    %add3A_877 = arith.constant 1280000 : i32
    %add3A_878 = arith.addi %add3A_877, %add3A_862 : i32
    %dma_start3A_879 = arith.constant 8000 : i32
    %dma_start3A_880 = tpu.memref_slice %arg14[%dma_start3A_879] : memref<12000xf32, #tpu.memory_space<vmem>> -> memref<4000xf32, #tpu.memory_space<vmem>>
    %dma_start3A_881 = tpu.memref_slice %arg4[%add3A_878] : memref<1920000xf32, #tpu.memory_space<hbm>> -> memref<4000xf32, #tpu.memory_space<hbm>>
    %dma_start3A_882 = tpu.memref_slice %arg4[%add3A_878] : memref<1920000xf32, #tpu.memory_space<hbm>> -> memref<4000xf32, #tpu.memory_space<hbm>>
    %dma_start3A_883 = arith.constant 8000 : i32
    %dma_start3A_884 = tpu.memref_slice %arg14[%dma_start3A_883] : memref<12000xf32, #tpu.memory_space<vmem>> -> memref<4000xf32, #tpu.memory_space<vmem>>
    tpu.enqueue_dma source(%dma_start3A_884 : memref<4000xf32, #tpu.memory_space<vmem>>) target(%dma_start3A_882 : memref<4000xf32, #tpu.memory_space<hbm>>) target_semaphore(%arg21 : memref<!tpu.dma_semaphore, #tpu.memory_space<semaphore_mem>>)
    %dma_wait3A_885 = arith.constant 0 : i32
    %dma_wait3A_886 = tpu.memref_slice %arg15[%dma_wait3A_885] : memref<12000xf32, #tpu.memory_space<vmem>> -> memref<4000xf32, #tpu.memory_space<vmem>>
    %dma_wait3A_887 = tpu.memref_slice %arg4[%add3A_810] : memref<1920000xf32, #tpu.memory_space<hbm>> -> memref<4000xf32, #tpu.memory_space<hbm>>
    %dma_wait3A_888 = tpu.memref_slice %arg4[%add3A_810] : memref<1920000xf32, #tpu.memory_space<hbm>> -> memref<4000xf32, #tpu.memory_space<hbm>>
    %dma_wait3A_889 = arith.constant 0 : i32
    %dma_wait3A_890 = tpu.memref_slice %arg15[%dma_wait3A_889] : memref<12000xf32, #tpu.memory_space<vmem>> -> memref<4000xf32, #tpu.memory_space<vmem>>
    tpu.wait_dma2 semaphore(%arg22 : memref<!tpu.dma_semaphore, #tpu.memory_space<semaphore_mem>>) src(%dma_wait3A_890 : memref<4000xf32, #tpu.memory_space<vmem>>) dst(%dma_wait3A_888 : memref<4000xf32, #tpu.memory_space<hbm>>)
    %dma_wait3A_891 = arith.constant 4000 : i32
    %dma_wait3A_892 = tpu.memref_slice %arg15[%dma_wait3A_891] : memref<12000xf32, #tpu.memory_space<vmem>> -> memref<4000xf32, #tpu.memory_space<vmem>>
    %dma_wait3A_893 = tpu.memref_slice %arg4[%add3A_818] : memref<1920000xf32, #tpu.memory_space<hbm>> -> memref<4000xf32, #tpu.memory_space<hbm>>
    %dma_wait3A_894 = tpu.memref_slice %arg4[%add3A_818] : memref<1920000xf32, #tpu.memory_space<hbm>> -> memref<4000xf32, #tpu.memory_space<hbm>>
    %dma_wait3A_895 = arith.constant 4000 : i32
    %dma_wait3A_896 = tpu.memref_slice %arg15[%dma_wait3A_895] : memref<12000xf32, #tpu.memory_space<vmem>> -> memref<4000xf32, #tpu.memory_space<vmem>>
    tpu.wait_dma2 semaphore(%arg22 : memref<!tpu.dma_semaphore, #tpu.memory_space<semaphore_mem>>) src(%dma_wait3A_896 : memref<4000xf32, #tpu.memory_space<vmem>>) dst(%dma_wait3A_894 : memref<4000xf32, #tpu.memory_space<hbm>>)
    %dma_wait3A_897 = arith.constant 8000 : i32
    %dma_wait3A_898 = tpu.memref_slice %arg15[%dma_wait3A_897] : memref<12000xf32, #tpu.memory_space<vmem>> -> memref<4000xf32, #tpu.memory_space<vmem>>
    %dma_wait3A_899 = tpu.memref_slice %arg4[%add3A_826] : memref<1920000xf32, #tpu.memory_space<hbm>> -> memref<4000xf32, #tpu.memory_space<hbm>>
    %dma_wait3A_900 = tpu.memref_slice %arg4[%add3A_826] : memref<1920000xf32, #tpu.memory_space<hbm>> -> memref<4000xf32, #tpu.memory_space<hbm>>
    %dma_wait3A_901 = arith.constant 8000 : i32
    %dma_wait3A_902 = tpu.memref_slice %arg15[%dma_wait3A_901] : memref<12000xf32, #tpu.memory_space<vmem>> -> memref<4000xf32, #tpu.memory_space<vmem>>
    tpu.wait_dma2 semaphore(%arg22 : memref<!tpu.dma_semaphore, #tpu.memory_space<semaphore_mem>>) src(%dma_wait3A_902 : memref<4000xf32, #tpu.memory_space<vmem>>) dst(%dma_wait3A_900 : memref<4000xf32, #tpu.memory_space<hbm>>)
    %dma_wait3A_903 = arith.constant 0 : i32
    %dma_wait3A_904 = tpu.memref_slice %arg14[%dma_wait3A_903] : memref<12000xf32, #tpu.memory_space<vmem>> -> memref<4000xf32, #tpu.memory_space<vmem>>
    %dma_wait3A_905 = tpu.memref_slice %arg4[%add3A_862] : memref<1920000xf32, #tpu.memory_space<hbm>> -> memref<4000xf32, #tpu.memory_space<hbm>>
    %dma_wait3A_906 = tpu.memref_slice %arg4[%add3A_862] : memref<1920000xf32, #tpu.memory_space<hbm>> -> memref<4000xf32, #tpu.memory_space<hbm>>
    %dma_wait3A_907 = arith.constant 0 : i32
    %dma_wait3A_908 = tpu.memref_slice %arg14[%dma_wait3A_907] : memref<12000xf32, #tpu.memory_space<vmem>> -> memref<4000xf32, #tpu.memory_space<vmem>>
    tpu.wait_dma2 semaphore(%arg21 : memref<!tpu.dma_semaphore, #tpu.memory_space<semaphore_mem>>) src(%dma_wait3A_908 : memref<4000xf32, #tpu.memory_space<vmem>>) dst(%dma_wait3A_906 : memref<4000xf32, #tpu.memory_space<hbm>>)
    %dma_wait3A_909 = arith.constant 4000 : i32
    %dma_wait3A_910 = tpu.memref_slice %arg14[%dma_wait3A_909] : memref<12000xf32, #tpu.memory_space<vmem>> -> memref<4000xf32, #tpu.memory_space<vmem>>
    %dma_wait3A_911 = tpu.memref_slice %arg4[%add3A_870] : memref<1920000xf32, #tpu.memory_space<hbm>> -> memref<4000xf32, #tpu.memory_space<hbm>>
    %dma_wait3A_912 = tpu.memref_slice %arg4[%add3A_870] : memref<1920000xf32, #tpu.memory_space<hbm>> -> memref<4000xf32, #tpu.memory_space<hbm>>
    %dma_wait3A_913 = arith.constant 4000 : i32
    %dma_wait3A_914 = tpu.memref_slice %arg14[%dma_wait3A_913] : memref<12000xf32, #tpu.memory_space<vmem>> -> memref<4000xf32, #tpu.memory_space<vmem>>
    tpu.wait_dma2 semaphore(%arg21 : memref<!tpu.dma_semaphore, #tpu.memory_space<semaphore_mem>>) src(%dma_wait3A_914 : memref<4000xf32, #tpu.memory_space<vmem>>) dst(%dma_wait3A_912 : memref<4000xf32, #tpu.memory_space<hbm>>)
    %dma_wait3A_915 = arith.constant 8000 : i32
    %dma_wait3A_916 = tpu.memref_slice %arg14[%dma_wait3A_915] : memref<12000xf32, #tpu.memory_space<vmem>> -> memref<4000xf32, #tpu.memory_space<vmem>>
    %dma_wait3A_917 = tpu.memref_slice %arg4[%add3A_878] : memref<1920000xf32, #tpu.memory_space<hbm>> -> memref<4000xf32, #tpu.memory_space<hbm>>
    %dma_wait3A_918 = tpu.memref_slice %arg4[%add3A_878] : memref<1920000xf32, #tpu.memory_space<hbm>> -> memref<4000xf32, #tpu.memory_space<hbm>>
    %dma_wait3A_919 = arith.constant 8000 : i32
    %dma_wait3A_920 = tpu.memref_slice %arg14[%dma_wait3A_919] : memref<12000xf32, #tpu.memory_space<vmem>> -> memref<4000xf32, #tpu.memory_space<vmem>>
    tpu.wait_dma2 semaphore(%arg21 : memref<!tpu.dma_semaphore, #tpu.memory_space<semaphore_mem>>) src(%dma_wait3A_920 : memref<4000xf32, #tpu.memory_space<vmem>>) dst(%dma_wait3A_918 : memref<4000xf32, #tpu.memory_space<hbm>>)
    return
  }
}

module attributes {stable_mosaic.version = 14 : i64} {
  func.func @_reduce_head_body(%arg0: i32, %arg1: memref<12x128000xf32, #tpu.memory_space<vmem>>, %arg2: memref<128000xf32, #tpu.memory_space<vmem>>, %arg3: memref<128000xf32, #tpu.memory_space<vmem>>, %arg4: memref<128000xf32, #tpu.memory_space<vmem>>, %arg5: memref<20x12xf32, #tpu.memory_space<vmem>>, %arg6: memref<20x1xf32, #tpu.memory_space<vmem>>, %arg7: memref<20x20xf32, #tpu.memory_space<vmem>>, %arg8: memref<20x1xf32, #tpu.memory_space<vmem>>, %arg9: memref<21x20xf32, #tpu.memory_space<vmem>>, %arg10: memref<21x1xf32, #tpu.memory_space<vmem>>, %arg11: memref<50x20xf32, #tpu.memory_space<vmem>>, %arg12: memref<50x20xf32, #tpu.memory_space<vmem>>, %arg13: memref<50x20xf32, #tpu.memory_space<vmem>>, %arg14: memref<50x3xf32, #tpu.memory_space<vmem>>, %arg15: memref<3x10000xf32, #tpu.memory_space<vmem>>, %arg16: memref<50x3xf32, #tpu.memory_space<vmem>>, %arg17: memref<50x1xf32, #tpu.memory_space<vmem>>, %arg18: memref<50x50xf32, #tpu.memory_space<vmem>>, %arg19: memref<50x1xf32, #tpu.memory_space<vmem>>, %arg20: memref<50x1xf32, #tpu.memory_space<vmem>>, %arg21: memref<50x1xf32, #tpu.memory_space<vmem>>, %arg22: memref<50x1xf32, #tpu.memory_space<vmem>>, %arg23: memref<50x1xf32, #tpu.memory_space<vmem>>, %arg24: memref<50x50xf32, #tpu.memory_space<vmem>>, %arg25: memref<50x1xf32, #tpu.memory_space<vmem>>, %arg26: memref<50x1xf32, #tpu.memory_space<vmem>>, %arg27: memref<50x1xf32, #tpu.memory_space<vmem>>, %arg28: memref<50x1xf32, #tpu.memory_space<vmem>>, %arg29: memref<50x1xf32, #tpu.memory_space<vmem>>, %arg30: memref<50x50xf32, #tpu.memory_space<vmem>>, %arg31: memref<50x1xf32, #tpu.memory_space<vmem>>, %arg32: memref<50x1xf32, #tpu.memory_space<vmem>>, %arg33: memref<50x10000xf32, #tpu.memory_space<vmem>>, %arg34: memref<21x3xf32, #tpu.memory_space<vmem>>) attributes {dimension_semantics = [#tpu.dimension_semantics<arbitrary>], iteration_bounds = array<i64: 5>, scalar_prefetch = 0 : i64, scratch_operands = 1 : i64, tpu.core_type = #tpu.core_type<tc>, window_params = [{transform_indices = @transform_0, window_bounds = array<i64: 12, 128000>}, {transform_indices = @transform_1, window_bounds = array<i64: 128000>}, {transform_indices = @transform_2, window_bounds = array<i64: 128000>}, {transform_indices = @transform_3, window_bounds = array<i64: 128000>}, {pipeline_mode = #tpu.pipeline_mode<synchronous>, transform_indices = @transform_4, window_bounds = array<i64: 20, 12>}, {pipeline_mode = #tpu.pipeline_mode<synchronous>, transform_indices = @transform_5, window_bounds = array<i64: 20, 1>}, {pipeline_mode = #tpu.pipeline_mode<synchronous>, transform_indices = @transform_6, window_bounds = array<i64: 20, 20>}, {pipeline_mode = #tpu.pipeline_mode<synchronous>, transform_indices = @transform_7, window_bounds = array<i64: 20, 1>}, {pipeline_mode = #tpu.pipeline_mode<synchronous>, transform_indices = @transform_8, window_bounds = array<i64: 21, 20>}, {pipeline_mode = #tpu.pipeline_mode<synchronous>, transform_indices = @transform_9, window_bounds = array<i64: 21, 1>}, {pipeline_mode = #tpu.pipeline_mode<synchronous>, transform_indices = @transform_10, window_bounds = array<i64: 50, 20>}, {pipeline_mode = #tpu.pipeline_mode<synchronous>, transform_indices = @transform_11, window_bounds = array<i64: 50, 20>}, {pipeline_mode = #tpu.pipeline_mode<synchronous>, transform_indices = @transform_12, window_bounds = array<i64: 50, 20>}, {pipeline_mode = #tpu.pipeline_mode<synchronous>, transform_indices = @transform_13, window_bounds = array<i64: 50, 3>}, {pipeline_mode = #tpu.pipeline_mode<synchronous>, transform_indices = @transform_14, window_bounds = array<i64: 3, 10000>}, {pipeline_mode = #tpu.pipeline_mode<synchronous>, transform_indices = @transform_15, window_bounds = array<i64: 50, 3>}, {pipeline_mode = #tpu.pipeline_mode<synchronous>, transform_indices = @transform_16, window_bounds = array<i64: 50, 1>}, {pipeline_mode = #tpu.pipeline_mode<synchronous>, transform_indices = @transform_17, window_bounds = array<i64: 50, 50>}, {pipeline_mode = #tpu.pipeline_mode<synchronous>, transform_indices = @transform_18, window_bounds = array<i64: 50, 1>}, {pipeline_mode = #tpu.pipeline_mode<synchronous>, transform_indices = @transform_19, window_bounds = array<i64: 50, 1>}, {pipeline_mode = #tpu.pipeline_mode<synchronous>, transform_indices = @transform_20, window_bounds = array<i64: 50, 1>}, {pipeline_mode = #tpu.pipeline_mode<synchronous>, transform_indices = @transform_21, window_bounds = array<i64: 50, 1>}, {pipeline_mode = #tpu.pipeline_mode<synchronous>, transform_indices = @transform_22, window_bounds = array<i64: 50, 1>}, {pipeline_mode = #tpu.pipeline_mode<synchronous>, transform_indices = @transform_23, window_bounds = array<i64: 50, 50>}, {pipeline_mode = #tpu.pipeline_mode<synchronous>, transform_indices = @transform_24, window_bounds = array<i64: 50, 1>}, {pipeline_mode = #tpu.pipeline_mode<synchronous>, transform_indices = @transform_25, window_bounds = array<i64: 50, 1>}, {pipeline_mode = #tpu.pipeline_mode<synchronous>, transform_indices = @transform_26, window_bounds = array<i64: 50, 1>}, {pipeline_mode = #tpu.pipeline_mode<synchronous>, transform_indices = @transform_27, window_bounds = array<i64: 50, 1>}, {pipeline_mode = #tpu.pipeline_mode<synchronous>, transform_indices = @transform_28, window_bounds = array<i64: 50, 1>}, {pipeline_mode = #tpu.pipeline_mode<synchronous>, transform_indices = @transform_29, window_bounds = array<i64: 50, 50>}, {pipeline_mode = #tpu.pipeline_mode<synchronous>, transform_indices = @transform_30, window_bounds = array<i64: 50, 1>}, {pipeline_mode = #tpu.pipeline_mode<synchronous>, transform_indices = @transform_31, window_bounds = array<i64: 50, 1>}, {pipeline_mode = #tpu.pipeline_mode<synchronous>, transform_indices = @transform_32, window_bounds = array<i64: 50, 10000>}]} {
    %eq3A = arith.constant 0 : i32
    %eq3A_0 = arith.cmpi eq, %arg0, %eq3A : i32
    %convert_element_type3A = arith.extui %eq3A_0 : i1 to i32
    %cond3A = arith.constant 0 : i32
    %cond3A_1 = arith.cmpi ne, %convert_element_type3A, %cond3A : i32
    scf.if %cond3A_1 {
      %broadcast_in_dim3A = arith.constant 0.000000e+00 : f32
      %broadcast_in_dim3A_61 = vector.broadcast %broadcast_in_dim3A : f32 to vector<21x3xf32>
      %swap3A_62 = arith.constant 0 : index
      %swap3A_63 = arith.constant 0 : index
      %swap3A_64 = vector.load %arg34[%swap3A_62, %swap3A_63] : memref<21x3xf32, #tpu.memory_space<vmem>>, vector<21x3xf32>
      tpu.vector_store %arg34[%swap3A_62, %swap3A_63], %broadcast_in_dim3A_61 {strides = array<i32>} : memref<21x3xf32, #tpu.memory_space<vmem>>, vector<21x3xf32>,
    } else {
    }
    %get3A = arith.constant 0 : index
    %get3A_2 = arith.constant 0 : index
    %get3A_3 = vector.load %arg5[%get3A, %get3A_2] : memref<20x12xf32, #tpu.memory_space<vmem>>, vector<20x12xf32>
    %get3A_4 = arith.constant 0 : index
    %get3A_5 = arith.constant 0 : index
    %get3A_6 = vector.load %arg1[%get3A_4, %get3A_5] : memref<12x128000xf32, #tpu.memory_space<vmem>>, vector<12x128000xf32>
    %dot_general3A = arith.constant dense<0.000000e+00> : vector<20x128000xf32>
    %dot_general3A_7 = tpu.matmul %get3A_3, %get3A_6, %dot_general3A {dimension_numbers = #tpu.dot_dimension_numbers<[1], [0], [0], [1], [0, 0, 1, 1], [], []>, transpose_lhs_hint = false} : vector<20x12xf32>, vector<12x128000xf32>, vector<20x128000xf32> -> vector<20x128000xf32>
    %get3A_8 = arith.constant 0 : index
    %get3A_9 = arith.constant 0 : index
    %get3A_10 = vector.load %arg6[%get3A_8, %get3A_9] : memref<20x1xf32, #tpu.memory_space<vmem>>, vector<20x1xf32>
    %add3A = vector.broadcast %get3A_10 : vector<20x1xf32> to vector<20x128000xf32>
    %add3A_11 = arith.addf %dot_general3A_7, %add3A : vector<20x128000xf32>
    %max3A = arith.constant 0.000000e+00 : f32
    %max3A_12 = vector.broadcast %max3A : f32 to vector<20x128000xf32>
    %max3A_13 = arith.maximumf %add3A_11, %max3A_12 : vector<20x128000xf32>
    %get3A_14 = arith.constant 0 : index
    %get3A_15 = arith.constant 0 : index
    %get3A_16 = vector.load %arg7[%get3A_14, %get3A_15] : memref<20x20xf32, #tpu.memory_space<vmem>>, vector<20x20xf32>
    %dot_general3A_17 = arith.constant dense<0.000000e+00> : vector<20x128000xf32>
    %dot_general3A_18 = tpu.matmul %get3A_16, %max3A_13, %dot_general3A_17 {dimension_numbers = #tpu.dot_dimension_numbers<[1], [0], [0], [1], [0, 0, 1, 1], [], []>, transpose_lhs_hint = false} : vector<20x20xf32>, vector<20x128000xf32>, vector<20x128000xf32> -> vector<20x128000xf32>
    %get3A_19 = arith.constant 0 : index
    %get3A_20 = arith.constant 0 : index
    %get3A_21 = vector.load %arg8[%get3A_19, %get3A_20] : memref<20x1xf32, #tpu.memory_space<vmem>>, vector<20x1xf32>
    %add3A_22 = vector.broadcast %get3A_21 : vector<20x1xf32> to vector<20x128000xf32>
    %add3A_23 = arith.addf %dot_general3A_18, %add3A_22 : vector<20x128000xf32>
    %max3A_24 = arith.constant 0.000000e+00 : f32
    %max3A_25 = vector.broadcast %max3A_24 : f32 to vector<20x128000xf32>
    %max3A_26 = arith.maximumf %add3A_23, %max3A_25 : vector<20x128000xf32>
    %get3A_27 = arith.constant 0 : index
    %get3A_28 = arith.constant 0 : index
    %get3A_29 = vector.load %arg9[%get3A_27, %get3A_28] : memref<21x20xf32, #tpu.memory_space<vmem>>, vector<21x20xf32>
    %dot_general3A_30 = arith.constant dense<0.000000e+00> : vector<21x128000xf32>
    %dot_general3A_31 = tpu.matmul %get3A_29, %max3A_26, %dot_general3A_30 {dimension_numbers = #tpu.dot_dimension_numbers<[1], [0], [0], [1], [0, 0, 1, 1], [], []>, transpose_lhs_hint = false} : vector<21x20xf32>, vector<20x128000xf32>, vector<21x128000xf32> -> vector<21x128000xf32>
    %get3A_32 = arith.constant 0 : index
    %get3A_33 = arith.constant 0 : index
    %get3A_34 = vector.load %arg10[%get3A_32, %get3A_33] : memref<21x1xf32, #tpu.memory_space<vmem>>, vector<21x1xf32>
    %add3A_35 = vector.broadcast %get3A_34 : vector<21x1xf32> to vector<21x128000xf32>
    %add3A_36 = arith.addf %dot_general3A_31, %add3A_35 : vector<21x128000xf32>
    %max3A_37 = arith.constant 0.000000e+00 : f32
    %max3A_38 = vector.broadcast %max3A_37 : f32 to vector<21x128000xf32>
    %max3A_39 = arith.maximumf %add3A_36, %max3A_38 : vector<21x128000xf32>
    %get3A_40 = arith.constant 0 : index
    %get3A_41 = vector.load %arg2[%get3A_40] : memref<128000xf32, #tpu.memory_space<vmem>>, vector<128000xf32>
    %reshape3A = vector.shape_cast %get3A_41 : vector<128000xf32> to vector<1x128000xf32>
    %get3A_42 = arith.constant 0 : index
    %get3A_43 = vector.load %arg3[%get3A_42] : memref<128000xf32, #tpu.memory_space<vmem>>, vector<128000xf32>
    %reshape3A_44 = vector.shape_cast %get3A_43 : vector<128000xf32> to vector<1x128000xf32>
    %get3A_45 = arith.constant 0 : index
    %get3A_46 = vector.load %arg4[%get3A_45] : memref<128000xf32, #tpu.memory_space<vmem>>, vector<128000xf32>
    %reshape3A_47 = vector.shape_cast %get3A_46 : vector<128000xf32> to vector<1x128000xf32>
    %concatenate3A = tpu.concatenate %reshape3A, %reshape3A_44, %reshape3A_47 in 0 : vector<1x128000xf32>, vector<1x128000xf32>, vector<1x128000xf32> -> vector<3x128000xf32>
    %get3A_48 = arith.constant 0 : index
    %get3A_49 = arith.constant 0 : index
    %get3A_50 = vector.load %arg34[%get3A_48, %get3A_49] : memref<21x3xf32, #tpu.memory_space<vmem>>, vector<21x3xf32>
    %dot_general3A_51 = arith.constant dense<0.000000e+00> : vector<21x3xf32>
    %dot_general3A_52 = tpu.matmul %max3A_39, %concatenate3A, %dot_general3A_51 {dimension_numbers = #tpu.dot_dimension_numbers<[1], [1], [0], [0], [0, 0, 1, 0], [], []>, transpose_lhs_hint = false} : vector<21x128000xf32>, vector<3x128000xf32>, vector<21x3xf32> -> vector<21x3xf32>
    %add3A_53 = arith.addf %get3A_50, %dot_general3A_52 : vector<21x3xf32>
    %swap3A = arith.constant 0 : index
    %swap3A_54 = arith.constant 0 : index
    %swap3A_55 = vector.load %arg34[%swap3A, %swap3A_54] : memref<21x3xf32, #tpu.memory_space<vmem>>, vector<21x3xf32>
    tpu.vector_store %arg34[%swap3A, %swap3A_54], %add3A_53 {strides = array<i32>} : memref<21x3xf32, #tpu.memory_space<vmem>>, vector<21x3xf32>,
    %eq3A_56 = arith.constant 4 : i32
    %eq3A_57 = arith.cmpi eq, %arg0, %eq3A_56 : i32
    %convert_element_type3A_58 = arith.extui %eq3A_57 : i1 to i32
    %cond3A_59 = arith.constant 0 : i32
    %cond3A_60 = arith.cmpi ne, %convert_element_type3A_58, %cond3A_59 : i32
    scf.if %cond3A_60 {
      %get3A_61 = arith.constant 0 : index
      %get3A_62 = arith.constant 0 : index
      %get3A_63 = vector.load %arg34[%get3A_61, %get3A_62] : memref<21x3xf32, #tpu.memory_space<vmem>>, vector<21x3xf32>
      %slice3A = vector.extract_strided_slice %get3A_63 {offsets = [0, 0], sizes = [20, 3], strides = [1, 1]} : vector<21x3xf32> to vector<20x3xf32>
      %slice3A_64 = vector.extract_strided_slice %get3A_63 {offsets = [20, 0], sizes = [1, 3], strides = [1, 1]} : vector<21x3xf32> to vector<1x3xf32>
      %get3A_65 = arith.constant 0 : index
      %get3A_66 = arith.constant 0 : index
      %get3A_67 = vector.load %arg11[%get3A_65, %get3A_66] : memref<50x20xf32, #tpu.memory_space<vmem>>, vector<50x20xf32>
      %slice3A_68 = vector.extract_strided_slice %slice3A {offsets = [0, 0], sizes = [20, 1], strides = [1, 1]} : vector<20x3xf32> to vector<20x1xf32>
      %dot_general3A_69 = arith.constant dense<0.000000e+00> : vector<50x1xf32>
      %dot_general3A_70 = tpu.matmul %get3A_67, %slice3A_68, %dot_general3A_69 {dimension_numbers = #tpu.dot_dimension_numbers<[1], [0], [0], [1], [0, 0, 1, 1], [], []>, precision = #tpu.contract_precision<fp32>, transpose_lhs_hint = false} : vector<50x20xf32>, vector<20x1xf32>, vector<50x1xf32> -> vector<50x1xf32>
      %get3A_71 = arith.constant 0 : index
      %get3A_72 = arith.constant 0 : index
      %get3A_73 = vector.load %arg12[%get3A_71, %get3A_72] : memref<50x20xf32, #tpu.memory_space<vmem>>, vector<50x20xf32>
      %slice3A_74 = vector.extract_strided_slice %slice3A {offsets = [0, 1], sizes = [20, 1], strides = [1, 1]} : vector<20x3xf32> to vector<20x1xf32>
      %dot_general3A_75 = arith.constant dense<0.000000e+00> : vector<50x1xf32>
      %dot_general3A_76 = tpu.matmul %get3A_73, %slice3A_74, %dot_general3A_75 {dimension_numbers = #tpu.dot_dimension_numbers<[1], [0], [0], [1], [0, 0, 1, 1], [], []>, precision = #tpu.contract_precision<fp32>, transpose_lhs_hint = false} : vector<50x20xf32>, vector<20x1xf32>, vector<50x1xf32> -> vector<50x1xf32>
      %add3A_77 = arith.addf %dot_general3A_70, %dot_general3A_76 : vector<50x1xf32>
      %get3A_78 = arith.constant 0 : index
      %get3A_79 = arith.constant 0 : index
      %get3A_80 = vector.load %arg13[%get3A_78, %get3A_79] : memref<50x20xf32, #tpu.memory_space<vmem>>, vector<50x20xf32>
      %slice3A_81 = vector.extract_strided_slice %slice3A {offsets = [0, 2], sizes = [20, 1], strides = [1, 1]} : vector<20x3xf32> to vector<20x1xf32>
      %dot_general3A_82 = arith.constant dense<0.000000e+00> : vector<50x1xf32>
      %dot_general3A_83 = tpu.matmul %get3A_80, %slice3A_81, %dot_general3A_82 {dimension_numbers = #tpu.dot_dimension_numbers<[1], [0], [0], [1], [0, 0, 1, 1], [], []>, precision = #tpu.contract_precision<fp32>, transpose_lhs_hint = false} : vector<50x20xf32>, vector<20x1xf32>, vector<50x1xf32> -> vector<50x1xf32>
      %add3A_84 = arith.addf %add3A_77, %dot_general3A_83 : vector<50x1xf32>
      %slice3A_85 = vector.extract_strided_slice %slice3A_64 {offsets = [0, 0], sizes = [1, 1], strides = [1, 1]} : vector<1x3xf32> to vector<1x1xf32>
      %get3A_86 = arith.constant 0 : index
      %get3A_87 = arith.constant 0 : index
      %get3A_88 = vector.load %arg14[%get3A_86, %get3A_87] : memref<50x3xf32, #tpu.memory_space<vmem>>, vector<50x1xf32>
      %mul3A = vector.broadcast %slice3A_85 : vector<1x1xf32> to vector<50x1xf32>
      %mul3A_89 = arith.mulf %mul3A, %get3A_88 : vector<50x1xf32>
      %add3A_90 = arith.addf %add3A_84, %mul3A_89 : vector<50x1xf32>
      %slice3A_91 = vector.extract_strided_slice %slice3A_64 {offsets = [0, 1], sizes = [1, 1], strides = [1, 1]} : vector<1x3xf32> to vector<1x1xf32>
      %get3A_92 = arith.constant 0 : index
      %get3A_93 = arith.constant 1 : index
      %get3A_94 = vector.load %arg14[%get3A_92, %get3A_93] : memref<50x3xf32, #tpu.memory_space<vmem>>, vector<50x1xf32>
      %mul3A_95 = vector.broadcast %slice3A_91 : vector<1x1xf32> to vector<50x1xf32>
      %mul3A_96 = arith.mulf %mul3A_95, %get3A_94 : vector<50x1xf32>
      %add3A_97 = arith.addf %add3A_90, %mul3A_96 : vector<50x1xf32>
      %slice3A_98 = vector.extract_strided_slice %slice3A_64 {offsets = [0, 2], sizes = [1, 1], strides = [1, 1]} : vector<1x3xf32> to vector<1x1xf32>
      %get3A_99 = arith.constant 0 : index
      %get3A_100 = arith.constant 2 : index
      %get3A_101 = vector.load %arg14[%get3A_99, %get3A_100] : memref<50x3xf32, #tpu.memory_space<vmem>>, vector<50x1xf32>
      %mul3A_102 = vector.broadcast %slice3A_98 : vector<1x1xf32> to vector<50x1xf32>
      %mul3A_103 = arith.mulf %mul3A_102, %get3A_101 : vector<50x1xf32>
      %add3A_104 = arith.addf %add3A_97, %mul3A_103 : vector<50x1xf32>
      %get3A_105 = arith.constant 0 : index
      %get3A_106 = arith.constant 0 : index
      %get3A_107 = vector.load %arg15[%get3A_105, %get3A_106] : memref<3x10000xf32, #tpu.memory_space<vmem>>, vector<3x10000xf32>
      %reduce_sum3A = arith.constant dense<0.000000e+00> : vector<3xf32>
      %reduce_sum3A_108 = vector.multi_reduction <add>, %get3A_107, %reduce_sum3A [1] : vector<3x10000xf32> to vector<3xf32>
      %broadcast_in_dim3A = vector.shape_cast %reduce_sum3A_108 : vector<3xf32> to vector<3x1xf32>
      %mul3A_109 = arith.constant 9.99999974E-5 : f32
      %mul3A_110 = vector.broadcast %mul3A_109 : f32 to vector<3x1xf32>
      %mul3A_111 = arith.mulf %broadcast_in_dim3A, %mul3A_110 : vector<3x1xf32>
      %mul3A_112 = arith.constant 9.99999974E-5 : f32
      %mul3A_113 = vector.broadcast %mul3A_112 : f32 to vector<50x1xf32>
      %mul3A_114 = arith.mulf %add3A_104, %mul3A_113 : vector<50x1xf32>
      %get3A_115 = arith.constant 0 : index
      %get3A_116 = arith.constant 0 : index
      %get3A_117 = vector.load %arg16[%get3A_115, %get3A_116] : memref<50x3xf32, #tpu.memory_space<vmem>>, vector<50x3xf32>
      %dot_general3A_118 = arith.constant dense<0.000000e+00> : vector<50x1xf32>
      %dot_general3A_119 = tpu.matmul %get3A_117, %mul3A_111, %dot_general3A_118 {dimension_numbers = #tpu.dot_dimension_numbers<[1], [0], [0], [1], [0, 0, 1, 1], [], []>, precision = #tpu.contract_precision<fp32>, transpose_lhs_hint = false} : vector<50x3xf32>, vector<3x1xf32>, vector<50x1xf32> -> vector<50x1xf32>
      %add3A_120 = arith.addf %mul3A_114, %dot_general3A_119 : vector<50x1xf32>
      %get3A_121 = arith.constant 0 : index
      %get3A_122 = arith.constant 0 : index
      %get3A_123 = vector.load %arg17[%get3A_121, %get3A_122] : memref<50x1xf32, #tpu.memory_space<vmem>>, vector<50x1xf32>
      %add3A_124 = arith.addf %add3A_120, %get3A_123 : vector<50x1xf32>
      %get3A_125 = arith.constant 0 : index
      %get3A_126 = arith.constant 0 : index
      %get3A_127 = vector.load %arg18[%get3A_125, %get3A_126] : memref<50x50xf32, #tpu.memory_space<vmem>>, vector<50x50xf32>
      %dot_general3A_128 = arith.constant dense<0.000000e+00> : vector<50x1xf32>
      %dot_general3A_129 = tpu.matmul %get3A_127, %add3A_124, %dot_general3A_128 {dimension_numbers = #tpu.dot_dimension_numbers<[1], [0], [0], [1], [0, 0, 1, 1], [], []>, precision = #tpu.contract_precision<fp32>, transpose_lhs_hint = false} : vector<50x50xf32>, vector<50x1xf32>, vector<50x1xf32> -> vector<50x1xf32>
      %get3A_130 = arith.constant 0 : index
      %get3A_131 = arith.constant 0 : index
      %get3A_132 = vector.load %arg19[%get3A_130, %get3A_131] : memref<50x1xf32, #tpu.memory_space<vmem>>, vector<50x1xf32>
      %add3A_133 = arith.addf %dot_general3A_129, %get3A_132 : vector<50x1xf32>
      %get3A_134 = arith.constant 0 : index
      %get3A_135 = arith.constant 0 : index
      %get3A_136 = vector.load %arg22[%get3A_134, %get3A_135] : memref<50x1xf32, #tpu.memory_space<vmem>>, vector<50x1xf32>
      %sub3A = arith.subf %add3A_133, %get3A_136 : vector<50x1xf32>
      %get3A_137 = arith.constant 0 : index
      %get3A_138 = arith.constant 0 : index
      %get3A_139 = vector.load %arg23[%get3A_137, %get3A_138] : memref<50x1xf32, #tpu.memory_space<vmem>>, vector<50x1xf32>
      %add3A_140 = arith.constant 9.99999974E-6 : f32
      %add3A_141 = vector.broadcast %add3A_140 : f32 to vector<50x1xf32>
      %add3A_142 = arith.addf %get3A_139, %add3A_141 : vector<50x1xf32>
      %sqrt3A = math.sqrt %add3A_142 : vector<50x1xf32>
      %div3A = arith.divf %sub3A, %sqrt3A : vector<50x1xf32>
      %get3A_143 = arith.constant 0 : index
      %get3A_144 = arith.constant 0 : index
      %get3A_145 = vector.load %arg20[%get3A_143, %get3A_144] : memref<50x1xf32, #tpu.memory_space<vmem>>, vector<50x1xf32>
      %mul3A_146 = arith.mulf %div3A, %get3A_145 : vector<50x1xf32>
      %get3A_147 = arith.constant 0 : index
      %get3A_148 = arith.constant 0 : index
      %get3A_149 = vector.load %arg21[%get3A_147, %get3A_148] : memref<50x1xf32, #tpu.memory_space<vmem>>, vector<50x1xf32>
      %add3A_150 = arith.addf %mul3A_146, %get3A_149 : vector<50x1xf32>
      %max3A_151 = arith.constant 0.000000e+00 : f32
      %max3A_152 = vector.broadcast %max3A_151 : f32 to vector<50x1xf32>
      %max3A_153 = arith.maximumf %add3A_150, %max3A_152 : vector<50x1xf32>
      %get3A_154 = arith.constant 0 : index
      %get3A_155 = arith.constant 0 : index
      %get3A_156 = vector.load %arg24[%get3A_154, %get3A_155] : memref<50x50xf32, #tpu.memory_space<vmem>>, vector<50x50xf32>
      %dot_general3A_157 = arith.constant dense<0.000000e+00> : vector<50x1xf32>
      %dot_general3A_158 = tpu.matmul %get3A_156, %max3A_153, %dot_general3A_157 {dimension_numbers = #tpu.dot_dimension_numbers<[1], [0], [0], [1], [0, 0, 1, 1], [], []>, precision = #tpu.contract_precision<fp32>, transpose_lhs_hint = false} : vector<50x50xf32>, vector<50x1xf32>, vector<50x1xf32> -> vector<50x1xf32>
      %get3A_159 = arith.constant 0 : index
      %get3A_160 = arith.constant 0 : index
      %get3A_161 = vector.load %arg25[%get3A_159, %get3A_160] : memref<50x1xf32, #tpu.memory_space<vmem>>, vector<50x1xf32>
      %add3A_162 = arith.addf %dot_general3A_158, %get3A_161 : vector<50x1xf32>
      %get3A_163 = arith.constant 0 : index
      %get3A_164 = arith.constant 0 : index
      %get3A_165 = vector.load %arg28[%get3A_163, %get3A_164] : memref<50x1xf32, #tpu.memory_space<vmem>>, vector<50x1xf32>
      %sub3A_166 = arith.subf %add3A_162, %get3A_165 : vector<50x1xf32>
      %get3A_167 = arith.constant 0 : index
      %get3A_168 = arith.constant 0 : index
      %get3A_169 = vector.load %arg29[%get3A_167, %get3A_168] : memref<50x1xf32, #tpu.memory_space<vmem>>, vector<50x1xf32>
      %add3A_170 = arith.constant 9.99999974E-6 : f32
      %add3A_171 = vector.broadcast %add3A_170 : f32 to vector<50x1xf32>
      %add3A_172 = arith.addf %get3A_169, %add3A_171 : vector<50x1xf32>
      %sqrt3A_173 = math.sqrt %add3A_172 : vector<50x1xf32>
      %div3A_174 = arith.divf %sub3A_166, %sqrt3A_173 : vector<50x1xf32>
      %get3A_175 = arith.constant 0 : index
      %get3A_176 = arith.constant 0 : index
      %get3A_177 = vector.load %arg26[%get3A_175, %get3A_176] : memref<50x1xf32, #tpu.memory_space<vmem>>, vector<50x1xf32>
      %mul3A_178 = arith.mulf %div3A_174, %get3A_177 : vector<50x1xf32>
      %get3A_179 = arith.constant 0 : index
      %get3A_180 = arith.constant 0 : index
      %get3A_181 = vector.load %arg27[%get3A_179, %get3A_180] : memref<50x1xf32, #tpu.memory_space<vmem>>, vector<50x1xf32>
      %add3A_182 = arith.addf %mul3A_178, %get3A_181 : vector<50x1xf32>
      %max3A_183 = arith.constant 0.000000e+00 : f32
      %max3A_184 = vector.broadcast %max3A_183 : f32 to vector<50x1xf32>
      %max3A_185 = arith.maximumf %add3A_182, %max3A_184 : vector<50x1xf32>
      %get3A_186 = arith.constant 0 : index
      %get3A_187 = arith.constant 0 : index
      %get3A_188 = vector.load %arg30[%get3A_186, %get3A_187] : memref<50x50xf32, #tpu.memory_space<vmem>>, vector<50x50xf32>
      %dot_general3A_189 = arith.constant dense<0.000000e+00> : vector<50x1xf32>
      %dot_general3A_190 = tpu.matmul %get3A_188, %max3A_185, %dot_general3A_189 {dimension_numbers = #tpu.dot_dimension_numbers<[1], [0], [0], [1], [0, 0, 1, 1], [], []>, precision = #tpu.contract_precision<fp32>, transpose_lhs_hint = false} : vector<50x50xf32>, vector<50x1xf32>, vector<50x1xf32> -> vector<50x1xf32>
      %get3A_191 = arith.constant 0 : index
      %get3A_192 = arith.constant 0 : index
      %get3A_193 = vector.load %arg31[%get3A_191, %get3A_192] : memref<50x1xf32, #tpu.memory_space<vmem>>, vector<50x1xf32>
      %add3A_194 = arith.addf %dot_general3A_190, %get3A_193 : vector<50x1xf32>
      %swap3A_195 = arith.constant 0 : index
      %swap3A_196 = arith.constant 0 : index
      %swap3A_197 = vector.load %arg32[%swap3A_195, %swap3A_196] : memref<50x1xf32, #tpu.memory_space<vmem>>, vector<50x1xf32>
      tpu.vector_store %arg32[%swap3A_195, %swap3A_196], %add3A_194 {strides = array<i32>} : memref<50x1xf32, #tpu.memory_space<vmem>>, vector<50x1xf32>,
      %broadcast_in_dim3A_198 = vector.shape_cast %add3A_194 : vector<50x1xf32> to vector<50x1xf32>
      %broadcast_in_dim3A_199 = vector.broadcast %broadcast_in_dim3A_198 : vector<50x1xf32> to vector<50x10000xf32>
      %swap3A_200 = arith.constant 0 : index
      %swap3A_201 = arith.constant 0 : index
      %swap3A_202 = vector.load %arg33[%swap3A_200, %swap3A_201] : memref<50x10000xf32, #tpu.memory_space<vmem>>, vector<50x10000xf32>
      tpu.vector_store %arg33[%swap3A_200, %swap3A_201], %broadcast_in_dim3A_199 {strides = array<i32>} : memref<50x10000xf32, #tpu.memory_space<vmem>>, vector<50x10000xf32>,
    } else {
    }
    return
  }
  func.func @transform_0(%arg0: i32) -> (i32, i32) {
    %c0_i32 = arith.constant 0 : i32
    %c0_i32_0 = arith.constant 0 : i32
    return %c0_i32, %arg0 : i32, i32
  }
  func.func @transform_1(%arg0: i32) -> i32 {
    %c0_i32 = arith.constant 0 : i32
    return %arg0 : i32
  }
  func.func @transform_2(%arg0: i32) -> i32 {
    %add3A = arith.constant 5 : i32
    %add3A_0 = arith.addi %add3A, %arg0 : i32
    %c0_i32 = arith.constant 0 : i32
    return %add3A_0 : i32
  }
  func.func @transform_3(%arg0: i32) -> i32 {
    %add3A = arith.constant 10 : i32
    %add3A_0 = arith.addi %add3A, %arg0 : i32
    %c0_i32 = arith.constant 0 : i32
    return %add3A_0 : i32
  }
  func.func @transform_4(%arg0: i32) -> (i32, i32) {
    %c0_i32 = arith.constant 0 : i32
    %c0_i32_0 = arith.constant 0 : i32
    %c0_i32_1 = arith.constant 0 : i32
    return %c0_i32, %c0_i32_0 : i32, i32
  }
  func.func @transform_5(%arg0: i32) -> (i32, i32) {
    %c0_i32 = arith.constant 0 : i32
    %c0_i32_0 = arith.constant 0 : i32
    %c0_i32_1 = arith.constant 0 : i32
    return %c0_i32, %c0_i32_0 : i32, i32
  }
  func.func @transform_6(%arg0: i32) -> (i32, i32) {
    %c0_i32 = arith.constant 0 : i32
    %c0_i32_0 = arith.constant 0 : i32
    %c0_i32_1 = arith.constant 0 : i32
    return %c0_i32, %c0_i32_0 : i32, i32
  }
  func.func @transform_7(%arg0: i32) -> (i32, i32) {
    %c0_i32 = arith.constant 0 : i32
    %c0_i32_0 = arith.constant 0 : i32
    %c0_i32_1 = arith.constant 0 : i32
    return %c0_i32, %c0_i32_0 : i32, i32
  }
  func.func @transform_8(%arg0: i32) -> (i32, i32) {
    %c0_i32 = arith.constant 0 : i32
    %c0_i32_0 = arith.constant 0 : i32
    %c0_i32_1 = arith.constant 0 : i32
    return %c0_i32, %c0_i32_0 : i32, i32
  }
  func.func @transform_9(%arg0: i32) -> (i32, i32) {
    %c0_i32 = arith.constant 0 : i32
    %c0_i32_0 = arith.constant 0 : i32
    %c0_i32_1 = arith.constant 0 : i32
    return %c0_i32, %c0_i32_0 : i32, i32
  }
  func.func @transform_10(%arg0: i32) -> (i32, i32) {
    %c0_i32 = arith.constant 0 : i32
    %c0_i32_0 = arith.constant 0 : i32
    %c0_i32_1 = arith.constant 0 : i32
    return %c0_i32, %c0_i32_0 : i32, i32
  }
  func.func @transform_11(%arg0: i32) -> (i32, i32) {
    %c0_i32 = arith.constant 0 : i32
    %c0_i32_0 = arith.constant 0 : i32
    %c0_i32_1 = arith.constant 0 : i32
    return %c0_i32, %c0_i32_0 : i32, i32
  }
  func.func @transform_12(%arg0: i32) -> (i32, i32) {
    %c0_i32 = arith.constant 0 : i32
    %c0_i32_0 = arith.constant 0 : i32
    %c0_i32_1 = arith.constant 0 : i32
    return %c0_i32, %c0_i32_0 : i32, i32
  }
  func.func @transform_13(%arg0: i32) -> (i32, i32) {
    %c0_i32 = arith.constant 0 : i32
    %c0_i32_0 = arith.constant 0 : i32
    %c0_i32_1 = arith.constant 0 : i32
    return %c0_i32, %c0_i32_0 : i32, i32
  }
  func.func @transform_14(%arg0: i32) -> (i32, i32) {
    %c0_i32 = arith.constant 0 : i32
    %c0_i32_0 = arith.constant 0 : i32
    %c0_i32_1 = arith.constant 0 : i32
    return %c0_i32, %c0_i32_0 : i32, i32
  }
  func.func @transform_15(%arg0: i32) -> (i32, i32) {
    %c0_i32 = arith.constant 0 : i32
    %c0_i32_0 = arith.constant 0 : i32
    %c0_i32_1 = arith.constant 0 : i32
    return %c0_i32, %c0_i32_0 : i32, i32
  }
  func.func @transform_16(%arg0: i32) -> (i32, i32) {
    %c0_i32 = arith.constant 0 : i32
    %c0_i32_0 = arith.constant 0 : i32
    %c0_i32_1 = arith.constant 0 : i32
    return %c0_i32, %c0_i32_0 : i32, i32
  }
  func.func @transform_17(%arg0: i32) -> (i32, i32) {
    %c0_i32 = arith.constant 0 : i32
    %c0_i32_0 = arith.constant 0 : i32
    %c0_i32_1 = arith.constant 0 : i32
    return %c0_i32, %c0_i32_0 : i32, i32
  }
  func.func @transform_18(%arg0: i32) -> (i32, i32) {
    %c0_i32 = arith.constant 0 : i32
    %c0_i32_0 = arith.constant 0 : i32
    %c0_i32_1 = arith.constant 0 : i32
    return %c0_i32, %c0_i32_0 : i32, i32
  }
  func.func @transform_19(%arg0: i32) -> (i32, i32) {
    %c0_i32 = arith.constant 0 : i32
    %c0_i32_0 = arith.constant 0 : i32
    %c0_i32_1 = arith.constant 0 : i32
    return %c0_i32, %c0_i32_0 : i32, i32
  }
  func.func @transform_20(%arg0: i32) -> (i32, i32) {
    %c0_i32 = arith.constant 0 : i32
    %c0_i32_0 = arith.constant 0 : i32
    %c0_i32_1 = arith.constant 0 : i32
    return %c0_i32, %c0_i32_0 : i32, i32
  }
  func.func @transform_21(%arg0: i32) -> (i32, i32) {
    %c0_i32 = arith.constant 0 : i32
    %c0_i32_0 = arith.constant 0 : i32
    %c0_i32_1 = arith.constant 0 : i32
    return %c0_i32, %c0_i32_0 : i32, i32
  }
  func.func @transform_22(%arg0: i32) -> (i32, i32) {
    %c0_i32 = arith.constant 0 : i32
    %c0_i32_0 = arith.constant 0 : i32
    %c0_i32_1 = arith.constant 0 : i32
    return %c0_i32, %c0_i32_0 : i32, i32
  }
  func.func @transform_23(%arg0: i32) -> (i32, i32) {
    %c0_i32 = arith.constant 0 : i32
    %c0_i32_0 = arith.constant 0 : i32
    %c0_i32_1 = arith.constant 0 : i32
    return %c0_i32, %c0_i32_0 : i32, i32
  }
  func.func @transform_24(%arg0: i32) -> (i32, i32) {
    %c0_i32 = arith.constant 0 : i32
    %c0_i32_0 = arith.constant 0 : i32
    %c0_i32_1 = arith.constant 0 : i32
    return %c0_i32, %c0_i32_0 : i32, i32
  }
  func.func @transform_25(%arg0: i32) -> (i32, i32) {
    %c0_i32 = arith.constant 0 : i32
    %c0_i32_0 = arith.constant 0 : i32
    %c0_i32_1 = arith.constant 0 : i32
    return %c0_i32, %c0_i32_0 : i32, i32
  }
  func.func @transform_26(%arg0: i32) -> (i32, i32) {
    %c0_i32 = arith.constant 0 : i32
    %c0_i32_0 = arith.constant 0 : i32
    %c0_i32_1 = arith.constant 0 : i32
    return %c0_i32, %c0_i32_0 : i32, i32
  }
  func.func @transform_27(%arg0: i32) -> (i32, i32) {
    %c0_i32 = arith.constant 0 : i32
    %c0_i32_0 = arith.constant 0 : i32
    %c0_i32_1 = arith.constant 0 : i32
    return %c0_i32, %c0_i32_0 : i32, i32
  }
  func.func @transform_28(%arg0: i32) -> (i32, i32) {
    %c0_i32 = arith.constant 0 : i32
    %c0_i32_0 = arith.constant 0 : i32
    %c0_i32_1 = arith.constant 0 : i32
    return %c0_i32, %c0_i32_0 : i32, i32
  }
  func.func @transform_29(%arg0: i32) -> (i32, i32) {
    %c0_i32 = arith.constant 0 : i32
    %c0_i32_0 = arith.constant 0 : i32
    %c0_i32_1 = arith.constant 0 : i32
    return %c0_i32, %c0_i32_0 : i32, i32
  }
  func.func @transform_30(%arg0: i32) -> (i32, i32) {
    %c0_i32 = arith.constant 0 : i32
    %c0_i32_0 = arith.constant 0 : i32
    %c0_i32_1 = arith.constant 0 : i32
    return %c0_i32, %c0_i32_0 : i32, i32
  }
  func.func @transform_31(%arg0: i32) -> (i32, i32) {
    %c0_i32 = arith.constant 0 : i32
    %c0_i32_0 = arith.constant 0 : i32
    %c0_i32_1 = arith.constant 0 : i32
    return %c0_i32, %c0_i32_0 : i32, i32
  }
  func.func @transform_32(%arg0: i32) -> (i32, i32) {
    %c0_i32 = arith.constant 0 : i32
    %c0_i32_0 = arith.constant 0 : i32
    %c0_i32_1 = arith.constant 0 : i32
    return %c0_i32, %c0_i32_0 : i32, i32
  }
}

module attributes {stable_mosaic.version = 14 : i64} {
  func.func @_nea_body(%arg0: i32, %arg1: memref<6x25600xf32, #tpu.memory_space<vmem>>, %arg2: memref<50x1xf32, #tpu.memory_space<vmem>>, %arg3: memref<56x25600xf32, #tpu.memory_space<vmem>>) attributes {dimension_semantics = [#tpu.dimension_semantics<arbitrary>], iteration_bounds = array<i64: 25>, scalar_prefetch = 0 : i64, scratch_operands = 0 : i64, tpu.core_type = #tpu.core_type<tc>, window_params = [{transform_indices = @transform_0, window_bounds = array<i64: 6, 25600>}, {pipeline_mode = #tpu.pipeline_mode<synchronous>, transform_indices = @transform_1, window_bounds = array<i64: 50, 1>}, {transform_indices = @transform_2, window_bounds = array<i64: 56, 25600>}]} {
    %get3A = arith.constant 0 : index
    %get3A_0 = arith.constant 0 : index
    %get3A_1 = vector.load %arg1[%get3A, %get3A_0] : memref<6x25600xf32, #tpu.memory_space<vmem>>, vector<6x25600xf32>
    %get3A_2 = arith.constant 0 : index
    %get3A_3 = arith.constant 0 : index
    %get3A_4 = vector.load %arg2[%get3A_2, %get3A_3] : memref<50x1xf32, #tpu.memory_space<vmem>>, vector<50x1xf32>
    %broadcast_in_dim3A = vector.shape_cast %get3A_4 : vector<50x1xf32> to vector<50x1xf32>
    %broadcast_in_dim3A_5 = vector.broadcast %broadcast_in_dim3A : vector<50x1xf32> to vector<50x25600xf32>
    %concatenate3A = tpu.concatenate %get3A_1, %broadcast_in_dim3A_5 in 0 : vector<6x25600xf32>, vector<50x25600xf32> -> vector<56x25600xf32>
    %swap3A = arith.constant 0 : index
    %swap3A_6 = arith.constant 0 : index
    %swap3A_7 = vector.load %arg3[%swap3A, %swap3A_6] : memref<56x25600xf32, #tpu.memory_space<vmem>>, vector<56x25600xf32>
    tpu.vector_store %arg3[%swap3A, %swap3A_6], %concatenate3A {strides = array<i32>} : memref<56x25600xf32, #tpu.memory_space<vmem>>, vector<56x25600xf32>,
    return
  }
  func.func @transform_0(%arg0: i32) -> (i32, i32) {
    %c0_i32 = arith.constant 0 : i32
    %c0_i32_0 = arith.constant 0 : i32
    return %c0_i32, %arg0 : i32, i32
  }
  func.func @transform_1(%arg0: i32) -> (i32, i32) {
    %c0_i32 = arith.constant 0 : i32
    %c0_i32_0 = arith.constant 0 : i32
    %c0_i32_1 = arith.constant 0 : i32
    return %c0_i32, %c0_i32_0 : i32, i32
  }
  func.func @transform_2(%arg0: i32) -> (i32, i32) {
    %c0_i32 = arith.constant 0 : i32
    %c0_i32_0 = arith.constant 0 : i32
    return %c0_i32, %arg0 : i32, i32
  }
}

</mosaic_0001>

<sc_bundles>
// kernel: kernel.5.cloned.1.call-start
scs
__scs_entry_jumppad:
0x0: {  	(pc) =	sbr.rel $0x88, $3  }
0x1: {  	(tag) =	ssettag $0x0;
	lr =	simm.s32 $0x1  }
0x2: {  	[smem:$0x3F86] =	sst lr;
	_ =	strace $0xD0000000  }
0x3: {  	_ = 	snop  }
0x4: {  	_ = 	snop  }
0x5: {  	_ = 	snop  }
0x6: {  	_ = 	snop  }
0x7: {  	_ = 	snop  }
__scs_overlays_trampoline_lowered:
0x8: {  	[smem:$0x3F95] =	sst s0  }
0x9: {  	[smem:$0x3F96] =	sst s1  }
0xa: {  	[smem:$0x3F97] =	sst s2  }
0xb: {  	[smem:$0x3F98] =	sst s3  }
0xc: {  	[smem:$0x3F99] =	sst s4  }
0xd: {  	[smem:$0x3F9A] =	sst s5  }
0xe: {  	[smem:$0x3F9B] =	sst s6  }
0xf: {  	[smem:$0x3F9C] =	sst s7  }
0x10: {  	[smem:$0x3F9D] =	sst s8  }
0x11: {  	[smem:$0x3F9E] =	sst s9;
	s0 =	simm.s32 @!p0 $0x0  }
0x12: {  	s1 =	sld [smem:$0x3F84];
	s0 =	simm.s32 @p0 $0x1  }
0x13: {  	[smem:$0x3F9F] =	sst s0;
	s0 =	simm.s32 @!p1 $0x0  }
0x14: {  	s2 =	sld [smem:$0x3F83];
	s0 =	simm.s32 @p1 $0x1  }
0x15: {  	[smem:$0x3FA0] =	sst s0;
	s0 =	simm.s32 @!p2 $0x0  }
0x16: {  	s3 =	sld [smem:$0x3FDB];
	s0 =	simm.s32 @p2 $0x1  }
0x17: {  	s4 =	simm.s32 $0x1BF5;
	[smem:$0x3FA2] =	sst s0  }
0x18: {  	s0 =	sld [smem:$0x3F85];
	_ =	swait.ge [sflag:s4], $0x0  }
0x19: {  	s7 =	sld [smem:$0x3F86]  }
0x1a: {  	s8 =	sadd.s32 $0xFFFFE003, lr  }
0x1b: {  	s9 =	sadd.s32 $0xFFFFFEF7, lr;
	s5 =	simm.s32 $0xFFFFFFFF;
	p2 =	slt.u32 s8, $0xFFFFF086  }
0x1c: {  	p1 =	slt.u32 s9, $0xF7A;
	s5 =	simm.s32 @!p2 $0x0  }
0x1d: {  	s5 =	simm.s32 @p1 $0x1;
	p0 =	seq.s32 s7, s2  }
0x1e: {  	s7 =	smul.u32 @!p0 $0xF7A, s2;
	p2 =	seq.s32 @!p0 s5, $0x0  }
0x1f: {  	s9 =	smul.u32 $0xF7A, s1;
	s8 =	simm.s32 @!p0 $0x1BF5;
	p2 =	por !p2, p0  }
0x20: {  	[sflag:s8] =	ssyncset.s32 @!p0 $0xFFFFF086;
	s6 =	sadd.s32 @!p0 s3, s7;
	s7 =	simm.s32 @!p0 $0x108  }
0x21: {  	s3 =	sadd.s32 s3, s9;
	s6 =	sadd.s32 @!p0 $0x88, s6;
	s7 =	simm.s32 @p2 $0x1082  }
0x22: {  	[simem:s7], [sflag:s8] =	dma.local @!p0 [hbm:s6], $0xF7A  }
0x23: {  	s9 =	sor.u32 $0xD0000000, s2;
	s6 =	simm.s32 $0x108;
	_ =	swait.ge @!p0 [sflag:s8], $0x0  }
0x24: {  	s3 =	sadd.s32 $0x88, s3;
	s6 =	simm.s32 @!p1 $0x1082;
	[sflag:s4] =	ssyncset.s32 $0xFFFFF086  }
0x25: {  	[simem:s6], [sflag:s4] =	dma.local [hbm:s3], $0xF7A  }
0x26: {  	[smem:$0x3F86] =	sst s1;
	(tag) =	ssettag s2;
	_ =	strace s9  }
0x27: {  	s1 =	sld [smem:$0x3F96]  }
0x28: {  	s2 =	sld [smem:$0x3F97]  }
0x29: {  	s4 =	sld [smem:$0x3F99]  }
0x2a: {  	p0 =	seq.s32 s5, $0x0;
	s5 =	sld [smem:$0x3F9A]  }
0x2b: {  	s6 =	sld [smem:$0x3F9B]  }
0x2c: {  	s7 =	sld [smem:$0x3F9C]  }
0x2d: {  	s3 =	simm.s32 $0x108;
	s8 =	sld [smem:$0x3F9D]  }
0x2e: {  	s3 =	simm.s32 @!p0 $0x1082;
	s9 =	sld [smem:$0x3F9E]  }
0x2f: {  	lr =	sadd.s32 s0, s3;
	s0 =	sld [smem:$0x3F95]  }
0x30: {  	s3 =	sld [smem:$0x3F98]  }
0x31: {  	[smem:$0x3FA1] =	sst s10  }
0x32: {  	s10 =	sld [smem:$0x3F9F];
	_ =	sdelay $0x3  }
0x33: {  	p0 =	seq.s32 s10, $0x1;
	s10 =	sld [smem:$0x3FA1];
	_ =	sdelay $0x3  }
0x34: {  	[smem:$0x3FA1] =	sst s10  }
0x35: {  	s10 =	sld [smem:$0x3FA0];
	_ =	sdelay $0x3  }
0x36: {  	p1 =	seq.s32 s10, $0x1;
	s10 =	sld [smem:$0x3FA1];
	_ =	sdelay $0x3  }
0x37: {  	[smem:$0x3FA1] =	sst s10  }
0x38: {  	s10 =	sld [smem:$0x3FA2]  }
0x39: {  	_ = 	snop;
	(pc) =	sbr.ind lr, $3  }
0x3a: {  	_ = 	snop  }
0x3b: {  	_ = 	snop  }
0x3c: {  	p2 =	seq.s32 s10, $0x1;
	s10 =	sld [smem:$0x3FA1]  }
0x3d: {  	_ =	shalt  }
0x3e: {  	_ =	shalt  }
0x3f: {  	_ =	shalt  }
0x40: {  	_ =	shalt  }
0x41: {  	_ =	shalt  }
0x42: {  	_ =	shalt  }
0x43: {  	_ =	shalt  }
0x44: {  	_ =	shalt  }
0x45: {  	_ =	shalt  }
0x46: {  	_ =	shalt  }
0x47: {  	_ =	shalt  }
0x48: {  	_ =	shalt  }
0x49: {  	_ =	shalt  }
0x4a: {  	_ =	shalt  }
0x4b: {  	_ =	shalt  }
0x4c: {  	_ =	shalt  }
0x4d: {  	_ =	shalt  }
0x4e: {  	_ =	shalt  }
0x4f: {  	_ =	shalt  }
0x50: {  	_ =	shalt  }
0x51: {  	_ =	shalt  }
0x52: {  	_ =	shalt  }
0x53: {  	_ =	shalt  }
0x54: {  	_ =	shalt  }
0x55: {  	_ =	shalt  }
0x56: {  	_ =	shalt  }
0x57: {  	_ =	shalt  }
0x58: {  	_ =	shalt  }
0x59: {  	_ =	shalt  }
0x5a: {  	_ =	shalt  }
0x5b: {  	_ =	shalt  }
0x5c: {  	_ =	shalt  }
0x5d: {  	_ =	shalt  }
0x5e: {  	_ =	shalt  }
0x5f: {  	_ =	shalt  }
0x60: {  	_ =	shalt  }
0x61: {  	_ =	shalt  }
0x62: {  	_ =	shalt  }
0x63: {  	_ =	shalt  }
0x64: {  	_ =	shalt  }
0x65: {  	_ =	shalt  }
0x66: {  	_ =	shalt  }
0x67: {  	_ =	shalt  }
0x68: {  	_ =	shalt  }
0x69: {  	_ =	shalt  }
0x6a: {  	_ =	shalt  }
0x6b: {  	_ =	shalt  }
0x6c: {  	_ =	shalt  }
0x6d: {  	_ =	shalt  }
0x6e: {  	_ =	shalt  }
0x6f: {  	_ =	shalt  }
0x70: {  	_ =	shalt  }
0x71: {  	_ =	shalt  }
0x72: {  	_ =	shalt  }
0x73: {  	_ =	shalt  }
0x74: {  	_ =	shalt  }
0x75: {  	_ =	shalt  }
0x76: {  	_ =	shalt  }
0x77: {  	_ =	shalt  }
0x78: {  	_ =	shalt  }
0x79: {  	_ =	shalt  }
0x7a: {  	_ =	shalt  }
0x7b: {  	_ =	shalt  }
0x7c: {  	_ =	shalt  }
0x7d: {  	_ =	shalt  }
0x7e: {  	_ =	shalt  }
0x7f: {  	_ =	shalt  }
0x80: {  	_ =	shalt  }
0x81: {  	_ =	shalt  }
0x82: {  	_ =	shalt  }
0x83: {  	_ =	shalt  }
0x84: {  	_ =	shalt  }
0x85: {  	_ =	shalt  }
0x86: {  	_ =	shalt  }
0x87: {  	_ =	shalt  }
.Lfunc_end0:
.L_simem_size_0:
called_computation_lowered:
.L_overlay_start_0:
0x88: {  	s2 =	sld [smem:$0x3FD9]  }
0x89: {  	s3 =	sld [smem:$0x3FFE];
	_ =	sdelay $0x1  }
0x8a: {  	s1 =	srdreg.scid  }
0x8b: {  	s0 =	sand.u32 $0x1, s1  }
0x8c: {  	s14 =	sshll.u32 s0, $0xA;
	s2 =	sadd.s32 s3, s2  }
0x8d: {  	s2 =	sadd.s32 s2, s14  }
0x8e: {  	[smem:$0x3FAD] =	sst s2  }
0x8f: {  	_ = 	snop  }
0x90: {  	s2 =	sld [smem:$0x3FD0];
	_ =	sdelay $0x2  }
0x91: {  	s15 =	simm.s32 $0xA;
	s4 =	simm.s32 $0x10  }
0x92: {  	[smem:s4], [sflag:s15] =	dma.local [hbm:s2], $0x1  }
0x93: {  	_ =	swait.eq [sflag:s15], $0x1  }
0x94: {  	[sflag:s15] =	ssyncset.done $0x0  }
0x95: {  	s16 =	sld [smem:$0x10];
	[sflag:s15] =	ssyncadd.s32 $0xFFFFFFFF  }
0x96: {  	s17 =	sld [smem:$0x11];
	(tm) =	ssettm $0x1  }
0x97: {  	s18 =	sld [smem:$0x3FFB];
	_ =	sdelay $0x3  }
0x98: {  	_ =	strace s18  }
0x99: {  	s4 =	sld [smem:$0x3FFC];
	_ =	sdelay $0x3  }
0x9a: {  	_ =	strace s4  }
0x9b: {  	s4 =	sld [smem:$0x3FFD];
	_ =	sdelay $0x3  }
0x9c: {  	_ =	strace s4  }
0x9d: {  	_ =	strace $0x8FFFFFFF  }
0x9e: {  	s19 =	sld [smem:$0x3FDB];
	_ =	sdelay $0x1  }
0x9f: {  	s5 =	simm.s32 $_scs_section_size  }
0xa0: {  	s6 =	simm.s32 $_size__tile_overlayer_lowered;
	s7 =	simm.s32 $_tile_overlayer_lowered  }
0xa1: {  	s22 =	simm.s32 $0x1BFF;
	s21 =	sshll.u32 s7, $0x1;
	s4 =	sadd.s32 s5, s19  }
0xa2: {  	s8 =	simm.s32 $0x0;
	s20 =	sshll.u32 s6, $0x1;
	s6 =	sadd.s32 s21, s4  }
0xa3: {  	[timem:s8], [sflag:s22] =	dma.local [hbm:s6], s20  }
0xa4: {  	_ =	swait.ge [sflag:s22], s20  }
0xa5: {  	s5 =	ssub.s32 $0x0, s20;
	[sflag:s22] =	ssyncset.done $0x0  }
0xa6: {  	[sflag:s22] =	ssyncadd.s32 s5;
	_ =	sdelay $0x1  }
0xa7: {  	s23 =	simm.s32 $0x1B8B  }
0xa8: {  	_ =	swait.ge [sflag:s23], $0x1  }
0xa9: {  	[sflag:s23] =	ssyncset.done $0x0  }
0xaa: {  	s25 =	simm.s32 $0x1B8E;
	s24 =	sld [smem:$0x3FFE];
	[sflag:s23] =	ssyncadd.s32 $0xFFFFFFFF  }
0xab: {  	s26 =	simm.s32 $execute0_lowered;
	[smem:$0x3FD2] =	sst s25  }
0xac: {  	s6 =	sshll.u32 s26, $0x1;
	_ =	strace $0x80000046;
	[dreg:$0x1] =	wrdreg $0xFFFFFFFF  }
0xad: {  	s28 =	simm.s32 $_size_execute0_lowered;
	s4 =	sadd.s32 s4, s6;
	[dreg:$0x0] =	wrdreg $0x0  }
0xae: {  	s6 =	sshll.u32 s28, $0x1;
	[dreg:$0x2] =	wrdreg s4  }
0xaf: {  	[dreg:$0x3] =	wrdreg s6  }
0xb0: {  	[dreg:$0x4] =	wrdreg $0xC0  }
0xb1: {  	_ =	task [dreg:s8], $0x5FFFF  }
0xb2: {  	[dreg:$0x1] =	wrdreg $0xFFFFFFFF  }
0xb3: {  	[dreg:$0x0] =	wrdreg $0x60  }
0xb4: {  	[dreg:$0x2] =	wrdreg s24  }
0xb5: {  	[dreg:$0x3] =	wrdreg s16  }
0xb6: {  	[dreg:$0x4] =	wrdreg s17  }
0xb7: {  	[dreg:$0x5] =	wrdreg $0x19C800  }
0xb8: {  	[dreg:$0x6] =	wrdreg $0x9  }
0xb9: {  	_ =	task.clear_ibuf [dreg:s8], $0x7FFFF;
	_ =	strace $0x90000046  }
0xba: {  	s29 =	simm.s32 $0x9;
	_ =	strace $0x80000048  }
0xbb: {  	_ =	swait.ge [sflag:s29], $0x1  }
0xbc: {  	[sflag:s29] =	ssyncadd.s32 $0xFFFFFFFF  }
0xbd: {  	_ =	strace $0x90000048  }
0xbe: {  	_ =	sfence  }
0xbf: {  	s30 =	sld [smem:$0x0];
	_ =	sdelay $0x2  }
0xc0: {  	s31 =	sshll.u32 s1, $0xD;
	s1 =	sshrl.u32 s1, $0x2  }
0xc1: {  	s3 =	sand.u32 $0x4000, s31;
	s1 =	sadd.s32 s1, s30  }
0xc2: {  	s0 =	sor.u32 s3, s0;
	s1 =	sshll.u32 s1, $0x11  }
0xc3: {  	s0 =	sor.u32 s1, s0  }
0xc4: {  	s0 =	sadd.s32 $0x8F2B, s0  }
0xc5: {  	[sflag:s0] =	ssyncadd.remote.s32 $0x1  }
0xc6: {  	_ =	sfence.sel $0xFFFF  }
0xc7: {  	[dreg:$0x0] =	wrdreg $0xFFFFFFFF;
	(pc) =	sbr.abs _section_cstart, $3  }
0xc8: {  	[dreg:$0x1] =	wrdreg $0xFFFFFFFF  }
0xc9: {  	_ =	task.clear_ibuf [dreg:s8], $0x2FFFF;
	_ =	strace $0x9FFFFFFF  }
0xca: {  	(tm) =	ssettm $0x7FFFFFFF  }
0xcb: {  	_ =	shalt  }
tec
execute0_lowered:
.L_overlay_start_1:
0x0: {  	(tag) =	ssettag $0x1  }
0x1: {  	s1 =	srdreg.scid;
	s11 =	stileid.u32  }
0x2: {  	s1 =	sand.u32 $0x1, s1;
	s4 =	sshll.u32 s11, $0x1  }
0x3: {  	s0 =	rddreg [dreg:$0x0];
	s4 =	sor.u32 s1, s4  }
0x4: {  	s3 =	rddreg [dreg:$0x2];
	s2 =	simm.s32 $0x0;
	s4 =	smul.u32 $0x4E20, s4  }
0x5: {  	[smem:$0x7FF] =	sst s2;
	s1 =	ssub.s32 $0x2, s1  }
0x6: {  	s0 =	sadd.s32 $0x3800, s0;
	s6 =	sshrl.u32 s1, $0x1;
	s4 =	sshrl.u32 s4, $0x3  }
0x7: {  	s15 =	sadd.s32 s0, s4;
	s16 =	sadd.s32 $0x13880, s4;
	s8 =	sadd.s32 $0x1F4, s4  }
0x8: {  	s23 =	sadd.s32 $0x13E5C, s4;
	[dreg:$0x5] =	wrdreg s15;
	s7 =	sadd.s32 s0, s16  }
0x9: {  	s24 =	sadd.s32 s0, s23;
	s13 =	sadd.s32 s3, s23;
	s23 =	rddreg [dreg:$0x3]  }
0xa: {  	s9 =	sadd.s32 $0x13A74, s4;
	s17 =	sadd.s32 s0, s8;
	[dreg:$0x6] =	wrdreg s7  }
0xb: {  	s1 =	ssub.s32 s1, s6;
	s18 =	sadd.s32 s0, s9;
	[dreg:$0x7] =	wrdreg s17  }
0xc: {  	s10 =	sadd.s32 $0x3E8, s4;
	s6 =	sadd.s32 s3, s16;
	[dreg:$0x8] =	wrdreg s18  }
0xd: {  	s20 =	sadd.s32 $0x13C68, s4;
	s19 =	sadd.s32 s0, s10;
	[dreg:$0x9] =	wrdreg s6  }
0xe: {  	s12 =	sadd.s32 s0, s20;
	[dreg:$0xa] =	wrdreg s19  }
0xf: {  	s28 =	simm.s32 $0x14BA0;
	s8 =	sadd.s32 s3, s8;
	[dreg:$0xb] =	wrdreg s12  }
0x10: {  	s21 =	sadd.s32 $0x5DC, s4;
	s9 =	sadd.s32 s3, s9;
	[dreg:$0xc] =	wrdreg s8  }
0x11: {  	s29 =	simm.s32 $0x15B40;
	s22 =	sadd.s32 s0, s21;
	[dreg:$0xd] =	wrdreg s9  }
0x12: {  	s30 =	simm.s32 $0x16B00;
	s5 =	smul.u32 $0x9C40, s11;
	[dreg:$0xe] =	wrdreg s22  }
0x13: {  	s25 =	sadd.s32 $0x7D0, s4;
	s10 =	sadd.s32 s3, s10;
	[dreg:$0xf] =	wrdreg s24  }
0x14: {  	s5 =	sshrl.u32 s5, $0x3;
	s26 =	sadd.s32 s0, s25;
	[dreg:$0x10] =	wrdreg s10  }
0x15: {  	s31 =	simm.s32 $0x17AA0;
	s5 =	sadd.s32 s0, s5;
	[dreg:$0x12] =	wrdreg s26  }
0x16: {  	s14 =	sadd.s32 s3, s25;
	s15 =	sadd.s32 $0x13880, s5;
	[dreg:$0x15] =	wrdreg s13  }
0x17: {  	s7 =	sadd.s32 s3, s4;
	s6 =	sadd.s32 s3, s20;
	[dreg:$0x16] =	wrdreg s14  }
0x18: {  	s4 =	sadd.s32 $0x14050, s4;
	s8 =	sadd.s32 s3, s21;
	[dreg:$0x11] =	wrdreg s6  }
0x19: {  	s16 =	sadd.s32 $0x13C68, s5;
	s0 =	sadd.s32 s0, s4;
	[dreg:$0x14] =	wrdreg s8  }
0x1a: {  	s12 =	smul.u32 $0xA00, s11;
	s3 =	sadd.s32 s3, s4;
	[dreg:$0x13] =	wrdreg s0  }
0x1b: {  	s17 =	sadd.s32 $0x14050, s5;
	s18 =	sadd.s32 $0x14438, s5;
	[dreg:$0x17] =	wrdreg s3  }
0x1c: {  	s19 =	sadd.s32 $0x14820, s5;
	_ =	strace $0x80000047;
	[dreg:$0x18] =	wrdreg s15  }
0x1d: {  	s20 =	smax.u32 s1, $0x1;
	s9 =	simm.s32 $0x9D80;
	[dreg:$0x19] =	wrdreg s16  }
0x1e: {  	s10 =	simm.s32 $0x2;
	s11 =	simm.s32 $0xBD00;
	[dreg:$0x1a] =	wrdreg s17  }
0x1f: {  	s13 =	simm.s32 $0xDC80;
	s14 =	simm.s32 $0x3;
	[dreg:$0x1b] =	wrdreg s18  }
0x20: {  	s21 =	sadd.s32 $0x27100, s7;
	s22 =	sadd.s32 $0x272F4, s7;
	[dreg:$0x1c] =	wrdreg s19  }
0x21: {  	s24 =	sadd.s32 $0x274E8, s7;
	s26 =	sadd.s32 $0x276DC, s7;
	[dreg:$0x1d] =	wrdreg s20  }
0x22: {  	s5 =	sadd.s32 $0x278D0, s7;
	s6 =	simm.s32 $0x19A00;
	[dreg:$0x1e] =	wrdreg s21  }
0x23: {  	s8 =	simm.s32 $0x6;
	s0 =	sshrl.u32 s12, $0x2;
	[dreg:$0x1f] =	wrdreg s22  }
0x24: {  	s12 =	simm.s32 $0x1F40;
	s25 =	sadd.s32 s0, s23;
	[smem:$0x7FC] =	sst s24  }
0x25: {  	[smem:$0x7FD] =	sst s26;
	s15 =	simm.s32 $0x4;
	s16 =	simm.s32 $0x5  }
0x26: {  	s17 =	simm.s32 $0x7580;
	s18 =	simm.s32 $0x1;
	s19 =	simm.s32 $0xFC00  }
0x27: {  	s21 =	simm.s32 $0x11C00;
	s22 =	simm.s32 $0x10C00;
	s24 =	simm.s32 $0x12C00  }
0x28: {  	v0 =	vimm.f32 $0.0e+00;
	v1 =	vimm.f32 $1.000000000e+00;
	s26 =	simm.s32 $0x13C00;
	s20 =	simm.s32 $0x18A40;
	s0 =	simm.s32 $0x0  }
.LBB2_1:
0x29: {  	s1 =	rddreg [dreg:$0x1]  }
0x2a: {  	[tilespmem:s2], [sflag:$0x1] =	stream.linear.gather [hbm4b:s1+s2], $0x7580, $0x38;
	[tilespmem:$0x19F00] =	vst v63  }
0x2b: {  	[tilespmem:$0x19A00] =	vst v0  }
0x2c: {  	[tilespmem:$0x19A10] =	vst v0  }
0x2d: {  	[tilespmem:$0x19A20] =	vst v0  }
0x2e: {  	[tilespmem:$0x19A30] =	vst v0  }
0x2f: {  	[tilespmem:$0x19A40] =	vst v0  }
0x30: {  	[tilespmem:$0x19A50] =	vst v0  }
0x31: {  	[tilespmem:$0x19A60] =	vst v0  }
0x32: {  	[tilespmem:$0x19A70] =	vst v0  }
0x33: {  	[tilespmem:$0x19A80] =	vst v0  }
0x34: {  	[tilespmem:$0x19A90] =	vst v0  }
0x35: {  	[tilespmem:$0x19AA0] =	vst v0  }
0x36: {  	[tilespmem:$0x19AB0] =	vst v0  }
0x37: {  	[tilespmem:$0x19AC0] =	vst v0  }
0x38: {  	[tilespmem:$0x19AD0] =	vst v0  }
0x39: {  	[tilespmem:$0x19AE0] =	vst v0  }
0x3a: {  	[tilespmem:$0x19AF0] =	vst v0  }
0x3b: {  	[tilespmem:$0x19B00] =	vst v0  }
0x3c: {  	[tilespmem:$0x19B10] =	vst v0  }
0x3d: {  	[tilespmem:$0x19B20] =	vst v0  }
0x3e: {  	[tilespmem:$0x19B30] =	vst v0  }
0x3f: {  	[tilespmem:$0x19B40] =	vst v0  }
0x40: {  	[tilespmem:$0x19B50] =	vst v0  }
0x41: {  	[tilespmem:$0x19B60] =	vst v0  }
0x42: {  	[tilespmem:$0x19B70] =	vst v0  }
0x43: {  	[tilespmem:$0x19B80] =	vst v0  }
0x44: {  	[tilespmem:$0x19B90] =	vst v0  }
0x45: {  	[tilespmem:$0x19BA0] =	vst v0  }
0x46: {  	[tilespmem:$0x19BB0] =	vst v0  }
0x47: {  	[tilespmem:$0x19BC0] =	vst v0  }
0x48: {  	[tilespmem:$0x19BD0] =	vst v0  }
0x49: {  	[tilespmem:$0x19BE0] =	vst v0  }
0x4a: {  	[tilespmem:$0x19BF0] =	vst v0  }
0x4b: {  	[tilespmem:$0x19C00] =	vst v0  }
0x4c: {  	[tilespmem:$0x19C10] =	vst v0  }
0x4d: {  	[tilespmem:$0x19C20] =	vst v0  }
0x4e: {  	[tilespmem:$0x19C30] =	vst v0  }
0x4f: {  	[tilespmem:$0x19C40] =	vst v0  }
0x50: {  	[tilespmem:$0x19C50] =	vst v0  }
0x51: {  	[tilespmem:$0x19C60] =	vst v0  }
0x52: {  	[tilespmem:$0x19C70] =	vst v0  }
0x53: {  	[spmem:s25] =	stream.linear.scatter [tilespmem:s6], [sflag:$0x6], $0x280, $0x38;
	[tilespmem:$0x19F00] =	vst v63  }
0x54: {  	_ =	swait.ge [sflag:s8], $0x280  }
0x55: {  	[sflag:s8] =	ssyncset.done $0x0  }
0x56: {  	s3 =	simm.s32 $0x0;
	s1 =	simm.s32 $0x40;
	[sflag:s8] =	ssyncadd.s32 $0xFFFFFD80  }
.LBB2_2:
0x57: {  	p0 =	sne.s32 s1, $0x7CC0;
	[tilespmem:s3+$0xDC80] =	vst v1;
	s3 =	smov.u32 s1;
	s1 =	sadd.s32 $0x40, s1  }
.Ltmp0:
0x58: {  	(pc) =	sbr.rel @p0 .LBB2_2-.Ltmp0, $2  }
0x59: {  	_ =	sdelay $0x2  }
0x5a: {  	s3 =	sshra.s32 s3, $0x2  }
0x5b: {  	[tilespmem:s3+$0xDC80] =	vst v1  }
0x5c: {  	[bflag:$0x0] =	sbarrier.arrive $0xFFFF  }
0x5d: {  	s1 =	simm.s32 $0x0;
	s4 =	rddreg [dreg:$0x18]  }
0x5e: {  	[tilespmem:s9], [sflag:$0x2] =	stream.linear.gather [hbm4b:s4+s1], $0x1F40, $0x38;
	[tilespmem:$0x19F00] =	vst v63  }
0x5f: {  	_ =	swait.ge [sflag:s10], $0x1F40  }
0x60: {  	[sflag:s10] =	ssyncset.done $0x0  }
0x61: {  	s4 =	rddreg [dreg:$0x19];
	[sflag:s10] =	ssyncadd.s32 $0xFFFFE0C0  }
0x62: {  	[tilespmem:s11], [sflag:$0x3] =	stream.linear.gather [hbm4b:s4+s1], $0x1F40, $0x38;
	[tilespmem:$0x19F00] =	vst v63  }
0x63: {  	_ = 	snop  }
0x64: {  	[spmem:s23] =	stream.indirect.scatter.add.f32 [tilespmem:s13], [sflag:$0x4], $0x1, s9, s12, $0xb8;
	[tilespmem:$0x19F00] =	vst v63  }
0x65: {  	_ =	swait.ge [sflag:s14], $0x1F40  }
0x66: {  	[sflag:s14] =	ssyncset.done $0x0  }
0x67: {  	[sflag:s14] =	ssyncadd.s32 $0xFFFFE0C0  }
0x68: {  	_ =	swait.ge [sflag:s15], $0x1F40  }
0x69: {  	[sflag:s15] =	ssyncset.done $0x0  }
0x6a: {  	s4 =	rddreg [dreg:$0x1a];
	[sflag:s15] =	ssyncadd.s32 $0xFFFFE0C0  }
0x6b: {  	[tilespmem:s9], [sflag:$0x2] =	stream.linear.gather [hbm4b:s4+s1], $0x1F40, $0x38;
	[tilespmem:$0x19F00] =	vst v63  }
0x6c: {  	_ = 	snop  }
0x6d: {  	[spmem:s23] =	stream.indirect.scatter.add.f32 [tilespmem:s13], [sflag:$0x5], $0x1, s11, s12, $0xb8;
	[tilespmem:$0x19F00] =	vst v63  }
0x6e: {  	_ =	swait.ge [sflag:s10], $0x1F40  }
0x6f: {  	[sflag:s10] =	ssyncset.done $0x0  }
0x70: {  	[sflag:s10] =	ssyncadd.s32 $0xFFFFE0C0  }
0x71: {  	_ =	swait.ge [sflag:s16], $0x1F40  }
0x72: {  	[sflag:s16] =	ssyncset.done $0x0  }
0x73: {  	s4 =	rddreg [dreg:$0x1b];
	[sflag:s16] =	ssyncadd.s32 $0xFFFFE0C0  }
0x74: {  	[tilespmem:s11], [sflag:$0x3] =	stream.linear.gather [hbm4b:s4+s1], $0x1F40, $0x38;
	[tilespmem:$0x19F00] =	vst v63  }
0x75: {  	_ = 	snop  }
0x76: {  	[spmem:s23] =	stream.indirect.scatter.add.f32 [tilespmem:s13], [sflag:$0x4], $0x1, s9, s12, $0xb8;
	[tilespmem:$0x19F00] =	vst v63  }
0x77: {  	_ =	swait.ge [sflag:s14], $0x1F40  }
0x78: {  	[sflag:s14] =	ssyncset.done $0x0  }
0x79: {  	[sflag:s14] =	ssyncadd.s32 $0xFFFFE0C0  }
0x7a: {  	_ =	swait.ge [sflag:s15], $0x1F40  }
0x7b: {  	[sflag:s15] =	ssyncset.done $0x0  }
0x7c: {  	s4 =	rddreg [dreg:$0x1c];
	[sflag:s15] =	ssyncadd.s32 $0xFFFFE0C0  }
0x7d: {  	[tilespmem:s9], [sflag:$0x2] =	stream.linear.gather [hbm4b:s4+s1], $0x1F40, $0x38;
	[tilespmem:$0x19F00] =	vst v63  }
0x7e: {  	_ = 	snop  }
0x7f: {  	[spmem:s23] =	stream.indirect.scatter.add.f32 [tilespmem:s13], [sflag:$0x5], $0x1, s11, s12, $0xb8;
	[tilespmem:$0x19F00] =	vst v63  }
0x80: {  	_ =	swait.ge [sflag:s10], $0x1F40  }
0x81: {  	[sflag:s10] =	ssyncset.done $0x0  }
0x82: {  	[sflag:s10] =	ssyncadd.s32 $0xFFFFE0C0  }
0x83: {  	[spmem:s23] =	stream.indirect.scatter.add.f32 [tilespmem:s13], [sflag:$0x4], $0x1, s9, s12, $0xb8;
	[tilespmem:$0x19F00] =	vst v63  }
0x84: {  	_ =	swait.ge [sflag:s16], $0x1F40  }
0x85: {  	[sflag:s16] =	ssyncset.done $0x0  }
0x86: {  	[sflag:s16] =	ssyncadd.s32 $0xFFFFE0C0  }
0x87: {  	_ =	swait.ge [sflag:s15], $0x1F40  }
0x88: {  	[sflag:s15] =	ssyncset.done $0x0  }
0x89: {  	[sflag:s15] =	ssyncadd.s32 $0xFFFFE0C0  }
0x8a: {  	[bflag:$0x0] =	sbarrier.arrive $0xFFFF  }
0x8b: {  	[tilespmem:s6], [sflag:$0x6] =	stream.linear.gather [spmem:s25], $0x280, $0x38;
	[tilespmem:$0x19F00] =	vst v63  }
0x8c: {  	_ =	swait.ge [sflag:s8], $0x280  }
0x8d: {  	[sflag:s8] =	ssyncset.done $0x0  }
0x8e: {  	[sflag:s8] =	ssyncadd.s32 $0xFFFFFD80  }
0x8f: {  	v2 =	vld [tilespmem:$0x19A00]  }
0x90: {  	v3 =	vld [tilespmem:$0x19A10]  }
0x91: {  	v4 =	vld [tilespmem:$0x19A20]  }
0x92: {  	v5 =	vld [tilespmem:$0x19A30]  }
0x93: {  	v6 =	vld [tilespmem:$0x19A40]  }
0x94: {  	v7 =	vld [tilespmem:$0x19A50];
	v2 =	vmax.f32 v2, $1.000000000e+00  }
0x95: {  	(erf) = vrcp.f32 v2;
	v2 =	vmax.f32 v3, $1.000000000e+00;
	v3 =	vld [tilespmem:$0x19A60]  }
0x96: {  	(erf) = vrcp.f32 v2;
	v2 =	vmax.f32 v4, $1.000000000e+00;
	v4 =	vld [tilespmem:$0x19A70]  }
0x97: {  	(erf) = vrcp.f32 v2;
	v2 =	vmax.f32 v5, $1.000000000e+00;
	v5 =	vld [tilespmem:$0x19A80]  }
0x98: {  	(erf) = vrcp.f32 v2;
	v2 =	vmax.f32 v6, $1.000000000e+00;
	v6 =	vld [tilespmem:$0x19A90]  }
0x99: {  	(erf) = vrcp.f32 v2;
	v2 =	vmax.f32 v7, $1.000000000e+00;
	v7 =	vld [tilespmem:$0x19AA0]  }
0x9a: {  	(erf) = vrcp.f32 v2;
	v2 =	vmax.f32 v3, $1.000000000e+00;
	v3 =	vld [tilespmem:$0x19AB0]  }
0x9b: {  	(erf) = vrcp.f32 v2;
	v2 =	vmax.f32 v4, $1.000000000e+00;
	v4 =	vld [tilespmem:$0x19AC0]  }
0x9c: {  	(erf) = vrcp.f32 v2;
	v2 =	vmax.f32 v5, $1.000000000e+00;
	v5 =	vld [tilespmem:$0x19AD0]  }
0x9d: {  	(erf) = vrcp.f32 v2;
	v2 =	vmax.f32 v6, $1.000000000e+00;
	v6 =	vld [tilespmem:$0x19AE0]  }
0x9e: {  	v8 =	vpop (erf);
	(erf) = vrcp.f32 v2;
	v2 =	vmax.f32 v7, $1.000000000e+00;
	v7 =	vld [tilespmem:$0x19AF0]  }
0x9f: {  	v39 =	vpop (erf);
	(erf) = vrcp.f32 v2;
	v2 =	vmax.f32 v3, $1.000000000e+00;
	v3 =	vld [tilespmem:$0x19B00]  }
0xa0: {  	[tilespmem:$0x19A00] =	vst v8;
	v40 =	vpop (erf);
	(erf) = vrcp.f32 v2;
	v2 =	vmax.f32 v4, $1.000000000e+00;
	v4 =	vld [tilespmem:$0x19B10]  }
0xa1: {  	[tilespmem:$0x19A10] =	vst v39;
	v41 =	vpop (erf);
	(erf) = vrcp.f32 v2;
	v2 =	vmax.f32 v5, $1.000000000e+00;
	v5 =	vld [tilespmem:$0x19B20]  }
0xa2: {  	[tilespmem:$0x19A20] =	vst v40;
	v42 =	vpop (erf);
	(erf) = vrcp.f32 v2;
	v2 =	vmax.f32 v6, $1.000000000e+00;
	v6 =	vld [tilespmem:$0x19B30]  }
0xa3: {  	[tilespmem:$0x19A30] =	vst v41;
	v43 =	vpop (erf);
	(erf) = vrcp.f32 v2;
	v2 =	vmax.f32 v7, $1.000000000e+00;
	v7 =	vld [tilespmem:$0x19B40]  }
0xa4: {  	[tilespmem:$0x19A40] =	vst v42;
	v44 =	vpop (erf);
	(erf) = vrcp.f32 v2;
	v2 =	vmax.f32 v3, $1.000000000e+00;
	v3 =	vld [tilespmem:$0x19B50]  }
0xa5: {  	[tilespmem:$0x19A50] =	vst v43;
	v45 =	vpop (erf);
	(erf) = vrcp.f32 v2;
	v2 =	vmax.f32 v4, $1.000000000e+00;
	v4 =	vld [tilespmem:$0x19B60]  }
0xa6: {  	[tilespmem:$0x19A60] =	vst v44;
	v46 =	vpop (erf);
	(erf) = vrcp.f32 v2;
	v2 =	vmax.f32 v5, $1.000000000e+00;
	v5 =	vld [tilespmem:$0x19B70]  }
0xa7: {  	[tilespmem:$0x19A70] =	vst v45;
	v47 =	vpop (erf);
	(erf) = vrcp.f32 v2;
	v2 =	vmax.f32 v6, $1.000000000e+00;
	v6 =	vld [tilespmem:$0x19B80]  }
0xa8: {  	[tilespmem:$0x19A80] =	vst v46;
	v48 =	vpop (erf);
	(erf) = vrcp.f32 v2;
	v2 =	vmax.f32 v7, $1.000000000e+00;
	v7 =	vld [tilespmem:$0x19B90]  }
0xa9: {  	[tilespmem:$0x19A90] =	vst v47;
	v49 =	vpop (erf);
	(erf) = vrcp.f32 v2;
	v2 =	vmax.f32 v3, $1.000000000e+00;
	v3 =	vld [tilespmem:$0x19BA0]  }
0xaa: {  	[tilespmem:$0x19AA0] =	vst v48;
	v50 =	vpop (erf);
	(erf) = vrcp.f32 v2;
	v2 =	vmax.f32 v4, $1.000000000e+00;
	v4 =	vld [tilespmem:$0x19BB0]  }
0xab: {  	[tilespmem:$0x19AB0] =	vst v49;
	v51 =	vpop (erf);
	(erf) = vrcp.f32 v2;
	v2 =	vmax.f32 v5, $1.000000000e+00;
	v5 =	vld [tilespmem:$0x19BC0]  }
0xac: {  	[tilespmem:$0x19AC0] =	vst v50;
	v52 =	vpop (erf);
	(erf) = vrcp.f32 v2;
	v2 =	vmax.f32 v6, $1.000000000e+00;
	v6 =	vld [tilespmem:$0x19BD0]  }
0xad: {  	[tilespmem:$0x19AD0] =	vst v51;
	v53 =	vpop (erf);
	(erf) = vrcp.f32 v2;
	v2 =	vmax.f32 v7, $1.000000000e+00;
	v7 =	vld [tilespmem:$0x19BE0]  }
0xae: {  	[tilespmem:$0x19AE0] =	vst v52;
	v54 =	vpop (erf);
	(erf) = vrcp.f32 v2;
	v2 =	vmax.f32 v3, $1.000000000e+00;
	v3 =	vld [tilespmem:$0x19BF0]  }
0xaf: {  	[tilespmem:$0x19AF0] =	vst v53;
	v55 =	vpop (erf);
	(erf) = vrcp.f32 v2;
	v2 =	vmax.f32 v4, $1.000000000e+00;
	v4 =	vld [tilespmem:$0x19C00]  }
0xb0: {  	[tilespmem:$0x19B00] =	vst v54;
	v56 =	vpop (erf);
	(erf) = vrcp.f32 v2;
	v2 =	vmax.f32 v5, $1.000000000e+00;
	v5 =	vld [tilespmem:$0x19C10]  }
0xb1: {  	[tilespmem:$0x19B10] =	vst v55;
	v57 =	vpop (erf);
	(erf) = vrcp.f32 v2;
	v2 =	vmax.f32 v6, $1.000000000e+00;
	v6 =	vld [tilespmem:$0x19C20]  }
0xb2: {  	[tilespmem:$0x19B20] =	vst v56;
	v58 =	vpop (erf);
	(erf) = vrcp.f32 v2;
	v2 =	vmax.f32 v7, $1.000000000e+00;
	v7 =	vld [tilespmem:$0x19C30]  }
0xb3: {  	[tilespmem:$0x19B30] =	vst v57;
	v59 =	vpop (erf);
	(erf) = vrcp.f32 v2;
	v2 =	vmax.f32 v3, $1.000000000e+00;
	v3 =	vld [tilespmem:$0x19C40]  }
0xb4: {  	[tilespmem:$0x19B40] =	vst v58;
	v60 =	vpop (erf);
	(erf) = vrcp.f32 v2;
	v2 =	vmax.f32 v4, $1.000000000e+00;
	v4 =	vld [tilespmem:$0x19C50]  }
0xb5: {  	[tilespmem:$0x19B50] =	vst v59;
	v61 =	vpop (erf);
	(erf) = vrcp.f32 v2;
	v2 =	vmax.f32 v5, $1.000000000e+00;
	v5 =	vld [tilespmem:$0x19C60]  }
0xb6: {  	[tilespmem:$0x19B60] =	vst v60;
	v62 =	vpop (erf);
	(erf) = vrcp.f32 v2;
	v2 =	vmax.f32 v6, $1.000000000e+00;
	v6 =	vld [tilespmem:$0x19C70]  }
0xb7: {  	[tilespmem:$0x19B70] =	vst v61;
	v63 =	vpop (erf);
	(erf) = vrcp.f32 v2;
	v2 =	vmax.f32 v7, $1.000000000e+00  }
0xb8: {  	[tilespmem:$0x19B80] =	vst v62;
	v7 =	vpop (erf);
	(erf) = vrcp.f32 v2;
	v2 =	vmax.f32 v3, $1.000000000e+00  }
0xb9: {  	[tilespmem:$0x19B90] =	vst v63;
	v3 =	vpop (erf);
	(erf) = vrcp.f32 v2;
	v2 =	vmax.f32 v4, $1.000000000e+00  }
0xba: {  	[tilespmem:$0x19BB0] =	vst v3;
	v3 =	vpop (erf);
	(erf) = vrcp.f32 v2;
	v2 =	vmax.f32 v5, $1.000000000e+00  }
0xbb: {  	[tilespmem:$0x19BC0] =	vst v3;
	v3 =	vpop (erf);
	(erf) = vrcp.f32 v2;
	v2 =	vmax.f32 v6, $1.000000000e+00  }
0xbc: {  	[tilespmem:$0x19BA0] =	vst v7  }
0xbd: {  	[tilespmem:$0x19BD0] =	vst v3;
	v3 =	vpop (erf);
	(erf) = vrcp.f32 v2  }
0xbe: {  	[tilespmem:$0x19BE0] =	vst v3;
	v2 =	vpop (erf)  }
0xbf: {  	v3 =	vpop (erf);
	[tilespmem:$0x19BF0] =	vst v2  }
0xc0: {  	v2 =	vpop (erf);
	[tilespmem:$0x19C00] =	vst v3  }
0xc1: {  	v3 =	vpop (erf);
	[tilespmem:$0x19C10] =	vst v2  }
0xc2: {  	v2 =	vpop (erf);
	[tilespmem:$0x19C20] =	vst v3  }
0xc3: {  	v3 =	vpop (erf);
	[tilespmem:$0x19C30] =	vst v2  }
0xc4: {  	v2 =	vpop (erf);
	[tilespmem:$0x19C40] =	vst v3  }
0xc5: {  	v3 =	vpop (erf);
	[tilespmem:$0x19C50] =	vst v2  }
0xc6: {  	[tilespmem:$0x19C60] =	vst v3;
	v2 =	vpop (erf)  }
0xc7: {  	[tilespmem:$0x19C70] =	vst v2  }
0xc8: {  	[spmem:s25] =	stream.linear.scatter [tilespmem:s6], [sflag:$0x6], $0x280, $0x38;
	[tilespmem:$0x19F00] =	vst v63  }
0xc9: {  	_ =	swait.ge [sflag:s8], $0x280  }
0xca: {  	[sflag:s8] =	ssyncset.done $0x0  }
0xcb: {  	[sflag:s8] =	ssyncadd.s32 $0xFFFFFD80  }
0xcc: {  	[bflag:$0x0] =	sbarrier.arrive $0xFFFF  }
0xcd: {  	[tilespmem:s17], [sflag:$0x6] =	stream.linear.gather [spmem:s23], $0x2800, $0x38;
	[tilespmem:$0x19F00] =	vst v63  }
0xce: {  	_ =	swait.ge [sflag:s8], $0x2800  }
0xcf: {  	[sflag:s8] =	ssyncset.done $0x0  }
0xd0: {  	[sflag:s8] =	ssyncadd.s32 $0xFFFFD800  }
0xd1: {  	_ =	swait.ge [sflag:s18], $0x7580  }
0xd2: {  	[sflag:s18] =	ssyncset.done $0x0  }
0xd3: {  	s4 =	rddreg [dreg:$0x5];
	[sflag:s18] =	ssyncadd.s32 $0xFFFF8A80  }
0xd4: {  	[tilespmem:s19], [sflag:$0x2] =	stream.linear.gather [hbm4b:s4+s1], $0xFA0, $0x38;
	[tilespmem:$0x19F00] =	vst v63  }
0xd5: {  	s4 =	rddreg [dreg:$0x6]  }
0xd6: {  	[tilespmem:s21], [sflag:$0x2] =	stream.linear.gather [hbm4b:s4+s1], $0xFA0, $0x38;
	[tilespmem:$0x19F00] =	vst v63  }
0xd7: {  	_ =	swait.ge [sflag:s10], $0xFA0  }
0xd8: {  	[sflag:s10] =	ssyncset.done $0x0  }
0xd9: {  	[sflag:s10] =	ssyncadd.s32 $0xFFFFF060  }
0xda: {  	_ =	swait.ge [sflag:s10], $0xFA0  }
0xdb: {  	[sflag:s10] =	ssyncset.done $0x0  }
0xdc: {  	s4 =	rddreg [dreg:$0x7];
	[sflag:s10] =	ssyncadd.s32 $0xFFFFF060  }
0xdd: {  	[tilespmem:s22], [sflag:$0x3] =	stream.linear.gather [hbm4b:s4+s1], $0xFA0, $0x38;
	[tilespmem:$0x19F00] =	vst v63  }
0xde: {  	s4 =	rddreg [dreg:$0x8]  }
0xdf: {  	[tilespmem:s24], [sflag:$0x3] =	stream.linear.gather [hbm4b:s4+s1], $0xFA0, $0x38;
	[tilespmem:$0x19F00] =	vst v63  }
0xe0: {  	s1 =	simm.s32 $0x0  }
0xe1: {  	v2 =	vld [tilespmem:s1+$0x11C00]  }
0xe2: {  	v3 =	vld [tilespmem:s1+$0xFC00];
	_ =	sdelay $0x6  }
0xe3: {  	v2 =	vld.idx.msk [tilespmem:v2+s17+$0x0], $0xffff  }
0xe4: {  	v4 =	vld.idx.msk [tilespmem:v3+s2+$0x0], $0xffff;
	_ =	sdelay $0x2  }
0xe5: {  	v5 =	vadd.s32 $0x2710, v3;
	_ =	sdelay $0x1  }
0xe6: {  	v4 =	vmul.f32 v4, v2;
	_ =	sdelay $0x1  }
0xe7: {  	[tilespmem:s1+$0x13C00] =	vst v4  }
0xe8: {  	v4 =	vld.idx.msk [tilespmem:v5+s2+$0x0], $0xffff;
	_ =	sdelay $0x2  }
0xe9: {  	v3 =	vadd.s32 $0x4E20, v3;
	_ =	sdelay $0x1  }
0xea: {  	v4 =	vmul.f32 v4, v2;
	_ =	sdelay $0x1  }
0xeb: {  	[tilespmem:s1+$0x14BA0] =	vst v4  }
0xec: {  	s4 =	simm.s32 $0x10;
	v4 =	vld.idx.msk [tilespmem:v3+s2+$0x0], $0xffff  }
0xed: {  	s3 =	simm.s32 $0x80;
	v3 =	vld [tilespmem:s4+$0x11C00]  }
.LBB2_4:
0xee: {  	p0 =	sne.s32 s3, $0x3E40;
	v5 =	vld [tilespmem:s4+$0xFC00];
	_ =	sdelay $0x3  }
0xef: {  	v2 =	vmul.f32 v4, v2;
	_ =	sdelay $0x1  }
0xf0: {  	[tilespmem:s1+$0x15B40] =	vst v2;
	s1 =	smov.u32 s4  }
0xf1: {  	v2 =	vld.idx.msk [tilespmem:v3+s17+$0x0], $0xffff  }
0xf2: {  	v3 =	vld.idx.msk [tilespmem:v5+s2+$0x0], $0xffff;
	_ =	sdelay $0x3  }
0xf3: {  	v4 =	vadd.s32 $0x2710, v5;
	_ =	sdelay $0x1  }
0xf4: {  	v3 =	vmul.f32 v3, v2;
	_ =	sdelay $0x1  }
0xf5: {  	[tilespmem:s1+$0x13C00] =	vst v3  }
0xf6: {  	v3 =	vld.idx.msk [tilespmem:v4+s2+$0x0], $0xffff;
	_ =	sdelay $0x3  }
0xf7: {  	v4 =	vadd.s32 $0x4E20, v5;
	_ =	sdelay $0x1  }
.Ltmp1:
0xf8: {  	v3 =	vmul.f32 v3, v2;
	(pc) =	sbr.rel @p0 .LBB2_4-.Ltmp1, $4  }
0xf9: {  	_ = 	snop  }
0xfa: {  	[tilespmem:s1+$0x14BA0] =	vst v3  }
0xfb: {  	s4 =	sshra.s32 s3, $0x2;
	v4 =	vld.idx.msk [tilespmem:v4+s2+$0x0], $0xffff  }
0xfc: {  	s3 =	sadd.s32 $0x40, s3;
	v3 =	vld [tilespmem:s4+$0x11C00]  }
0xfd: {  	_ = 	snop  }
0xfe: {  	v5 =	vld [tilespmem:s4+$0xFC00];
	_ =	sdelay $0x3  }
0xff: {  	v2 =	vmul.f32 v4, v2;
	_ =	sdelay $0x1  }
0x100: {  	[tilespmem:s1+$0x15B40] =	vst v2  }
0x101: {  	v2 =	vld.idx.msk [tilespmem:v3+s17+$0x0], $0xffff  }
0x102: {  	v3 =	vld.idx.msk [tilespmem:v5+s2+$0x0], $0xffff;
	_ =	sdelay $0x2  }
0x103: {  	v4 =	vadd.s32 $0x2710, v5;
	_ =	sdelay $0x1  }
0x104: {  	v3 =	vmul.f32 v3, v2;
	_ =	sdelay $0x1  }
0x105: {  	[tilespmem:s4+$0x13C00] =	vst v3  }
0x106: {  	v3 =	vld.idx.msk [tilespmem:v4+s2+$0x0], $0xffff;
	_ =	sdelay $0x2  }
0x107: {  	v4 =	vadd.s32 $0x4E20, v5;
	_ =	sdelay $0x1  }
0x108: {  	v3 =	vmul.f32 v3, v2;
	_ =	sdelay $0x1  }
0x109: {  	[tilespmem:s4+$0x14BA0] =	vst v3  }
0x10a: {  	v3 =	vld.idx.msk [tilespmem:v4+s2+$0x0], $0xffff;
	_ =	sdelay $0x4  }
0x10b: {  	v2 =	vmul.f32 v3, v2;
	_ =	sdelay $0x1  }
0x10c: {  	s1 =	simm.s32 $0x0;
	[tilespmem:s4+$0x15B40] =	vst v2  }
0x10d: {  	[hbm4b:s7+s1] =	stream.linear.scatter [tilespmem:s26], [sflag:$0x4], $0xFA0, $0x38;
	[tilespmem:$0x19F00] =	vst v63  }
0x10e: {  	s3 =	rddreg [dreg:$0x9]  }
0x10f: {  	[hbm4b:s3+s1] =	stream.linear.scatter [tilespmem:s28], [sflag:$0x4], $0xFA0, $0x38;
	[tilespmem:$0x19F00] =	vst v63  }
0x110: {  	s4 =	rddreg [dreg:$0x1e]  }
0x111: {  	[hbm4b:s4+s1] =	stream.linear.scatter [tilespmem:s29], [sflag:$0x4], $0xFA0, $0x38;
	[tilespmem:$0x19F00] =	vst v63  }
0x112: {  	_ =	swait.ge [sflag:s14], $0xFA0  }
0x113: {  	[sflag:s14] =	ssyncset.done $0x0  }
0x114: {  	[sflag:s14] =	ssyncadd.s32 $0xFFFFF060  }
0x115: {  	_ =	swait.ge [sflag:s14], $0xFA0  }
0x116: {  	[sflag:s14] =	ssyncset.done $0x0  }
0x117: {  	s4 =	rddreg [dreg:$0xa];
	[sflag:s14] =	ssyncadd.s32 $0xFFFFF060  }
0x118: {  	[tilespmem:s19], [sflag:$0x2] =	stream.linear.gather [hbm4b:s4+s1], $0xFA0, $0x38;
	[tilespmem:$0x19F00] =	vst v63  }
0x119: {  	s4 =	rddreg [dreg:$0xb]  }
0x11a: {  	[tilespmem:s21], [sflag:$0x2] =	stream.linear.gather [hbm4b:s4+s1], $0xFA0, $0x38;
	[tilespmem:$0x19F00] =	vst v63  }
0x11b: {  	s1 =	simm.s32 $0x0  }
0x11c: {  	v2 =	vld [tilespmem:s1+$0x12C00]  }
0x11d: {  	v3 =	vld [tilespmem:s1+$0x10C00];
	_ =	sdelay $0x6  }
0x11e: {  	v2 =	vld.idx.msk [tilespmem:v2+s17+$0x0], $0xffff  }
0x11f: {  	v4 =	vld.idx.msk [tilespmem:v3+s2+$0x0], $0xffff;
	_ =	sdelay $0x2  }
0x120: {  	v5 =	vadd.s32 $0x2710, v3;
	_ =	sdelay $0x1  }
0x121: {  	v4 =	vmul.f32 v4, v2;
	_ =	sdelay $0x1  }
0x122: {  	[tilespmem:s1+$0x16B00] =	vst v4  }
0x123: {  	v4 =	vld.idx.msk [tilespmem:v5+s2+$0x0], $0xffff;
	_ =	sdelay $0x2  }
0x124: {  	v3 =	vadd.s32 $0x4E20, v3;
	_ =	sdelay $0x1  }
0x125: {  	v4 =	vmul.f32 v4, v2;
	_ =	sdelay $0x1  }
0x126: {  	[tilespmem:s1+$0x17AA0] =	vst v4  }
0x127: {  	s4 =	simm.s32 $0x10;
	v4 =	vld.idx.msk [tilespmem:v3+s2+$0x0], $0xffff  }
0x128: {  	s3 =	simm.s32 $0x80;
	v3 =	vld [tilespmem:s4+$0x12C00]  }
.LBB2_6:
0x129: {  	p0 =	sne.s32 s3, $0x3E40;
	v5 =	vld [tilespmem:s4+$0x10C00];
	_ =	sdelay $0x3  }
0x12a: {  	v2 =	vmul.f32 v4, v2;
	_ =	sdelay $0x1  }
0x12b: {  	[tilespmem:s1+$0x18A40] =	vst v2;
	s1 =	smov.u32 s4  }
0x12c: {  	v2 =	vld.idx.msk [tilespmem:v3+s17+$0x0], $0xffff  }
0x12d: {  	v3 =	vld.idx.msk [tilespmem:v5+s2+$0x0], $0xffff;
	_ =	sdelay $0x3  }
0x12e: {  	v4 =	vadd.s32 $0x2710, v5;
	_ =	sdelay $0x1  }
0x12f: {  	v3 =	vmul.f32 v3, v2;
	_ =	sdelay $0x1  }
0x130: {  	[tilespmem:s1+$0x16B00] =	vst v3  }
0x131: {  	v3 =	vld.idx.msk [tilespmem:v4+s2+$0x0], $0xffff;
	_ =	sdelay $0x3  }
0x132: {  	v4 =	vadd.s32 $0x4E20, v5;
	_ =	sdelay $0x1  }
.Ltmp2:
0x133: {  	v3 =	vmul.f32 v3, v2;
	(pc) =	sbr.rel @p0 .LBB2_6-.Ltmp2, $4  }
0x134: {  	_ = 	snop  }
0x135: {  	[tilespmem:s1+$0x17AA0] =	vst v3  }
0x136: {  	s4 =	sshra.s32 s3, $0x2;
	v4 =	vld.idx.msk [tilespmem:v4+s2+$0x0], $0xffff  }
0x137: {  	s3 =	sadd.s32 $0x40, s3;
	v3 =	vld [tilespmem:s4+$0x12C00]  }
0x138: {  	_ = 	snop  }
0x139: {  	v5 =	vld [tilespmem:s4+$0x10C00];
	_ =	sdelay $0x3  }
0x13a: {  	v2 =	vmul.f32 v4, v2;
	_ =	sdelay $0x1  }
0x13b: {  	[tilespmem:s1+$0x18A40] =	vst v2  }
0x13c: {  	v2 =	vld.idx.msk [tilespmem:v3+s17+$0x0], $0xffff  }
0x13d: {  	v3 =	vld.idx.msk [tilespmem:v5+s2+$0x0], $0xffff;
	_ =	sdelay $0x2  }
0x13e: {  	v4 =	vadd.s32 $0x2710, v5;
	_ =	sdelay $0x1  }
0x13f: {  	v3 =	vmul.f32 v3, v2;
	_ =	sdelay $0x1  }
0x140: {  	[tilespmem:s4+$0x16B00] =	vst v3  }
0x141: {  	v3 =	vld.idx.msk [tilespmem:v4+s2+$0x0], $0xffff;
	_ =	sdelay $0x2  }
0x142: {  	v4 =	vadd.s32 $0x4E20, v5;
	_ =	sdelay $0x1  }
0x143: {  	v3 =	vmul.f32 v3, v2;
	_ =	sdelay $0x1  }
0x144: {  	[tilespmem:s4+$0x17AA0] =	vst v3  }
0x145: {  	v3 =	vld.idx.msk [tilespmem:v4+s2+$0x0], $0xffff;
	_ =	sdelay $0x4  }
0x146: {  	v2 =	vmul.f32 v3, v2;
	_ =	sdelay $0x1  }
0x147: {  	s3 =	rddreg [dreg:$0xc];
	s1 =	simm.s32 $0x0;
	[tilespmem:s4+$0x18A40] =	vst v2  }
0x148: {  	[hbm4b:s3+s1] =	stream.linear.scatter [tilespmem:s30], [sflag:$0x5], $0xFA0, $0x38;
	[tilespmem:$0x19F00] =	vst v63  }
0x149: {  	s4 =	rddreg [dreg:$0xd]  }
0x14a: {  	[hbm4b:s4+s1] =	stream.linear.scatter [tilespmem:s31], [sflag:$0x5], $0xFA0, $0x38;
	[tilespmem:$0x19F00] =	vst v63  }
0x14b: {  	s4 =	rddreg [dreg:$0x1f]  }
0x14c: {  	[hbm4b:s4+s1] =	stream.linear.scatter [tilespmem:s20], [sflag:$0x5], $0xFA0, $0x38;
	[tilespmem:$0x19F00] =	vst v63  }
0x14d: {  	_ =	swait.ge [sflag:s10], $0xFA0  }
0x14e: {  	[sflag:s10] =	ssyncset.done $0x0  }
0x14f: {  	[sflag:s10] =	ssyncadd.s32 $0xFFFFF060  }
0x150: {  	_ =	swait.ge [sflag:s10], $0xFA0  }
0x151: {  	[sflag:s10] =	ssyncset.done $0x0  }
0x152: {  	s4 =	rddreg [dreg:$0xe];
	[sflag:s10] =	ssyncadd.s32 $0xFFFFF060  }
0x153: {  	[tilespmem:s22], [sflag:$0x3] =	stream.linear.gather [hbm4b:s4+s1], $0xFA0, $0x38;
	[tilespmem:$0x19F00] =	vst v63  }
0x154: {  	s4 =	rddreg [dreg:$0xf]  }
0x155: {  	[tilespmem:s24], [sflag:$0x3] =	stream.linear.gather [hbm4b:s4+s1], $0xFA0, $0x38;
	[tilespmem:$0x19F00] =	vst v63  }
0x156: {  	_ =	swait.ge [sflag:s15], $0xFA0  }
0x157: {  	[sflag:s15] =	ssyncset.done $0x0  }
0x158: {  	[sflag:s15] =	ssyncadd.s32 $0xFFFFF060  }
0x159: {  	_ =	swait.ge [sflag:s15], $0xFA0  }
0x15a: {  	[sflag:s15] =	ssyncset.done $0x0  }
0x15b: {  	[sflag:s15] =	ssyncadd.s32 $0xFFFFF060  }
0x15c: {  	_ =	swait.ge [sflag:s15], $0xFA0  }
0x15d: {  	[sflag:s15] =	ssyncset.done $0x0  }
0x15e: {  	s1 =	simm.s32 $0x0;
	[sflag:s15] =	ssyncadd.s32 $0xFFFFF060  }
0x15f: {  	v2 =	vld [tilespmem:s1+$0x11C00]  }
0x160: {  	v3 =	vld [tilespmem:s1+$0xFC00];
	_ =	sdelay $0x6  }
0x161: {  	v2 =	vld.idx.msk [tilespmem:v2+s17+$0x0], $0xffff  }
0x162: {  	v4 =	vld.idx.msk [tilespmem:v3+s2+$0x0], $0xffff;
	_ =	sdelay $0x2  }
0x163: {  	v5 =	vadd.s32 $0x2710, v3;
	_ =	sdelay $0x1  }
0x164: {  	v4 =	vmul.f32 v4, v2;
	_ =	sdelay $0x1  }
0x165: {  	[tilespmem:s1+$0x13C00] =	vst v4  }
0x166: {  	v4 =	vld.idx.msk [tilespmem:v5+s2+$0x0], $0xffff;
	_ =	sdelay $0x2  }
0x167: {  	v3 =	vadd.s32 $0x4E20, v3;
	_ =	sdelay $0x1  }
0x168: {  	v4 =	vmul.f32 v4, v2;
	_ =	sdelay $0x1  }
0x169: {  	[tilespmem:s1+$0x14BA0] =	vst v4  }
0x16a: {  	s4 =	simm.s32 $0x10;
	v4 =	vld.idx.msk [tilespmem:v3+s2+$0x0], $0xffff  }
0x16b: {  	s3 =	simm.s32 $0x80;
	v3 =	vld [tilespmem:s4+$0x11C00]  }
.LBB2_8:
0x16c: {  	p0 =	sne.s32 s3, $0x3E40;
	v5 =	vld [tilespmem:s4+$0xFC00];
	_ =	sdelay $0x3  }
0x16d: {  	v2 =	vmul.f32 v4, v2;
	_ =	sdelay $0x1  }
0x16e: {  	[tilespmem:s1+$0x15B40] =	vst v2;
	s1 =	smov.u32 s4  }
0x16f: {  	v2 =	vld.idx.msk [tilespmem:v3+s17+$0x0], $0xffff  }
0x170: {  	v3 =	vld.idx.msk [tilespmem:v5+s2+$0x0], $0xffff;
	_ =	sdelay $0x3  }
0x171: {  	v4 =	vadd.s32 $0x2710, v5;
	_ =	sdelay $0x1  }
0x172: {  	v3 =	vmul.f32 v3, v2;
	_ =	sdelay $0x1  }
0x173: {  	[tilespmem:s1+$0x13C00] =	vst v3  }
0x174: {  	v3 =	vld.idx.msk [tilespmem:v4+s2+$0x0], $0xffff;
	_ =	sdelay $0x3  }
0x175: {  	v4 =	vadd.s32 $0x4E20, v5;
	_ =	sdelay $0x1  }
.Ltmp3:
0x176: {  	v3 =	vmul.f32 v3, v2;
	(pc) =	sbr.rel @p0 .LBB2_8-.Ltmp3, $4  }
0x177: {  	_ = 	snop  }
0x178: {  	[tilespmem:s1+$0x14BA0] =	vst v3  }
0x179: {  	s4 =	sshra.s32 s3, $0x2;
	v4 =	vld.idx.msk [tilespmem:v4+s2+$0x0], $0xffff  }
0x17a: {  	s3 =	sadd.s32 $0x40, s3;
	v3 =	vld [tilespmem:s4+$0x11C00]  }
0x17b: {  	_ = 	snop  }
0x17c: {  	v5 =	vld [tilespmem:s4+$0xFC00];
	_ =	sdelay $0x3  }
0x17d: {  	v2 =	vmul.f32 v4, v2;
	_ =	sdelay $0x1  }
0x17e: {  	[tilespmem:s1+$0x15B40] =	vst v2  }
0x17f: {  	v2 =	vld.idx.msk [tilespmem:v3+s17+$0x0], $0xffff  }
0x180: {  	v3 =	vld.idx.msk [tilespmem:v5+s2+$0x0], $0xffff;
	_ =	sdelay $0x2  }
0x181: {  	v4 =	vadd.s32 $0x2710, v5;
	_ =	sdelay $0x1  }
0x182: {  	v3 =	vmul.f32 v3, v2;
	_ =	sdelay $0x1  }
0x183: {  	[tilespmem:s4+$0x13C00] =	vst v3  }
0x184: {  	v3 =	vld.idx.msk [tilespmem:v4+s2+$0x0], $0xffff;
	_ =	sdelay $0x2  }
0x185: {  	v4 =	vadd.s32 $0x4E20, v5;
	_ =	sdelay $0x1  }
0x186: {  	v3 =	vmul.f32 v3, v2;
	_ =	sdelay $0x1  }
0x187: {  	[tilespmem:s4+$0x14BA0] =	vst v3  }
0x188: {  	v3 =	vld.idx.msk [tilespmem:v4+s2+$0x0], $0xffff;
	_ =	sdelay $0x4  }
0x189: {  	v2 =	vmul.f32 v3, v2;
	_ =	sdelay $0x1  }
0x18a: {  	s3 =	rddreg [dreg:$0x10];
	s1 =	simm.s32 $0x0;
	[tilespmem:s4+$0x15B40] =	vst v2  }
0x18b: {  	[hbm4b:s3+s1] =	stream.linear.scatter [tilespmem:s26], [sflag:$0x4], $0xFA0, $0x38;
	[tilespmem:$0x19F00] =	vst v63  }
0x18c: {  	s4 =	rddreg [dreg:$0x11]  }
0x18d: {  	[hbm4b:s4+s1] =	stream.linear.scatter [tilespmem:s28], [sflag:$0x4], $0xFA0, $0x38;
	[tilespmem:$0x19F00] =	vst v63  }
0x18e: {  	s4 =	sld [smem:$0x7FC];
	_ =	sdelay $0x2  }
0x18f: {  	[hbm4b:s4+s1] =	stream.linear.scatter [tilespmem:s29], [sflag:$0x4], $0xFA0, $0x38;
	[tilespmem:$0x19F00] =	vst v63  }
0x190: {  	_ =	swait.ge [sflag:s14], $0xFA0  }
0x191: {  	[sflag:s14] =	ssyncset.done $0x0  }
0x192: {  	[sflag:s14] =	ssyncadd.s32 $0xFFFFF060  }
0x193: {  	_ =	swait.ge [sflag:s14], $0xFA0  }
0x194: {  	[sflag:s14] =	ssyncset.done $0x0  }
0x195: {  	s4 =	rddreg [dreg:$0x12];
	[sflag:s14] =	ssyncadd.s32 $0xFFFFF060  }
0x196: {  	[tilespmem:s19], [sflag:$0x2] =	stream.linear.gather [hbm4b:s4+s1], $0xFA0, $0x38;
	[tilespmem:$0x19F00] =	vst v63  }
0x197: {  	s4 =	rddreg [dreg:$0x13]  }
0x198: {  	[tilespmem:s21], [sflag:$0x2] =	stream.linear.gather [hbm4b:s4+s1], $0xFA0, $0x38;
	[tilespmem:$0x19F00] =	vst v63  }
0x199: {  	_ =	swait.ge [sflag:s16], $0xFA0  }
0x19a: {  	[sflag:s16] =	ssyncset.done $0x0  }
0x19b: {  	[sflag:s16] =	ssyncadd.s32 $0xFFFFF060  }
0x19c: {  	_ =	swait.ge [sflag:s16], $0xFA0  }
0x19d: {  	[sflag:s16] =	ssyncset.done $0x0  }
0x19e: {  	[sflag:s16] =	ssyncadd.s32 $0xFFFFF060  }
0x19f: {  	_ =	swait.ge [sflag:s16], $0xFA0  }
0x1a0: {  	[sflag:s16] =	ssyncset.done $0x0  }
0x1a1: {  	s1 =	simm.s32 $0x0;
	[sflag:s16] =	ssyncadd.s32 $0xFFFFF060  }
0x1a2: {  	v2 =	vld [tilespmem:s1+$0x12C00]  }
0x1a3: {  	v3 =	vld [tilespmem:s1+$0x10C00];
	_ =	sdelay $0x6  }
0x1a4: {  	v2 =	vld.idx.msk [tilespmem:v2+s17+$0x0], $0xffff  }
0x1a5: {  	v4 =	vld.idx.msk [tilespmem:v3+s2+$0x0], $0xffff;
	_ =	sdelay $0x2  }
0x1a6: {  	v5 =	vadd.s32 $0x2710, v3;
	_ =	sdelay $0x1  }
0x1a7: {  	v4 =	vmul.f32 v4, v2;
	_ =	sdelay $0x1  }
0x1a8: {  	[tilespmem:s1+$0x16B00] =	vst v4  }
0x1a9: {  	v4 =	vld.idx.msk [tilespmem:v5+s2+$0x0], $0xffff;
	_ =	sdelay $0x2  }
0x1aa: {  	v3 =	vadd.s32 $0x4E20, v3;
	_ =	sdelay $0x1  }
0x1ab: {  	v4 =	vmul.f32 v4, v2;
	_ =	sdelay $0x1  }
0x1ac: {  	[tilespmem:s1+$0x17AA0] =	vst v4  }
0x1ad: {  	s4 =	simm.s32 $0x10;
	v4 =	vld.idx.msk [tilespmem:v3+s2+$0x0], $0xffff  }
0x1ae: {  	s3 =	simm.s32 $0x80;
	v3 =	vld [tilespmem:s4+$0x12C00]  }
.LBB2_10:
0x1af: {  	p0 =	sne.s32 s3, $0x3E40;
	v5 =	vld [tilespmem:s4+$0x10C00];
	_ =	sdelay $0x3  }
0x1b0: {  	v2 =	vmul.f32 v4, v2;
	_ =	sdelay $0x1  }
0x1b1: {  	[tilespmem:s1+$0x18A40] =	vst v2;
	s1 =	smov.u32 s4  }
0x1b2: {  	v2 =	vld.idx.msk [tilespmem:v3+s17+$0x0], $0xffff  }
0x1b3: {  	v3 =	vld.idx.msk [tilespmem:v5+s2+$0x0], $0xffff;
	_ =	sdelay $0x3  }
0x1b4: {  	v4 =	vadd.s32 $0x2710, v5;
	_ =	sdelay $0x1  }
0x1b5: {  	v3 =	vmul.f32 v3, v2;
	_ =	sdelay $0x1  }
0x1b6: {  	[tilespmem:s1+$0x16B00] =	vst v3  }
0x1b7: {  	v3 =	vld.idx.msk [tilespmem:v4+s2+$0x0], $0xffff;
	_ =	sdelay $0x3  }
0x1b8: {  	v4 =	vadd.s32 $0x4E20, v5;
	_ =	sdelay $0x1  }
.Ltmp4:
0x1b9: {  	v3 =	vmul.f32 v3, v2;
	(pc) =	sbr.rel @p0 .LBB2_10-.Ltmp4, $4  }
0x1ba: {  	_ = 	snop  }
0x1bb: {  	[tilespmem:s1+$0x17AA0] =	vst v3  }
0x1bc: {  	s4 =	sshra.s32 s3, $0x2;
	v4 =	vld.idx.msk [tilespmem:v4+s2+$0x0], $0xffff  }
0x1bd: {  	s3 =	sadd.s32 $0x40, s3;
	v3 =	vld [tilespmem:s4+$0x12C00]  }
0x1be: {  	_ = 	snop  }
0x1bf: {  	v5 =	vld [tilespmem:s4+$0x10C00];
	_ =	sdelay $0x3  }
0x1c0: {  	v2 =	vmul.f32 v4, v2;
	_ =	sdelay $0x1  }
0x1c1: {  	[tilespmem:s1+$0x18A40] =	vst v2  }
0x1c2: {  	v2 =	vld.idx.msk [tilespmem:v3+s17+$0x0], $0xffff  }
0x1c3: {  	v3 =	vld.idx.msk [tilespmem:v5+s2+$0x0], $0xffff;
	_ =	sdelay $0x2  }
0x1c4: {  	v4 =	vadd.s32 $0x2710, v5;
	_ =	sdelay $0x1  }
0x1c5: {  	v3 =	vmul.f32 v3, v2;
	_ =	sdelay $0x1  }
0x1c6: {  	[tilespmem:s4+$0x16B00] =	vst v3  }
0x1c7: {  	v3 =	vld.idx.msk [tilespmem:v4+s2+$0x0], $0xffff;
	_ =	sdelay $0x2  }
0x1c8: {  	v4 =	vadd.s32 $0x4E20, v5;
	_ =	sdelay $0x1  }
0x1c9: {  	v3 =	vmul.f32 v3, v2;
	_ =	sdelay $0x1  }
0x1ca: {  	[tilespmem:s4+$0x17AA0] =	vst v3  }
0x1cb: {  	v3 =	vld.idx.msk [tilespmem:v4+s2+$0x0], $0xffff;
	_ =	sdelay $0x4  }
0x1cc: {  	v2 =	vmul.f32 v3, v2;
	_ =	sdelay $0x1  }
0x1cd: {  	s3 =	rddreg [dreg:$0x14];
	s1 =	simm.s32 $0x0;
	[tilespmem:s4+$0x18A40] =	vst v2  }
0x1ce: {  	[hbm4b:s3+s1] =	stream.linear.scatter [tilespmem:s30], [sflag:$0x5], $0xFA0, $0x38;
	[tilespmem:$0x19F00] =	vst v63  }
0x1cf: {  	s4 =	rddreg [dreg:$0x15]  }
0x1d0: {  	[hbm4b:s4+s1] =	stream.linear.scatter [tilespmem:s31], [sflag:$0x5], $0xFA0, $0x38;
	[tilespmem:$0x19F00] =	vst v63  }
0x1d1: {  	s4 =	sld [smem:$0x7FD];
	_ =	sdelay $0x2  }
0x1d2: {  	[hbm4b:s4+s1] =	stream.linear.scatter [tilespmem:s20], [sflag:$0x5], $0xFA0, $0x38;
	[tilespmem:$0x19F00] =	vst v63  }
0x1d3: {  	_ =	swait.ge [sflag:s10], $0xFA0  }
0x1d4: {  	[sflag:s10] =	ssyncset.done $0x0  }
0x1d5: {  	[sflag:s10] =	ssyncadd.s32 $0xFFFFF060  }
0x1d6: {  	_ =	swait.ge [sflag:s10], $0xFA0  }
0x1d7: {  	[sflag:s10] =	ssyncset.done $0x0  }
0x1d8: {  	[sflag:s10] =	ssyncadd.s32 $0xFFFFF060  }
0x1d9: {  	_ =	swait.ge [sflag:s15], $0xFA0  }
0x1da: {  	[sflag:s15] =	ssyncset.done $0x0  }
0x1db: {  	[sflag:s15] =	ssyncadd.s32 $0xFFFFF060  }
0x1dc: {  	_ =	swait.ge [sflag:s15], $0xFA0  }
0x1dd: {  	[sflag:s15] =	ssyncset.done $0x0  }
0x1de: {  	[sflag:s15] =	ssyncadd.s32 $0xFFFFF060  }
0x1df: {  	_ =	swait.ge [sflag:s15], $0xFA0  }
0x1e0: {  	[sflag:s15] =	ssyncset.done $0x0  }
0x1e1: {  	s1 =	simm.s32 $0x0;
	[sflag:s15] =	ssyncadd.s32 $0xFFFFF060  }
0x1e2: {  	v2 =	vld [tilespmem:s1+$0x11C00]  }
0x1e3: {  	v3 =	vld [tilespmem:s1+$0xFC00];
	_ =	sdelay $0x6  }
0x1e4: {  	v2 =	vld.idx.msk [tilespmem:v2+s17+$0x0], $0xffff  }
0x1e5: {  	v4 =	vld.idx.msk [tilespmem:v3+s2+$0x0], $0xffff;
	_ =	sdelay $0x2  }
0x1e6: {  	v5 =	vadd.s32 $0x2710, v3;
	_ =	sdelay $0x1  }
0x1e7: {  	v4 =	vmul.f32 v4, v2;
	_ =	sdelay $0x1  }
0x1e8: {  	[tilespmem:s1+$0x13C00] =	vst v4  }
0x1e9: {  	v4 =	vld.idx.msk [tilespmem:v5+s2+$0x0], $0xffff;
	_ =	sdelay $0x2  }
0x1ea: {  	v3 =	vadd.s32 $0x4E20, v3;
	_ =	sdelay $0x1  }
0x1eb: {  	v4 =	vmul.f32 v4, v2;
	_ =	sdelay $0x1  }
0x1ec: {  	[tilespmem:s1+$0x14BA0] =	vst v4  }
0x1ed: {  	s4 =	simm.s32 $0x10;
	v4 =	vld.idx.msk [tilespmem:v3+s2+$0x0], $0xffff  }
0x1ee: {  	s3 =	simm.s32 $0x80;
	v3 =	vld [tilespmem:s4+$0x11C00]  }
.LBB2_12:
0x1ef: {  	p0 =	sne.s32 s3, $0x3E40;
	v5 =	vld [tilespmem:s4+$0xFC00];
	_ =	sdelay $0x3  }
0x1f0: {  	v2 =	vmul.f32 v4, v2;
	_ =	sdelay $0x1  }
0x1f1: {  	[tilespmem:s1+$0x15B40] =	vst v2;
	s1 =	smov.u32 s4  }
0x1f2: {  	v2 =	vld.idx.msk [tilespmem:v3+s17+$0x0], $0xffff  }
0x1f3: {  	v3 =	vld.idx.msk [tilespmem:v5+s2+$0x0], $0xffff;
	_ =	sdelay $0x3  }
0x1f4: {  	v4 =	vadd.s32 $0x2710, v5;
	_ =	sdelay $0x1  }
0x1f5: {  	v3 =	vmul.f32 v3, v2;
	_ =	sdelay $0x1  }
0x1f6: {  	[tilespmem:s1+$0x13C00] =	vst v3  }
0x1f7: {  	v3 =	vld.idx.msk [tilespmem:v4+s2+$0x0], $0xffff;
	_ =	sdelay $0x3  }
0x1f8: {  	v4 =	vadd.s32 $0x4E20, v5;
	_ =	sdelay $0x1  }
.Ltmp5:
0x1f9: {  	v3 =	vmul.f32 v3, v2;
	(pc) =	sbr.rel @p0 .LBB2_12-.Ltmp5, $4  }
0x1fa: {  	_ = 	snop  }
0x1fb: {  	[tilespmem:s1+$0x14BA0] =	vst v3  }
0x1fc: {  	s4 =	sshra.s32 s3, $0x2;
	v4 =	vld.idx.msk [tilespmem:v4+s2+$0x0], $0xffff  }
0x1fd: {  	s3 =	sadd.s32 $0x40, s3;
	v3 =	vld [tilespmem:s4+$0x11C00]  }
0x1fe: {  	_ = 	snop  }
0x1ff: {  	v5 =	vld [tilespmem:s4+$0xFC00];
	_ =	sdelay $0x3  }
0x200: {  	v2 =	vmul.f32 v4, v2;
	_ =	sdelay $0x1  }
0x201: {  	[tilespmem:s1+$0x15B40] =	vst v2  }
0x202: {  	v2 =	vld.idx.msk [tilespmem:v3+s17+$0x0], $0xffff  }
0x203: {  	v3 =	vld.idx.msk [tilespmem:v5+s2+$0x0], $0xffff;
	_ =	sdelay $0x2  }
0x204: {  	v62 =	vadd.s32 $0x2710, v5;
	_ =	sdelay $0x1  }
0x205: {  	v3 =	vmul.f32 v3, v2;
	_ =	sdelay $0x1  }
0x206: {  	[tilespmem:s4+$0x13C00] =	vst v3  }
0x207: {  	v3 =	vld.idx.msk [tilespmem:v62+s2+$0x0], $0xffff;
	_ =	sdelay $0x2  }
0x208: {  	v63 =	vadd.s32 $0x4E20, v5;
	_ =	sdelay $0x1  }
0x209: {  	v3 =	vmul.f32 v3, v2;
	_ =	sdelay $0x1  }
0x20a: {  	[tilespmem:s4+$0x14BA0] =	vst v3  }
0x20b: {  	v3 =	vld.idx.msk [tilespmem:v63+s2+$0x0], $0xffff;
	_ =	sdelay $0x4  }
0x20c: {  	v2 =	vmul.f32 v3, v2;
	_ =	sdelay $0x1  }
0x20d: {  	[tilespmem:s4+$0x15B40] =	vst v2;
	s4 =	rddreg [dreg:$0x16]  }
0x20e: {  	[hbm4b:s4+s2] =	stream.linear.scatter [tilespmem:s26], [sflag:$0x4], $0xFA0, $0x38;
	[tilespmem:$0x19F00] =	vst v63  }
0x20f: {  	s3 =	rddreg [dreg:$0x17]  }
0x210: {  	[hbm4b:s3+s2] =	stream.linear.scatter [tilespmem:s28], [sflag:$0x4], $0xFA0, $0x38;
	[tilespmem:$0x19F00] =	vst v63  }
0x211: {  	_ = 	snop  }
0x212: {  	[hbm4b:s5+s2] =	stream.linear.scatter [tilespmem:s29], [sflag:$0x4], $0xFA0, $0x38;
	[tilespmem:$0x19F00] =	vst v63  }
0x213: {  	_ =	swait.ge [sflag:s16], $0xFA0  }
0x214: {  	[sflag:s16] =	ssyncset.done $0x0  }
0x215: {  	[sflag:s16] =	ssyncadd.s32 $0xFFFFF060  }
0x216: {  	_ =	swait.ge [sflag:s16], $0xFA0  }
0x217: {  	[sflag:s16] =	ssyncset.done $0x0  }
0x218: {  	[sflag:s16] =	ssyncadd.s32 $0xFFFFF060  }
0x219: {  	_ =	swait.ge [sflag:s16], $0xFA0  }
0x21a: {  	[sflag:s16] =	ssyncset.done $0x0  }
0x21b: {  	[sflag:s16] =	ssyncadd.s32 $0xFFFFF060  }
0x21c: {  	_ =	swait.ge [sflag:s15], $0xFA0  }
0x21d: {  	[sflag:s15] =	ssyncset.done $0x0  }
0x21e: {  	[sflag:s15] =	ssyncadd.s32 $0xFFFFF060  }
0x21f: {  	_ =	swait.ge [sflag:s15], $0xFA0  }
0x220: {  	[sflag:s15] =	ssyncset.done $0x0  }
0x221: {  	[sflag:s15] =	ssyncadd.s32 $0xFFFFF060  }
0x222: {  	_ =	swait.ge [sflag:s15], $0xFA0  }
0x223: {  	s0 =	sadd.s32 $0x1, s0;
	s4 =	rddreg [dreg:$0x1d]  }
0x224: {  	p0 =	sne.s32 s0, s4  }
.Ltmp6:
0x225: {  	_ = 	snop;
	(pc) =	sbr.rel @p0 .LBB2_1-.Ltmp6, $3  }
0x226: {  	_ =	sdelay $0x1  }
0x227: {  	[sflag:s15] =	ssyncset.done $0x0  }
0x228: {  	[sflag:s15] =	ssyncadd.s32 $0xFFFFF060  }
0x229: {  	_ =	sfence.sel $0x180000  }
0x22a: {  	[bflag:$0x0] =	sbarrier.arrive $0xFFFF  }
0x22b: {  	_ =	strace $0x90000047  }
0x22c: {  	s0 =	stileid.u32;
	[bflag:$0x2] =	sbarrier.arrive $0xFFFF  }
0x22d: {  	p0 =	sne.s32 s0, $0x0;
	s0 =	rddreg [dreg:$0x4]  }
0x22e: {  	s0 =	sadd.s32 @!p0 $0x100000, s0  }
0x22f: {  	[sflag:s0] =	ssyncadd.tile.s32 @!p0 $0x1;
	_ =	shalt  }
.Lfunc_end2:
_tile_overlayer_lowered:
.L_overlay_start_2:
0x230: {  	(tag) =	ssettag $0x2  }
0x231: {  	s0 =	rddreg [dreg:$0x0];
	s2 =	stileid.u32  }
0x232: {  	s1 =	rddreg [dreg:$0x1];
	p0 =	sne.s32 s2, $0x0  }
0x233: {  	s3 =	rddreg [dreg:$0x2];
	[bflag:$0x3] =	sbarrier.arrive $0xFFFF;
	s2 =	simm.s32 @!p0 $0x1C06  }
0x234: {  	[timem:s3], [sflag:s2] =	dma.local @!p0 [hbm:s0], s1  }
0x235: {  	s0 =	simm.s32 @!p0 $0x6  }
0x236: {  	_ =	swait.ge @!p0 [sflag:s0], s1  }
0x237: {  	s1 =	ssub.s32 @!p0 $0x0, s1;
	[sflag:s0] =	ssyncset.done @!p0 $0x0  }
0x238: {  	[sflag:s0] =	ssyncadd.s32 @!p0 s1  }
0x239: {  	[bflag:$0x3] =	sbarrier.arrive $0xFFFF  }
0x23a: {  	_ =	shalt  }

</sc_bundles>
